<compile_context>
chip_gen: v7x
topology: tpu7x:2x2x1
jax: 0.10.2.dev20260603
libtpu: 0.0.44.dev20260713+nightly
codegen_flags: <defaults>
</compile_context>

<pallas_src>
import jax
import jax.numpy as jnp
from jax import lax
from jax.experimental import pallas as pl
from jax.experimental.pallas import tpu as pltpu
from jax.experimental.pallas import tpu_sc as plsc

N = 50000
NP = 50048
E = 800000
D = 64
H = 32

NC = 2
NS = 16
BG = 128
NSUB = 3
CHUNKS = 132
EDGES_PER_TILE = CHUNKS * NSUB * BG
E_PAD = NS * EDGES_PER_TILE
ROWS_PER_TILE = NP // NS
BLOCKS = NS * CHUNKS

BM = ROWS_PER_TILE


def _tc_body(x_ref, wrel_ref, wroot_ref, b_ref,
             ylo_ref, yhi_ref, blo_ref, bhi_ref):
    x = x_ref[...]
    y = jnp.dot(x, wrel_ref[...], preferred_element_type=jnp.float32)
    base = jnp.dot(x, wroot_ref[...], preferred_element_type=jnp.float32)
    base = base + b_ref[...]
    ylo_ref[...] = y[:, :H]
    yhi_ref[...] = y[:, H:]
    blo_ref[...] = base[:, :H]
    bhi_ref[...] = base[:, H:]


def _tc_stage(features, W_rel, b_rel, W_root):
    grid = (NP // BM,)
    half = jax.ShapeDtypeStruct((NP, H), jnp.float32)
    return pl.pallas_call(
        _tc_body,
        grid=grid,
        in_specs=[
            pl.BlockSpec((BM, D), lambda i: (i, 0)),
            pl.BlockSpec((D, D), lambda i: (0, 0)),
            pl.BlockSpec((D, D), lambda i: (0, 0)),
            pl.BlockSpec((1, D), lambda i: (0, 0)),
        ],
        out_specs=[pl.BlockSpec((BM, H), lambda i: (i, 0))] * 4,
        out_shape=[half, half, half, half],
    )(features, W_rel, W_root, b_rel.reshape(1, D))


def _sc_body(ylo, yhi, blo, bhi, src_hbm, dst_hbm, out_lo, out_hi,
             acc, src_buf, dst_buf, rows, gsem, ssem):
    c = lax.axis_index("c")
    s = lax.axis_index("s")
    stripe = pl.ds(s * ROWS_PER_TILE, ROWS_PER_TILE)

    @pl.when(c == 0)
    def _():
        pltpu.sync_copy(blo.at[stripe], acc.at[stripe])

    @pl.when(c == 1)
    def _():
        pltpu.sync_copy(bhi.at[stripe], acc.at[stripe])

    plsc.subcore_barrier()

    def edge_loop(y_tab):
        def fire_gather(k, p):
            pltpu.sync_copy(src_hbm.at[s * CHUNKS + k], src_buf.at[p])
            pltpu.sync_copy(dst_hbm.at[s * CHUNKS + k], dst_buf.at[p])
            for j in range(NSUB):
                pltpu.async_copy(
                    y_tab.at[src_buf.at[p, pl.ds(j * BG, BG)]],
                    rows.at[p, j], gsem[p])

        def wait_gather(p):
            for j in range(NSUB):
                pltpu.make_async_copy(
                    y_tab.at[src_buf.at[p, pl.ds(j * BG, BG)]],
                    rows.at[p, j], gsem[p]).wait()

        def fire_scatter(p):
            for j in range(NSUB):
                pltpu.async_copy(
                    rows.at[p, j],
                    acc.at[dst_buf.at[p, pl.ds(j * BG, BG)]],
                    ssem[p], add=True)

        def wait_scatter(p):
            for j in range(NSUB):
                pltpu.make_async_copy(
                    rows.at[p, j],
                    acc.at[dst_buf.at[p, pl.ds(j * BG, BG)]],
                    ssem[p]).wait()

        fire_gather(0, 0)
        fire_gather(1, 1)
        wait_gather(0)
        fire_scatter(0)

        def body(i, carry):
            k = 2 * i
            wait_scatter(0)
            fire_gather(k, 0)
            wait_gather(1)
            fire_scatter(1)
            wait_scatter(1)
            fire_gather(k + 1, 1)
            wait_gather(0)
            fire_scatter(0)
            return carry
        lax.fori_loop(1, CHUNKS // 2, body, 0)

        wait_gather(1)
        fire_scatter(1)
        wait_scatter(0)
        wait_scatter(1)

    @pl.when(c == 0)
    def _():
        edge_loop(ylo)

    @pl.when(c == 1)
    def _():
        edge_loop(yhi)

    plsc.subcore_barrier()

    @pl.when(c == 0)
    def _():
        pltpu.sync_copy(acc.at[stripe], out_lo.at[stripe])

    @pl.when(c == 1)
    def _():
        pltpu.sync_copy(acc.at[stripe], out_hi.at[stripe])


def _sc_stage(ylo, yhi, blo, bhi, src_blocks, dst_blocks):
    half = jax.ShapeDtypeStruct((NP, H), jnp.float32)
    mesh = plsc.VectorSubcoreMesh(core_axis_name="c", subcore_axis_name="s")
    run = pl.kernel(
        _sc_body,
        out_type=(half, half),
        mesh=mesh,
        compiler_params=pltpu.CompilerParams(use_tc_tiling_on_sc=False),
        scratch_types=[
            pltpu.VMEM_SHARED((NP, H), jnp.float32),
            pltpu.VMEM((2, NSUB * BG), jnp.int32),
            pltpu.VMEM((2, NSUB * BG), jnp.int32),
            pltpu.VMEM((2, NSUB, BG, H), jnp.float32),
            (pltpu.SemaphoreType.DMA, pltpu.SemaphoreType.DMA),
            (pltpu.SemaphoreType.DMA, pltpu.SemaphoreType.DMA),
        ],
    )
    return run(ylo, yhi, blo, bhi, src_blocks, dst_blocks)


@jax.jit
def kernel(features, edge_index, W_rel, b_rel, W_root):
    ylo, yhi, blo, bhi = _tc_stage(features, W_rel, b_rel, W_root)
    pad = E_PAD - E
    src = jnp.concatenate(
        [edge_index[0], jnp.zeros((pad,), jnp.int32)]
    ).reshape(BLOCKS, NSUB * BG)
    dst = jnp.concatenate(
        [edge_index[1], jnp.full((pad,), N, jnp.int32)]
    ).reshape(BLOCKS, NSUB * BG)
    out_lo, out_hi = _sc_stage(ylo, yhi, blo, bhi, src, dst)
    return jnp.concatenate([out_lo[:N], out_hi[:N]], axis=1)

# --- scband reference (transcript-rebuilt; emitter-appended) ---
"""Pipeline reference for scband-gat-41369124995108 (READ-ONLY COPY).

The authoritative reference and input builder live on the scoring server;
editing this copy changes nothing except your own understanding.
"""

import jax, jax.numpy as jnp
import numpy as np

N = 50000
E = 800000
D_IN = 64
D_OUT = 64

def setup_inputs(seed: int = 0) -> dict:
    key = jax.random.key(seed)
    k1, k2, k3, k4, k5 = jax.random.split(key, 5)
    features = jax.random.normal(k1, (N, D_IN), dtype=jnp.float32)
    edge_index = jax.random.randint(k2, (2, E), 0, N, dtype=jnp.int32)
    scale = 1.0 / np.sqrt(D_IN)
    # PyG GraphConv params: lin_rel (with bias) applied to aggregated neighbors,
    # lin_root (no bias) applied to root/self features.
    W_rel = jax.random.uniform(k3, (D_IN, D_OUT), minval=-scale, maxval=scale, dtype=jnp.float32)
    b_rel = jax.random.uniform(k4, (D_OUT,), minval=-scale, maxval=scale, dtype=jnp.float32)
    W_root = jax.random.uniform(k5, (D_IN, D_OUT), minval=-scale, maxval=scale, dtype=jnp.float32)
    return {"features": features, "edge_index": edge_index, "W_rel": W_rel, "b_rel": b_rel, "W_root": W_root}


def reference(features, edge_index, W_rel, b_rel, W_root):
    # GAT.forward in eval mode: dropout(p=0.3, training=False) is identity,
    # then GraphConv (Morris et al., aggr='add'):
    #   out_i = W_rel @ (sum_{j in N(i)} x_j) + b_rel + W_root @ x_i
    src = edge_index[0]
    dst = edge_index[1]
    msg = jnp.take(features, src, axis=0)              # gather x_j per edge
    agg = jax.ops.segment_sum(msg, dst, num_segments=features.shape[0])  # scatter-add to dst
    out = agg @ W_rel + b_rel + features @ W_root
    return out

if __name__ == "__main__":
    import jax
    _d = setup_inputs()
    print(jax.jit(kernel)(*tuple(_d.values())))

</pallas_src>

<mosaic_0001>
#map = affine_map<(d0, d1) -> (0, 0)>
module attributes {stable_mosaic.version = 14 : i64} {
  func.func @_sc_body(%arg0: i32, %arg1: i32, %arg2: memref<50048x32xf32, #tpu.memory_space<hbm>>, %arg3: memref<50048x32xf32, #tpu.memory_space<hbm>>, %arg4: memref<50048x32xf32, #tpu.memory_space<hbm>>, %arg5: memref<50048x32xf32, #tpu.memory_space<hbm>>, %arg6: memref<2112x384xi32, #tpu.memory_space<hbm>>, %arg7: memref<2112x384xi32, #tpu.memory_space<hbm>>, %arg8: memref<50048x32xf32, #tpu.memory_space<hbm>>, %arg9: memref<50048x32xf32, #tpu.memory_space<hbm>>, %arg10: memref<50048x32xf32, #tpu.memory_space<vmem_shared>>, %arg11: memref<2x384xi32, #tpu.memory_space<vmem>>, %arg12: memref<2x384xi32, #tpu.memory_space<vmem>>, %arg13: memref<2x3x128x32xf32, #tpu.memory_space<vmem>>, %arg14: memref<!tpu.dma_semaphore, #tpu.memory_space<semaphore_mem>>, %arg15: memref<!tpu.dma_semaphore, #tpu.memory_space<semaphore_mem>>, %arg16: memref<!tpu.dma_semaphore, #tpu.memory_space<semaphore_mem>>, %arg17: memref<!tpu.dma_semaphore, #tpu.memory_space<semaphore_mem>>) attributes {dimension_semantics = [#tpu.dimension_semantics<core_parallel>, #tpu.dimension_semantics<subcore_parallel>], iteration_bounds = array<i64: 2, 16>, scalar_prefetch = 0 : i64, scratch_operands = 8 : i64, tpu.core_type = #tpu.core_type<sc_vector_subcore>, window_params = [{transform_indices = #map}, {transform_indices = #map}, {transform_indices = #map}, {transform_indices = #map}, {transform_indices = #map}, {transform_indices = #map}, {transform_indices = #map}, {transform_indices = #map}]} {
    %mul3A = arith.constant 3128 : i32
    %mul3A_0 = arith.muli %arg1, %mul3A : i32
    %eq3A = arith.constant 0 : i32
    %eq3A_1 = arith.cmpi eq, %arg0, %eq3A : i32
    %convert_element_type3A = arith.extui %eq3A_1 : i1 to i32
    %cond3A = arith.constant 0 : i32
    %cond3A_2 = arith.cmpi ne, %convert_element_type3A, %cond3A : i32
    scf.if %cond3A_2 {
      "tpu.region"() ({
        %run_scoped3A = tpu.sem_alloc : memref<!tpu.dma_semaphore, #tpu.memory_space<semaphore_mem>>
        %dma_start3A = arith.constant 0 : i32
        %dma_start3A_29 = tpu.memref_slice %arg10[%mul3A_0, %dma_start3A] : memref<50048x32xf32, #tpu.memory_space<vmem_shared>> -> memref<3128x32xf32, #tpu.memory_space<vmem_shared>>
        %dma_start3A_30 = arith.constant 0 : i32
        %dma_start3A_31 = tpu.memref_slice %arg4[%mul3A_0, %dma_start3A_30] : memref<50048x32xf32, #tpu.memory_space<hbm>> -> memref<3128x32xf32, #tpu.memory_space<hbm>>
        tpu.enqueue_dma source(%dma_start3A_31 : memref<3128x32xf32, #tpu.memory_space<hbm>>) target(%dma_start3A_29 : memref<3128x32xf32, #tpu.memory_space<vmem_shared>>) target_semaphore(%run_scoped3A : memref<!tpu.dma_semaphore, #tpu.memory_space<semaphore_mem>>)
        %dma_wait3A = arith.constant 0 : i32
        %dma_wait3A_32 = tpu.memref_slice %arg10[%mul3A_0, %dma_wait3A] : memref<50048x32xf32, #tpu.memory_space<vmem_shared>> -> memref<3128x32xf32, #tpu.memory_space<vmem_shared>>
        %dma_wait3A_33 = arith.constant 0 : i32
        %dma_wait3A_34 = tpu.memref_slice %arg4[%mul3A_0, %dma_wait3A_33] : memref<50048x32xf32, #tpu.memory_space<hbm>> -> memref<3128x32xf32, #tpu.memory_space<hbm>>
        tpu.wait_dma2 semaphore(%run_scoped3A : memref<!tpu.dma_semaphore, #tpu.memory_space<semaphore_mem>>) src(%dma_wait3A_34 : memref<3128x32xf32, #tpu.memory_space<hbm>>) dst(%dma_wait3A_32 : memref<3128x32xf32, #tpu.memory_space<vmem_shared>>)
        tpu.yield
      }) : () -> ()
    } else {
    }
    %eq3A_3 = arith.constant 1 : i32
    %eq3A_4 = arith.cmpi eq, %arg0, %eq3A_3 : i32
    %convert_element_type3A_5 = arith.extui %eq3A_4 : i1 to i32
    %cond3A_6 = arith.constant 0 : i32
    %cond3A_7 = arith.cmpi ne, %convert_element_type3A_5, %cond3A_6 : i32
    scf.if %cond3A_7 {
      "tpu.region"() ({
        %run_scoped3A = tpu.sem_alloc : memref<!tpu.dma_semaphore, #tpu.memory_space<semaphore_mem>>
        %dma_start3A = arith.constant 0 : i32
        %dma_start3A_29 = tpu.memref_slice %arg10[%mul3A_0, %dma_start3A] : memref<50048x32xf32, #tpu.memory_space<vmem_shared>> -> memref<3128x32xf32, #tpu.memory_space<vmem_shared>>
        %dma_start3A_30 = arith.constant 0 : i32
        %dma_start3A_31 = tpu.memref_slice %arg5[%mul3A_0, %dma_start3A_30] : memref<50048x32xf32, #tpu.memory_space<hbm>> -> memref<3128x32xf32, #tpu.memory_space<hbm>>
        tpu.enqueue_dma source(%dma_start3A_31 : memref<3128x32xf32, #tpu.memory_space<hbm>>) target(%dma_start3A_29 : memref<3128x32xf32, #tpu.memory_space<vmem_shared>>) target_semaphore(%run_scoped3A : memref<!tpu.dma_semaphore, #tpu.memory_space<semaphore_mem>>)
        %dma_wait3A = arith.constant 0 : i32
        %dma_wait3A_32 = tpu.memref_slice %arg10[%mul3A_0, %dma_wait3A] : memref<50048x32xf32, #tpu.memory_space<vmem_shared>> -> memref<3128x32xf32, #tpu.memory_space<vmem_shared>>
        %dma_wait3A_33 = arith.constant 0 : i32
        %dma_wait3A_34 = tpu.memref_slice %arg5[%mul3A_0, %dma_wait3A_33] : memref<50048x32xf32, #tpu.memory_space<hbm>> -> memref<3128x32xf32, #tpu.memory_space<hbm>>
        tpu.wait_dma2 semaphore(%run_scoped3A : memref<!tpu.dma_semaphore, #tpu.memory_space<semaphore_mem>>) src(%dma_wait3A_34 : memref<3128x32xf32, #tpu.memory_space<hbm>>) dst(%dma_wait3A_32 : memref<3128x32xf32, #tpu.memory_space<vmem_shared>>)
        tpu.yield
      }) : () -> ()
    } else {
    }
    %barrier3A = arith.constant 0 : index
    tpu.barrier barrier_id(%barrier3A)
    %eq3A_8 = arith.constant 0 : i32
    %eq3A_9 = arith.cmpi eq, %arg0, %eq3A_8 : i32
    %convert_element_type3A_10 = arith.extui %eq3A_9 : i1 to i32
    %cond3A_11 = arith.constant 0 : i32
    %cond3A_12 = arith.cmpi ne, %convert_element_type3A_10, %cond3A_11 : i32
    scf.if %cond3A_12 {
      %mul3A_29 = arith.constant 132 : i32
      %mul3A_30 = arith.muli %arg1, %mul3A_29 : i32
      %add3A = arith.constant 0 : i32
      %add3A_31 = arith.addi %mul3A_30, %add3A : i32
      %run_scoped3A = arith.constant 0 : i32
      "tpu.region"() ({
        %run_scoped3A_362 = tpu.sem_alloc : memref<!tpu.dma_semaphore, #tpu.memory_space<semaphore_mem>>
        %dma_start3A_363 = arith.constant 0 : i32
        %dma_start3A_364 = tpu.memref_slice %arg11[%run_scoped3A, %dma_start3A_363] : memref<2x384xi32, #tpu.memory_space<vmem>> -> memref<1x384xi32, #tpu.memory_space<vmem>>
        %dma_start3A_365 = tpu.memref_squeeze %dma_start3A_364 : memref<1x384xi32, #tpu.memory_space<vmem>> -> memref<384xi32, #tpu.memory_space<vmem>>
        %dma_start3A_366 = arith.constant 0 : i32
        %dma_start3A_367 = tpu.memref_slice %arg6[%add3A_31, %dma_start3A_366] : memref<2112x384xi32, #tpu.memory_space<hbm>> -> memref<1x384xi32, #tpu.memory_space<hbm>>
        %dma_start3A_368 = tpu.memref_squeeze %dma_start3A_367 : memref<1x384xi32, #tpu.memory_space<hbm>> -> memref<384xi32, #tpu.memory_space<hbm>>
        %dma_start3A_369 = arith.constant 0 : i32
        %dma_start3A_370 = tpu.memref_slice %arg11[%run_scoped3A, %dma_start3A_369] : memref<2x384xi32, #tpu.memory_space<vmem>> -> memref<1x384xi32, #tpu.memory_space<vmem>>
        %dma_start3A_371 = tpu.memref_squeeze %dma_start3A_370 : memref<1x384xi32, #tpu.memory_space<vmem>> -> memref<384xi32, #tpu.memory_space<vmem>>
        %dma_start3A_372 = arith.constant 0 : i32
        %dma_start3A_373 = tpu.memref_slice %arg6[%add3A_31, %dma_start3A_372] : memref<2112x384xi32, #tpu.memory_space<hbm>> -> memref<1x384xi32, #tpu.memory_space<hbm>>
        %dma_start3A_374 = tpu.memref_squeeze %dma_start3A_373 : memref<1x384xi32, #tpu.memory_space<hbm>> -> memref<384xi32, #tpu.memory_space<hbm>>
        tpu.enqueue_dma source(%dma_start3A_374 : memref<384xi32, #tpu.memory_space<hbm>>) target(%dma_start3A_371 : memref<384xi32, #tpu.memory_space<vmem>>) target_semaphore(%run_scoped3A_362 : memref<!tpu.dma_semaphore, #tpu.memory_space<semaphore_mem>>)
        %dma_wait3A_375 = arith.constant 0 : i32
        %dma_wait3A_376 = tpu.memref_slice %arg11[%run_scoped3A, %dma_wait3A_375] : memref<2x384xi32, #tpu.memory_space<vmem>> -> memref<1x384xi32, #tpu.memory_space<vmem>>
        %dma_wait3A_377 = tpu.memref_squeeze %dma_wait3A_376 : memref<1x384xi32, #tpu.memory_space<vmem>> -> memref<384xi32, #tpu.memory_space<vmem>>
        %dma_wait3A_378 = arith.constant 0 : i32
        %dma_wait3A_379 = tpu.memref_slice %arg6[%add3A_31, %dma_wait3A_378] : memref<2112x384xi32, #tpu.memory_space<hbm>> -> memref<1x384xi32, #tpu.memory_space<hbm>>
        %dma_wait3A_380 = tpu.memref_squeeze %dma_wait3A_379 : memref<1x384xi32, #tpu.memory_space<hbm>> -> memref<384xi32, #tpu.memory_space<hbm>>
        %dma_wait3A_381 = arith.constant 0 : i32
        %dma_wait3A_382 = tpu.memref_slice %arg11[%run_scoped3A, %dma_wait3A_381] : memref<2x384xi32, #tpu.memory_space<vmem>> -> memref<1x384xi32, #tpu.memory_space<vmem>>
        %dma_wait3A_383 = tpu.memref_squeeze %dma_wait3A_382 : memref<1x384xi32, #tpu.memory_space<vmem>> -> memref<384xi32, #tpu.memory_space<vmem>>
        %dma_wait3A_384 = arith.constant 0 : i32
        %dma_wait3A_385 = tpu.memref_slice %arg6[%add3A_31, %dma_wait3A_384] : memref<2112x384xi32, #tpu.memory_space<hbm>> -> memref<1x384xi32, #tpu.memory_space<hbm>>
        %dma_wait3A_386 = tpu.memref_squeeze %dma_wait3A_385 : memref<1x384xi32, #tpu.memory_space<hbm>> -> memref<384xi32, #tpu.memory_space<hbm>>
        tpu.wait_dma2 semaphore(%run_scoped3A_362 : memref<!tpu.dma_semaphore, #tpu.memory_space<semaphore_mem>>) src(%dma_wait3A_386 : memref<384xi32, #tpu.memory_space<hbm>>) dst(%dma_wait3A_383 : memref<384xi32, #tpu.memory_space<vmem>>)
        tpu.yield
      }) : () -> ()
      %mul3A_32 = arith.constant 132 : i32
      %mul3A_33 = arith.muli %arg1, %mul3A_32 : i32
      %add3A_34 = arith.constant 0 : i32
      %add3A_35 = arith.addi %mul3A_33, %add3A_34 : i32
      %run_scoped3A_36 = arith.constant 0 : i32
      "tpu.region"() ({
        %run_scoped3A_362 = tpu.sem_alloc : memref<!tpu.dma_semaphore, #tpu.memory_space<semaphore_mem>>
        %dma_start3A_363 = arith.constant 0 : i32
        %dma_start3A_364 = tpu.memref_slice %arg12[%run_scoped3A_36, %dma_start3A_363] : memref<2x384xi32, #tpu.memory_space<vmem>> -> memref<1x384xi32, #tpu.memory_space<vmem>>
        %dma_start3A_365 = tpu.memref_squeeze %dma_start3A_364 : memref<1x384xi32, #tpu.memory_space<vmem>> -> memref<384xi32, #tpu.memory_space<vmem>>
        %dma_start3A_366 = arith.constant 0 : i32
        %dma_start3A_367 = tpu.memref_slice %arg7[%add3A_35, %dma_start3A_366] : memref<2112x384xi32, #tpu.memory_space<hbm>> -> memref<1x384xi32, #tpu.memory_space<hbm>>
        %dma_start3A_368 = tpu.memref_squeeze %dma_start3A_367 : memref<1x384xi32, #tpu.memory_space<hbm>> -> memref<384xi32, #tpu.memory_space<hbm>>
        %dma_start3A_369 = arith.constant 0 : i32
        %dma_start3A_370 = tpu.memref_slice %arg12[%run_scoped3A_36, %dma_start3A_369] : memref<2x384xi32, #tpu.memory_space<vmem>> -> memref<1x384xi32, #tpu.memory_space<vmem>>
        %dma_start3A_371 = tpu.memref_squeeze %dma_start3A_370 : memref<1x384xi32, #tpu.memory_space<vmem>> -> memref<384xi32, #tpu.memory_space<vmem>>
        %dma_start3A_372 = arith.constant 0 : i32
        %dma_start3A_373 = tpu.memref_slice %arg7[%add3A_35, %dma_start3A_372] : memref<2112x384xi32, #tpu.memory_space<hbm>> -> memref<1x384xi32, #tpu.memory_space<hbm>>
        %dma_start3A_374 = tpu.memref_squeeze %dma_start3A_373 : memref<1x384xi32, #tpu.memory_space<hbm>> -> memref<384xi32, #tpu.memory_space<hbm>>
        tpu.enqueue_dma source(%dma_start3A_374 : memref<384xi32, #tpu.memory_space<hbm>>) target(%dma_start3A_371 : memref<384xi32, #tpu.memory_space<vmem>>) target_semaphore(%run_scoped3A_362 : memref<!tpu.dma_semaphore, #tpu.memory_space<semaphore_mem>>)
        %dma_wait3A_375 = arith.constant 0 : i32
        %dma_wait3A_376 = tpu.memref_slice %arg12[%run_scoped3A_36, %dma_wait3A_375] : memref<2x384xi32, #tpu.memory_space<vmem>> -> memref<1x384xi32, #tpu.memory_space<vmem>>
        %dma_wait3A_377 = tpu.memref_squeeze %dma_wait3A_376 : memref<1x384xi32, #tpu.memory_space<vmem>> -> memref<384xi32, #tpu.memory_space<vmem>>
        %dma_wait3A_378 = arith.constant 0 : i32
        %dma_wait3A_379 = tpu.memref_slice %arg7[%add3A_35, %dma_wait3A_378] : memref<2112x384xi32, #tpu.memory_space<hbm>> -> memref<1x384xi32, #tpu.memory_space<hbm>>
        %dma_wait3A_380 = tpu.memref_squeeze %dma_wait3A_379 : memref<1x384xi32, #tpu.memory_space<hbm>> -> memref<384xi32, #tpu.memory_space<hbm>>
        %dma_wait3A_381 = arith.constant 0 : i32
        %dma_wait3A_382 = tpu.memref_slice %arg12[%run_scoped3A_36, %dma_wait3A_381] : memref<2x384xi32, #tpu.memory_space<vmem>> -> memref<1x384xi32, #tpu.memory_space<vmem>>
        %dma_wait3A_383 = tpu.memref_squeeze %dma_wait3A_382 : memref<1x384xi32, #tpu.memory_space<vmem>> -> memref<384xi32, #tpu.memory_space<vmem>>
        %dma_wait3A_384 = arith.constant 0 : i32
        %dma_wait3A_385 = tpu.memref_slice %arg7[%add3A_35, %dma_wait3A_384] : memref<2112x384xi32, #tpu.memory_space<hbm>> -> memref<1x384xi32, #tpu.memory_space<hbm>>
        %dma_wait3A_386 = tpu.memref_squeeze %dma_wait3A_385 : memref<1x384xi32, #tpu.memory_space<hbm>> -> memref<384xi32, #tpu.memory_space<hbm>>
        tpu.wait_dma2 semaphore(%run_scoped3A_362 : memref<!tpu.dma_semaphore, #tpu.memory_space<semaphore_mem>>) src(%dma_wait3A_386 : memref<384xi32, #tpu.memory_space<hbm>>) dst(%dma_wait3A_383 : memref<384xi32, #tpu.memory_space<vmem>>)
        tpu.yield
      }) : () -> ()
      %dma_start3A = arith.constant 0 : i32
      %dma_start3A_37 = arith.constant 0 : i32
      %dma_start3A_38 = arith.constant 0 : i32
      %dma_start3A_39 = arith.constant 0 : i32
      %dma_start3A_40 = arith.constant 0 : i32
      %dma_start3A_41 = tpu.memref_slice %arg13[%dma_start3A_37, %dma_start3A_38, %dma_start3A_39, %dma_start3A_40] : memref<2x3x128x32xf32, #tpu.memory_space<vmem>> -> memref<1x1x128x32xf32, #tpu.memory_space<vmem>>
      %dma_start3A_42 = tpu.memref_squeeze %dma_start3A_41 : memref<1x1x128x32xf32, #tpu.memory_space<vmem>> -> memref<128x32xf32, #tpu.memory_space<vmem>>
      %dma_start3A_43 = arith.constant 0 : i32
      %dma_start3A_44 = tpu.memref_slice %arg11[%dma_start3A, %dma_start3A_43] : memref<2x384xi32, #tpu.memory_space<vmem>> -> memref<1x128xi32, #tpu.memory_space<vmem>>
      %dma_start3A_45 = tpu.memref_squeeze %dma_start3A_44 : memref<1x128xi32, #tpu.memory_space<vmem>> -> memref<128xi32, #tpu.memory_space<vmem>>
      %dma_start3A_46 = arith.constant 0 : i32
      %dma_start3A_47 = arith.constant 0 : i32
      %dma_start3A_48 = tpu.memref_slice %arg2[%dma_start3A_46, %dma_start3A_47] : memref<50048x32xf32, #tpu.memory_space<hbm>> -> memref<50048x32xf32, #tpu.memory_space<hbm>>
      tpu.enqueue_indirect_dma source(%dma_start3A_48 : memref<50048x32xf32, #tpu.memory_space<hbm>>) target(%dma_start3A_42 : memref<128x32xf32, #tpu.memory_space<vmem>>) offsets(%dma_start3A_45 : memref<128xi32, #tpu.memory_space<vmem>>) semaphore(%arg14 : memref<!tpu.dma_semaphore, #tpu.memory_space<semaphore_mem>>)
      %dma_start3A_49 = arith.constant 0 : i32
      %dma_start3A_50 = arith.constant 0 : i32
      %dma_start3A_51 = arith.constant 1 : i32
      %dma_start3A_52 = arith.constant 0 : i32
      %dma_start3A_53 = arith.constant 0 : i32
      %dma_start3A_54 = tpu.memref_slice %arg13[%dma_start3A_50, %dma_start3A_51, %dma_start3A_52, %dma_start3A_53] : memref<2x3x128x32xf32, #tpu.memory_space<vmem>> -> memref<1x1x128x32xf32, #tpu.memory_space<vmem>>
      %dma_start3A_55 = tpu.memref_squeeze %dma_start3A_54 : memref<1x1x128x32xf32, #tpu.memory_space<vmem>> -> memref<128x32xf32, #tpu.memory_space<vmem>>
      %dma_start3A_56 = arith.constant 128 : i32
      %dma_start3A_57 = tpu.memref_slice %arg11[%dma_start3A_49, %dma_start3A_56] : memref<2x384xi32, #tpu.memory_space<vmem>> -> memref<1x128xi32, #tpu.memory_space<vmem>>
      %dma_start3A_58 = tpu.memref_squeeze %dma_start3A_57 : memref<1x128xi32, #tpu.memory_space<vmem>> -> memref<128xi32, #tpu.memory_space<vmem>>
      %dma_start3A_59 = arith.constant 0 : i32
      %dma_start3A_60 = arith.constant 0 : i32
      %dma_start3A_61 = tpu.memref_slice %arg2[%dma_start3A_59, %dma_start3A_60] : memref<50048x32xf32, #tpu.memory_space<hbm>> -> memref<50048x32xf32, #tpu.memory_space<hbm>>
      tpu.enqueue_indirect_dma source(%dma_start3A_61 : memref<50048x32xf32, #tpu.memory_space<hbm>>) target(%dma_start3A_55 : memref<128x32xf32, #tpu.memory_space<vmem>>) offsets(%dma_start3A_58 : memref<128xi32, #tpu.memory_space<vmem>>) semaphore(%arg14 : memref<!tpu.dma_semaphore, #tpu.memory_space<semaphore_mem>>)
      %dma_start3A_62 = arith.constant 0 : i32
      %dma_start3A_63 = arith.constant 0 : i32
      %dma_start3A_64 = arith.constant 2 : i32
      %dma_start3A_65 = arith.constant 0 : i32
      %dma_start3A_66 = arith.constant 0 : i32
      %dma_start3A_67 = tpu.memref_slice %arg13[%dma_start3A_63, %dma_start3A_64, %dma_start3A_65, %dma_start3A_66] : memref<2x3x128x32xf32, #tpu.memory_space<vmem>> -> memref<1x1x128x32xf32, #tpu.memory_space<vmem>>
      %dma_start3A_68 = tpu.memref_squeeze %dma_start3A_67 : memref<1x1x128x32xf32, #tpu.memory_space<vmem>> -> memref<128x32xf32, #tpu.memory_space<vmem>>
      %dma_start3A_69 = arith.constant 256 : i32
      %dma_start3A_70 = tpu.memref_slice %arg11[%dma_start3A_62, %dma_start3A_69] : memref<2x384xi32, #tpu.memory_space<vmem>> -> memref<1x128xi32, #tpu.memory_space<vmem>>
      %dma_start3A_71 = tpu.memref_squeeze %dma_start3A_70 : memref<1x128xi32, #tpu.memory_space<vmem>> -> memref<128xi32, #tpu.memory_space<vmem>>
      %dma_start3A_72 = arith.constant 0 : i32
      %dma_start3A_73 = arith.constant 0 : i32
      %dma_start3A_74 = tpu.memref_slice %arg2[%dma_start3A_72, %dma_start3A_73] : memref<50048x32xf32, #tpu.memory_space<hbm>> -> memref<50048x32xf32, #tpu.memory_space<hbm>>
      tpu.enqueue_indirect_dma source(%dma_start3A_74 : memref<50048x32xf32, #tpu.memory_space<hbm>>) target(%dma_start3A_68 : memref<128x32xf32, #tpu.memory_space<vmem>>) offsets(%dma_start3A_71 : memref<128xi32, #tpu.memory_space<vmem>>) semaphore(%arg14 : memref<!tpu.dma_semaphore, #tpu.memory_space<semaphore_mem>>)
      %mul3A_75 = arith.constant 132 : i32
      %mul3A_76 = arith.muli %arg1, %mul3A_75 : i32
      %add3A_77 = arith.constant 1 : i32
      %add3A_78 = arith.addi %mul3A_76, %add3A_77 : i32
      %run_scoped3A_79 = arith.constant 1 : i32
      "tpu.region"() ({
        %run_scoped3A_362 = tpu.sem_alloc : memref<!tpu.dma_semaphore, #tpu.memory_space<semaphore_mem>>
        %dma_start3A_363 = arith.constant 0 : i32
        %dma_start3A_364 = tpu.memref_slice %arg11[%run_scoped3A_79, %dma_start3A_363] : memref<2x384xi32, #tpu.memory_space<vmem>> -> memref<1x384xi32, #tpu.memory_space<vmem>>
        %dma_start3A_365 = tpu.memref_squeeze %dma_start3A_364 : memref<1x384xi32, #tpu.memory_space<vmem>> -> memref<384xi32, #tpu.memory_space<vmem>>
        %dma_start3A_366 = arith.constant 0 : i32
        %dma_start3A_367 = tpu.memref_slice %arg6[%add3A_78, %dma_start3A_366] : memref<2112x384xi32, #tpu.memory_space<hbm>> -> memref<1x384xi32, #tpu.memory_space<hbm>>
        %dma_start3A_368 = tpu.memref_squeeze %dma_start3A_367 : memref<1x384xi32, #tpu.memory_space<hbm>> -> memref<384xi32, #tpu.memory_space<hbm>>
        %dma_start3A_369 = arith.constant 0 : i32
        %dma_start3A_370 = tpu.memref_slice %arg11[%run_scoped3A_79, %dma_start3A_369] : memref<2x384xi32, #tpu.memory_space<vmem>> -> memref<1x384xi32, #tpu.memory_space<vmem>>
        %dma_start3A_371 = tpu.memref_squeeze %dma_start3A_370 : memref<1x384xi32, #tpu.memory_space<vmem>> -> memref<384xi32, #tpu.memory_space<vmem>>
        %dma_start3A_372 = arith.constant 0 : i32
        %dma_start3A_373 = tpu.memref_slice %arg6[%add3A_78, %dma_start3A_372] : memref<2112x384xi32, #tpu.memory_space<hbm>> -> memref<1x384xi32, #tpu.memory_space<hbm>>
        %dma_start3A_374 = tpu.memref_squeeze %dma_start3A_373 : memref<1x384xi32, #tpu.memory_space<hbm>> -> memref<384xi32, #tpu.memory_space<hbm>>
        tpu.enqueue_dma source(%dma_start3A_374 : memref<384xi32, #tpu.memory_space<hbm>>) target(%dma_start3A_371 : memref<384xi32, #tpu.memory_space<vmem>>) target_semaphore(%run_scoped3A_362 : memref<!tpu.dma_semaphore, #tpu.memory_space<semaphore_mem>>)
        %dma_wait3A_375 = arith.constant 0 : i32
        %dma_wait3A_376 = tpu.memref_slice %arg11[%run_scoped3A_79, %dma_wait3A_375] : memref<2x384xi32, #tpu.memory_space<vmem>> -> memref<1x384xi32, #tpu.memory_space<vmem>>
        %dma_wait3A_377 = tpu.memref_squeeze %dma_wait3A_376 : memref<1x384xi32, #tpu.memory_space<vmem>> -> memref<384xi32, #tpu.memory_space<vmem>>
        %dma_wait3A_378 = arith.constant 0 : i32
        %dma_wait3A_379 = tpu.memref_slice %arg6[%add3A_78, %dma_wait3A_378] : memref<2112x384xi32, #tpu.memory_space<hbm>> -> memref<1x384xi32, #tpu.memory_space<hbm>>
        %dma_wait3A_380 = tpu.memref_squeeze %dma_wait3A_379 : memref<1x384xi32, #tpu.memory_space<hbm>> -> memref<384xi32, #tpu.memory_space<hbm>>
        %dma_wait3A_381 = arith.constant 0 : i32
        %dma_wait3A_382 = tpu.memref_slice %arg11[%run_scoped3A_79, %dma_wait3A_381] : memref<2x384xi32, #tpu.memory_space<vmem>> -> memref<1x384xi32, #tpu.memory_space<vmem>>
        %dma_wait3A_383 = tpu.memref_squeeze %dma_wait3A_382 : memref<1x384xi32, #tpu.memory_space<vmem>> -> memref<384xi32, #tpu.memory_space<vmem>>
        %dma_wait3A_384 = arith.constant 0 : i32
        %dma_wait3A_385 = tpu.memref_slice %arg6[%add3A_78, %dma_wait3A_384] : memref<2112x384xi32, #tpu.memory_space<hbm>> -> memref<1x384xi32, #tpu.memory_space<hbm>>
        %dma_wait3A_386 = tpu.memref_squeeze %dma_wait3A_385 : memref<1x384xi32, #tpu.memory_space<hbm>> -> memref<384xi32, #tpu.memory_space<hbm>>
        tpu.wait_dma2 semaphore(%run_scoped3A_362 : memref<!tpu.dma_semaphore, #tpu.memory_space<semaphore_mem>>) src(%dma_wait3A_386 : memref<384xi32, #tpu.memory_space<hbm>>) dst(%dma_wait3A_383 : memref<384xi32, #tpu.memory_space<vmem>>)
        tpu.yield
      }) : () -> ()
      %mul3A_80 = arith.constant 132 : i32
      %mul3A_81 = arith.muli %arg1, %mul3A_80 : i32
      %add3A_82 = arith.constant 1 : i32
      %add3A_83 = arith.addi %mul3A_81, %add3A_82 : i32
      %run_scoped3A_84 = arith.constant 1 : i32
      "tpu.region"() ({
        %run_scoped3A_362 = tpu.sem_alloc : memref<!tpu.dma_semaphore, #tpu.memory_space<semaphore_mem>>
        %dma_start3A_363 = arith.constant 0 : i32
        %dma_start3A_364 = tpu.memref_slice %arg12[%run_scoped3A_84, %dma_start3A_363] : memref<2x384xi32, #tpu.memory_space<vmem>> -> memref<1x384xi32, #tpu.memory_space<vmem>>
        %dma_start3A_365 = tpu.memref_squeeze %dma_start3A_364 : memref<1x384xi32, #tpu.memory_space<vmem>> -> memref<384xi32, #tpu.memory_space<vmem>>
        %dma_start3A_366 = arith.constant 0 : i32
        %dma_start3A_367 = tpu.memref_slice %arg7[%add3A_83, %dma_start3A_366] : memref<2112x384xi32, #tpu.memory_space<hbm>> -> memref<1x384xi32, #tpu.memory_space<hbm>>
        %dma_start3A_368 = tpu.memref_squeeze %dma_start3A_367 : memref<1x384xi32, #tpu.memory_space<hbm>> -> memref<384xi32, #tpu.memory_space<hbm>>
        %dma_start3A_369 = arith.constant 0 : i32
        %dma_start3A_370 = tpu.memref_slice %arg12[%run_scoped3A_84, %dma_start3A_369] : memref<2x384xi32, #tpu.memory_space<vmem>> -> memref<1x384xi32, #tpu.memory_space<vmem>>
        %dma_start3A_371 = tpu.memref_squeeze %dma_start3A_370 : memref<1x384xi32, #tpu.memory_space<vmem>> -> memref<384xi32, #tpu.memory_space<vmem>>
        %dma_start3A_372 = arith.constant 0 : i32
        %dma_start3A_373 = tpu.memref_slice %arg7[%add3A_83, %dma_start3A_372] : memref<2112x384xi32, #tpu.memory_space<hbm>> -> memref<1x384xi32, #tpu.memory_space<hbm>>
        %dma_start3A_374 = tpu.memref_squeeze %dma_start3A_373 : memref<1x384xi32, #tpu.memory_space<hbm>> -> memref<384xi32, #tpu.memory_space<hbm>>
        tpu.enqueue_dma source(%dma_start3A_374 : memref<384xi32, #tpu.memory_space<hbm>>) target(%dma_start3A_371 : memref<384xi32, #tpu.memory_space<vmem>>) target_semaphore(%run_scoped3A_362 : memref<!tpu.dma_semaphore, #tpu.memory_space<semaphore_mem>>)
        %dma_wait3A_375 = arith.constant 0 : i32
        %dma_wait3A_376 = tpu.memref_slice %arg12[%run_scoped3A_84, %dma_wait3A_375] : memref<2x384xi32, #tpu.memory_space<vmem>> -> memref<1x384xi32, #tpu.memory_space<vmem>>
        %dma_wait3A_377 = tpu.memref_squeeze %dma_wait3A_376 : memref<1x384xi32, #tpu.memory_space<vmem>> -> memref<384xi32, #tpu.memory_space<vmem>>
        %dma_wait3A_378 = arith.constant 0 : i32
        %dma_wait3A_379 = tpu.memref_slice %arg7[%add3A_83, %dma_wait3A_378] : memref<2112x384xi32, #tpu.memory_space<hbm>> -> memref<1x384xi32, #tpu.memory_space<hbm>>
        %dma_wait3A_380 = tpu.memref_squeeze %dma_wait3A_379 : memref<1x384xi32, #tpu.memory_space<hbm>> -> memref<384xi32, #tpu.memory_space<hbm>>
        %dma_wait3A_381 = arith.constant 0 : i32
        %dma_wait3A_382 = tpu.memref_slice %arg12[%run_scoped3A_84, %dma_wait3A_381] : memref<2x384xi32, #tpu.memory_space<vmem>> -> memref<1x384xi32, #tpu.memory_space<vmem>>
        %dma_wait3A_383 = tpu.memref_squeeze %dma_wait3A_382 : memref<1x384xi32, #tpu.memory_space<vmem>> -> memref<384xi32, #tpu.memory_space<vmem>>
        %dma_wait3A_384 = arith.constant 0 : i32
        %dma_wait3A_385 = tpu.memref_slice %arg7[%add3A_83, %dma_wait3A_384] : memref<2112x384xi32, #tpu.memory_space<hbm>> -> memref<1x384xi32, #tpu.memory_space<hbm>>
        %dma_wait3A_386 = tpu.memref_squeeze %dma_wait3A_385 : memref<1x384xi32, #tpu.memory_space<hbm>> -> memref<384xi32, #tpu.memory_space<hbm>>
        tpu.wait_dma2 semaphore(%run_scoped3A_362 : memref<!tpu.dma_semaphore, #tpu.memory_space<semaphore_mem>>) src(%dma_wait3A_386 : memref<384xi32, #tpu.memory_space<hbm>>) dst(%dma_wait3A_383 : memref<384xi32, #tpu.memory_space<vmem>>)
        tpu.yield
      }) : () -> ()
      %dma_start3A_85 = arith.constant 1 : i32
      %dma_start3A_86 = arith.constant 1 : i32
      %dma_start3A_87 = arith.constant 0 : i32
      %dma_start3A_88 = arith.constant 0 : i32
      %dma_start3A_89 = arith.constant 0 : i32
      %dma_start3A_90 = tpu.memref_slice %arg13[%dma_start3A_86, %dma_start3A_87, %dma_start3A_88, %dma_start3A_89] : memref<2x3x128x32xf32, #tpu.memory_space<vmem>> -> memref<1x1x128x32xf32, #tpu.memory_space<vmem>>
      %dma_start3A_91 = tpu.memref_squeeze %dma_start3A_90 : memref<1x1x128x32xf32, #tpu.memory_space<vmem>> -> memref<128x32xf32, #tpu.memory_space<vmem>>
      %dma_start3A_92 = arith.constant 0 : i32
      %dma_start3A_93 = tpu.memref_slice %arg11[%dma_start3A_85, %dma_start3A_92] : memref<2x384xi32, #tpu.memory_space<vmem>> -> memref<1x128xi32, #tpu.memory_space<vmem>>
      %dma_start3A_94 = tpu.memref_squeeze %dma_start3A_93 : memref<1x128xi32, #tpu.memory_space<vmem>> -> memref<128xi32, #tpu.memory_space<vmem>>
      %dma_start3A_95 = arith.constant 0 : i32
      %dma_start3A_96 = arith.constant 0 : i32
      %dma_start3A_97 = tpu.memref_slice %arg2[%dma_start3A_95, %dma_start3A_96] : memref<50048x32xf32, #tpu.memory_space<hbm>> -> memref<50048x32xf32, #tpu.memory_space<hbm>>
      tpu.enqueue_indirect_dma source(%dma_start3A_97 : memref<50048x32xf32, #tpu.memory_space<hbm>>) target(%dma_start3A_91 : memref<128x32xf32, #tpu.memory_space<vmem>>) offsets(%dma_start3A_94 : memref<128xi32, #tpu.memory_space<vmem>>) semaphore(%arg15 : memref<!tpu.dma_semaphore, #tpu.memory_space<semaphore_mem>>)
      %dma_start3A_98 = arith.constant 1 : i32
      %dma_start3A_99 = arith.constant 1 : i32
      %dma_start3A_100 = arith.constant 1 : i32
      %dma_start3A_101 = arith.constant 0 : i32
      %dma_start3A_102 = arith.constant 0 : i32
      %dma_start3A_103 = tpu.memref_slice %arg13[%dma_start3A_99, %dma_start3A_100, %dma_start3A_101, %dma_start3A_102] : memref<2x3x128x32xf32, #tpu.memory_space<vmem>> -> memref<1x1x128x32xf32, #tpu.memory_space<vmem>>
      %dma_start3A_104 = tpu.memref_squeeze %dma_start3A_103 : memref<1x1x128x32xf32, #tpu.memory_space<vmem>> -> memref<128x32xf32, #tpu.memory_space<vmem>>
      %dma_start3A_105 = arith.constant 128 : i32
      %dma_start3A_106 = tpu.memref_slice %arg11[%dma_start3A_98, %dma_start3A_105] : memref<2x384xi32, #tpu.memory_space<vmem>> -> memref<1x128xi32, #tpu.memory_space<vmem>>
      %dma_start3A_107 = tpu.memref_squeeze %dma_start3A_106 : memref<1x128xi32, #tpu.memory_space<vmem>> -> memref<128xi32, #tpu.memory_space<vmem>>
      %dma_start3A_108 = arith.constant 0 : i32
      %dma_start3A_109 = arith.constant 0 : i32
      %dma_start3A_110 = tpu.memref_slice %arg2[%dma_start3A_108, %dma_start3A_109] : memref<50048x32xf32, #tpu.memory_space<hbm>> -> memref<50048x32xf32, #tpu.memory_space<hbm>>
      tpu.enqueue_indirect_dma source(%dma_start3A_110 : memref<50048x32xf32, #tpu.memory_space<hbm>>) target(%dma_start3A_104 : memref<128x32xf32, #tpu.memory_space<vmem>>) offsets(%dma_start3A_107 : memref<128xi32, #tpu.memory_space<vmem>>) semaphore(%arg15 : memref<!tpu.dma_semaphore, #tpu.memory_space<semaphore_mem>>)
      %dma_start3A_111 = arith.constant 1 : i32
      %dma_start3A_112 = arith.constant 1 : i32
      %dma_start3A_113 = arith.constant 2 : i32
      %dma_start3A_114 = arith.constant 0 : i32
      %dma_start3A_115 = arith.constant 0 : i32
      %dma_start3A_116 = tpu.memref_slice %arg13[%dma_start3A_112, %dma_start3A_113, %dma_start3A_114, %dma_start3A_115] : memref<2x3x128x32xf32, #tpu.memory_space<vmem>> -> memref<1x1x128x32xf32, #tpu.memory_space<vmem>>
      %dma_start3A_117 = tpu.memref_squeeze %dma_start3A_116 : memref<1x1x128x32xf32, #tpu.memory_space<vmem>> -> memref<128x32xf32, #tpu.memory_space<vmem>>
      %dma_start3A_118 = arith.constant 256 : i32
      %dma_start3A_119 = tpu.memref_slice %arg11[%dma_start3A_111, %dma_start3A_118] : memref<2x384xi32, #tpu.memory_space<vmem>> -> memref<1x128xi32, #tpu.memory_space<vmem>>
      %dma_start3A_120 = tpu.memref_squeeze %dma_start3A_119 : memref<1x128xi32, #tpu.memory_space<vmem>> -> memref<128xi32, #tpu.memory_space<vmem>>
      %dma_start3A_121 = arith.constant 0 : i32
      %dma_start3A_122 = arith.constant 0 : i32
      %dma_start3A_123 = tpu.memref_slice %arg2[%dma_start3A_121, %dma_start3A_122] : memref<50048x32xf32, #tpu.memory_space<hbm>> -> memref<50048x32xf32, #tpu.memory_space<hbm>>
      tpu.enqueue_indirect_dma source(%dma_start3A_123 : memref<50048x32xf32, #tpu.memory_space<hbm>>) target(%dma_start3A_117 : memref<128x32xf32, #tpu.memory_space<vmem>>) offsets(%dma_start3A_120 : memref<128xi32, #tpu.memory_space<vmem>>) semaphore(%arg15 : memref<!tpu.dma_semaphore, #tpu.memory_space<semaphore_mem>>)
      %dma_wait3A = arith.constant 0 : i32
      %dma_wait3A_124 = arith.constant 0 : i32
      %dma_wait3A_125 = arith.constant 0 : i32
      %dma_wait3A_126 = arith.constant 0 : i32
      %dma_wait3A_127 = arith.constant 0 : i32
      %dma_wait3A_128 = tpu.memref_slice %arg13[%dma_wait3A_124, %dma_wait3A_125, %dma_wait3A_126, %dma_wait3A_127] : memref<2x3x128x32xf32, #tpu.memory_space<vmem>> -> memref<1x1x128x32xf32, #tpu.memory_space<vmem>>
      %dma_wait3A_129 = tpu.memref_squeeze %dma_wait3A_128 : memref<1x1x128x32xf32, #tpu.memory_space<vmem>> -> memref<128x32xf32, #tpu.memory_space<vmem>>
      %dma_wait3A_130 = arith.constant 0 : i32
      %dma_wait3A_131 = tpu.memref_slice %arg11[%dma_wait3A, %dma_wait3A_130] : memref<2x384xi32, #tpu.memory_space<vmem>> -> memref<1x128xi32, #tpu.memory_space<vmem>>
      %dma_wait3A_132 = tpu.memref_squeeze %dma_wait3A_131 : memref<1x128xi32, #tpu.memory_space<vmem>> -> memref<128xi32, #tpu.memory_space<vmem>>
      %dma_wait3A_133 = arith.constant 0 : i32
      %dma_wait3A_134 = arith.constant 0 : i32
      %dma_wait3A_135 = tpu.memref_slice %arg2[%dma_wait3A_133, %dma_wait3A_134] : memref<50048x32xf32, #tpu.memory_space<hbm>> -> memref<50048x32xf32, #tpu.memory_space<hbm>>
      tpu.wait_indirect_dma semaphore(%arg14 : memref<!tpu.dma_semaphore, #tpu.memory_space<semaphore_mem>>) src(%dma_wait3A_135 : memref<50048x32xf32, #tpu.memory_space<hbm>>) dst(%dma_wait3A_129 : memref<128x32xf32, #tpu.memory_space<vmem>>)
      %dma_wait3A_136 = arith.constant 0 : i32
      %dma_wait3A_137 = arith.constant 0 : i32
      %dma_wait3A_138 = arith.constant 1 : i32
      %dma_wait3A_139 = arith.constant 0 : i32
      %dma_wait3A_140 = arith.constant 0 : i32
      %dma_wait3A_141 = tpu.memref_slice %arg13[%dma_wait3A_137, %dma_wait3A_138, %dma_wait3A_139, %dma_wait3A_140] : memref<2x3x128x32xf32, #tpu.memory_space<vmem>> -> memref<1x1x128x32xf32, #tpu.memory_space<vmem>>
      %dma_wait3A_142 = tpu.memref_squeeze %dma_wait3A_141 : memref<1x1x128x32xf32, #tpu.memory_space<vmem>> -> memref<128x32xf32, #tpu.memory_space<vmem>>
      %dma_wait3A_143 = arith.constant 128 : i32
      %dma_wait3A_144 = tpu.memref_slice %arg11[%dma_wait3A_136, %dma_wait3A_143] : memref<2x384xi32, #tpu.memory_space<vmem>> -> memref<1x128xi32, #tpu.memory_space<vmem>>
      %dma_wait3A_145 = tpu.memref_squeeze %dma_wait3A_144 : memref<1x128xi32, #tpu.memory_space<vmem>> -> memref<128xi32, #tpu.memory_space<vmem>>
      %dma_wait3A_146 = arith.constant 0 : i32
      %dma_wait3A_147 = arith.constant 0 : i32
      %dma_wait3A_148 = tpu.memref_slice %arg2[%dma_wait3A_146, %dma_wait3A_147] : memref<50048x32xf32, #tpu.memory_space<hbm>> -> memref<50048x32xf32, #tpu.memory_space<hbm>>
      tpu.wait_indirect_dma semaphore(%arg14 : memref<!tpu.dma_semaphore, #tpu.memory_space<semaphore_mem>>) src(%dma_wait3A_148 : memref<50048x32xf32, #tpu.memory_space<hbm>>) dst(%dma_wait3A_142 : memref<128x32xf32, #tpu.memory_space<vmem>>)
      %dma_wait3A_149 = arith.constant 0 : i32
      %dma_wait3A_150 = arith.constant 0 : i32
      %dma_wait3A_151 = arith.constant 2 : i32
      %dma_wait3A_152 = arith.constant 0 : i32
      %dma_wait3A_153 = arith.constant 0 : i32
      %dma_wait3A_154 = tpu.memref_slice %arg13[%dma_wait3A_150, %dma_wait3A_151, %dma_wait3A_152, %dma_wait3A_153] : memref<2x3x128x32xf32, #tpu.memory_space<vmem>> -> memref<1x1x128x32xf32, #tpu.memory_space<vmem>>
      %dma_wait3A_155 = tpu.memref_squeeze %dma_wait3A_154 : memref<1x1x128x32xf32, #tpu.memory_space<vmem>> -> memref<128x32xf32, #tpu.memory_space<vmem>>
      %dma_wait3A_156 = arith.constant 256 : i32
      %dma_wait3A_157 = tpu.memref_slice %arg11[%dma_wait3A_149, %dma_wait3A_156] : memref<2x384xi32, #tpu.memory_space<vmem>> -> memref<1x128xi32, #tpu.memory_space<vmem>>
      %dma_wait3A_158 = tpu.memref_squeeze %dma_wait3A_157 : memref<1x128xi32, #tpu.memory_space<vmem>> -> memref<128xi32, #tpu.memory_space<vmem>>
      %dma_wait3A_159 = arith.constant 0 : i32
      %dma_wait3A_160 = arith.constant 0 : i32
      %dma_wait3A_161 = tpu.memref_slice %arg2[%dma_wait3A_159, %dma_wait3A_160] : memref<50048x32xf32, #tpu.memory_space<hbm>> -> memref<50048x32xf32, #tpu.memory_space<hbm>>
      tpu.wait_indirect_dma semaphore(%arg14 : memref<!tpu.dma_semaphore, #tpu.memory_space<semaphore_mem>>) src(%dma_wait3A_161 : memref<50048x32xf32, #tpu.memory_space<hbm>>) dst(%dma_wait3A_155 : memref<128x32xf32, #tpu.memory_space<vmem>>)
      %dma_start3A_162 = arith.constant 0 : i32
      %dma_start3A_163 = arith.constant 0 : i32
      %dma_start3A_164 = arith.constant 0 : i32
      %dma_start3A_165 = arith.constant 0 : i32
      %dma_start3A_166 = arith.constant 0 : i32
      %dma_start3A_167 = tpu.memref_slice %arg13[%dma_start3A_162, %dma_start3A_163, %dma_start3A_165, %dma_start3A_166] : memref<2x3x128x32xf32, #tpu.memory_space<vmem>> -> memref<1x1x128x32xf32, #tpu.memory_space<vmem>>
      %dma_start3A_168 = tpu.memref_squeeze %dma_start3A_167 : memref<1x1x128x32xf32, #tpu.memory_space<vmem>> -> memref<128x32xf32, #tpu.memory_space<vmem>>
      %dma_start3A_169 = arith.constant 0 : i32
      %dma_start3A_170 = tpu.memref_slice %arg12[%dma_start3A_164, %dma_start3A_169] : memref<2x384xi32, #tpu.memory_space<vmem>> -> memref<1x128xi32, #tpu.memory_space<vmem>>
      %dma_start3A_171 = tpu.memref_squeeze %dma_start3A_170 : memref<1x128xi32, #tpu.memory_space<vmem>> -> memref<128xi32, #tpu.memory_space<vmem>>
      %dma_start3A_172 = arith.constant 0 : i32
      %dma_start3A_173 = arith.constant 0 : i32
      %dma_start3A_174 = tpu.memref_slice %arg10[%dma_start3A_172, %dma_start3A_173] : memref<50048x32xf32, #tpu.memory_space<vmem_shared>> -> memref<50048x32xf32, #tpu.memory_space<vmem_shared>>
      tpu.enqueue_indirect_dma source(%dma_start3A_168 : memref<128x32xf32, #tpu.memory_space<vmem>>) target(%dma_start3A_174 : memref<50048x32xf32, #tpu.memory_space<vmem_shared>>) offsets(%dma_start3A_171 : memref<128xi32, #tpu.memory_space<vmem>>) semaphore(%arg16 : memref<!tpu.dma_semaphore, #tpu.memory_space<semaphore_mem>>) {add = true}
      %dma_start3A_175 = arith.constant 0 : i32
      %dma_start3A_176 = arith.constant 1 : i32
      %dma_start3A_177 = arith.constant 0 : i32
      %dma_start3A_178 = arith.constant 0 : i32
      %dma_start3A_179 = arith.constant 0 : i32
      %dma_start3A_180 = tpu.memref_slice %arg13[%dma_start3A_175, %dma_start3A_176, %dma_start3A_178, %dma_start3A_179] : memref<2x3x128x32xf32, #tpu.memory_space<vmem>> -> memref<1x1x128x32xf32, #tpu.memory_space<vmem>>
      %dma_start3A_181 = tpu.memref_squeeze %dma_start3A_180 : memref<1x1x128x32xf32, #tpu.memory_space<vmem>> -> memref<128x32xf32, #tpu.memory_space<vmem>>
      %dma_start3A_182 = arith.constant 128 : i32
      %dma_start3A_183 = tpu.memref_slice %arg12[%dma_start3A_177, %dma_start3A_182] : memref<2x384xi32, #tpu.memory_space<vmem>> -> memref<1x128xi32, #tpu.memory_space<vmem>>
      %dma_start3A_184 = tpu.memref_squeeze %dma_start3A_183 : memref<1x128xi32, #tpu.memory_space<vmem>> -> memref<128xi32, #tpu.memory_space<vmem>>
      %dma_start3A_185 = arith.constant 0 : i32
      %dma_start3A_186 = arith.constant 0 : i32
      %dma_start3A_187 = tpu.memref_slice %arg10[%dma_start3A_185, %dma_start3A_186] : memref<50048x32xf32, #tpu.memory_space<vmem_shared>> -> memref<50048x32xf32, #tpu.memory_space<vmem_shared>>
      tpu.enqueue_indirect_dma source(%dma_start3A_181 : memref<128x32xf32, #tpu.memory_space<vmem>>) target(%dma_start3A_187 : memref<50048x32xf32, #tpu.memory_space<vmem_shared>>) offsets(%dma_start3A_184 : memref<128xi32, #tpu.memory_space<vmem>>) semaphore(%arg16 : memref<!tpu.dma_semaphore, #tpu.memory_space<semaphore_mem>>) {add = true}
      %dma_start3A_188 = arith.constant 0 : i32
      %dma_start3A_189 = arith.constant 2 : i32
      %dma_start3A_190 = arith.constant 0 : i32
      %dma_start3A_191 = arith.constant 0 : i32
      %dma_start3A_192 = arith.constant 0 : i32
      %dma_start3A_193 = tpu.memref_slice %arg13[%dma_start3A_188, %dma_start3A_189, %dma_start3A_191, %dma_start3A_192] : memref<2x3x128x32xf32, #tpu.memory_space<vmem>> -> memref<1x1x128x32xf32, #tpu.memory_space<vmem>>
      %dma_start3A_194 = tpu.memref_squeeze %dma_start3A_193 : memref<1x1x128x32xf32, #tpu.memory_space<vmem>> -> memref<128x32xf32, #tpu.memory_space<vmem>>
      %dma_start3A_195 = arith.constant 256 : i32
      %dma_start3A_196 = tpu.memref_slice %arg12[%dma_start3A_190, %dma_start3A_195] : memref<2x384xi32, #tpu.memory_space<vmem>> -> memref<1x128xi32, #tpu.memory_space<vmem>>
      %dma_start3A_197 = tpu.memref_squeeze %dma_start3A_196 : memref<1x128xi32, #tpu.memory_space<vmem>> -> memref<128xi32, #tpu.memory_space<vmem>>
      %dma_start3A_198 = arith.constant 0 : i32
      %dma_start3A_199 = arith.constant 0 : i32
      %dma_start3A_200 = tpu.memref_slice %arg10[%dma_start3A_198, %dma_start3A_199] : memref<50048x32xf32, #tpu.memory_space<vmem_shared>> -> memref<50048x32xf32, #tpu.memory_space<vmem_shared>>
      tpu.enqueue_indirect_dma source(%dma_start3A_194 : memref<128x32xf32, #tpu.memory_space<vmem>>) target(%dma_start3A_200 : memref<50048x32xf32, #tpu.memory_space<vmem_shared>>) offsets(%dma_start3A_197 : memref<128xi32, #tpu.memory_space<vmem>>) semaphore(%arg16 : memref<!tpu.dma_semaphore, #tpu.memory_space<semaphore_mem>>) {add = true}
      %scan3A = arith.constant 0 : i32
      %scan3A_201 = arith.constant 1 : i32
      %scan3A_202 = arith.constant 65 : i32
      %scan3A_203 = arith.addi %scan3A_201, %scan3A_202 : i32
      %scan3A_204 = arith.constant 1 : i32
      scf.for %scan3A_362 = %scan3A_201 to %scan3A_203 step %scan3A_204  : i32 {
        %mul3A_363 = arith.constant 2 : i32
        %mul3A_364 = arith.muli %mul3A_363, %scan3A_362 : i32
        %dma_wait3A_365 = arith.constant 0 : i32
        %dma_wait3A_366 = arith.constant 0 : i32
        %dma_wait3A_367 = arith.constant 0 : i32
        %dma_wait3A_368 = arith.constant 0 : i32
        %dma_wait3A_369 = arith.constant 0 : i32
        %dma_wait3A_370 = tpu.memref_slice %arg13[%dma_wait3A_365, %dma_wait3A_366, %dma_wait3A_368, %dma_wait3A_369] : memref<2x3x128x32xf32, #tpu.memory_space<vmem>> -> memref<1x1x128x32xf32, #tpu.memory_space<vmem>>
        %dma_wait3A_371 = tpu.memref_squeeze %dma_wait3A_370 : memref<1x1x128x32xf32, #tpu.memory_space<vmem>> -> memref<128x32xf32, #tpu.memory_space<vmem>>
        %dma_wait3A_372 = arith.constant 0 : i32
        %dma_wait3A_373 = tpu.memref_slice %arg12[%dma_wait3A_367, %dma_wait3A_372] : memref<2x384xi32, #tpu.memory_space<vmem>> -> memref<1x128xi32, #tpu.memory_space<vmem>>
        %dma_wait3A_374 = tpu.memref_squeeze %dma_wait3A_373 : memref<1x128xi32, #tpu.memory_space<vmem>> -> memref<128xi32, #tpu.memory_space<vmem>>
        %dma_wait3A_375 = arith.constant 0 : i32
        %dma_wait3A_376 = arith.constant 0 : i32
        %dma_wait3A_377 = tpu.memref_slice %arg10[%dma_wait3A_375, %dma_wait3A_376] : memref<50048x32xf32, #tpu.memory_space<vmem_shared>> -> memref<50048x32xf32, #tpu.memory_space<vmem_shared>>
        tpu.wait_indirect_dma semaphore(%arg16 : memref<!tpu.dma_semaphore, #tpu.memory_space<semaphore_mem>>) src(%dma_wait3A_371 : memref<128x32xf32, #tpu.memory_space<vmem>>) dst(%dma_wait3A_377 : memref<50048x32xf32, #tpu.memory_space<vmem_shared>>)
        %dma_wait3A_378 = arith.constant 0 : i32
        %dma_wait3A_379 = arith.constant 1 : i32
        %dma_wait3A_380 = arith.constant 0 : i32
        %dma_wait3A_381 = arith.constant 0 : i32
        %dma_wait3A_382 = arith.constant 0 : i32
        %dma_wait3A_383 = tpu.memref_slice %arg13[%dma_wait3A_378, %dma_wait3A_379, %dma_wait3A_381, %dma_wait3A_382] : memref<2x3x128x32xf32, #tpu.memory_space<vmem>> -> memref<1x1x128x32xf32, #tpu.memory_space<vmem>>
        %dma_wait3A_384 = tpu.memref_squeeze %dma_wait3A_383 : memref<1x1x128x32xf32, #tpu.memory_space<vmem>> -> memref<128x32xf32, #tpu.memory_space<vmem>>
        %dma_wait3A_385 = arith.constant 128 : i32
        %dma_wait3A_386 = tpu.memref_slice %arg12[%dma_wait3A_380, %dma_wait3A_385] : memref<2x384xi32, #tpu.memory_space<vmem>> -> memref<1x128xi32, #tpu.memory_space<vmem>>
        %dma_wait3A_387 = tpu.memref_squeeze %dma_wait3A_386 : memref<1x128xi32, #tpu.memory_space<vmem>> -> memref<128xi32, #tpu.memory_space<vmem>>
        %dma_wait3A_388 = arith.constant 0 : i32
        %dma_wait3A_389 = arith.constant 0 : i32
        %dma_wait3A_390 = tpu.memref_slice %arg10[%dma_wait3A_388, %dma_wait3A_389] : memref<50048x32xf32, #tpu.memory_space<vmem_shared>> -> memref<50048x32xf32, #tpu.memory_space<vmem_shared>>
        tpu.wait_indirect_dma semaphore(%arg16 : memref<!tpu.dma_semaphore, #tpu.memory_space<semaphore_mem>>) src(%dma_wait3A_384 : memref<128x32xf32, #tpu.memory_space<vmem>>) dst(%dma_wait3A_390 : memref<50048x32xf32, #tpu.memory_space<vmem_shared>>)
        %dma_wait3A_391 = arith.constant 0 : i32
        %dma_wait3A_392 = arith.constant 2 : i32
        %dma_wait3A_393 = arith.constant 0 : i32
        %dma_wait3A_394 = arith.constant 0 : i32
        %dma_wait3A_395 = arith.constant 0 : i32
        %dma_wait3A_396 = tpu.memref_slice %arg13[%dma_wait3A_391, %dma_wait3A_392, %dma_wait3A_394, %dma_wait3A_395] : memref<2x3x128x32xf32, #tpu.memory_space<vmem>> -> memref<1x1x128x32xf32, #tpu.memory_space<vmem>>
        %dma_wait3A_397 = tpu.memref_squeeze %dma_wait3A_396 : memref<1x1x128x32xf32, #tpu.memory_space<vmem>> -> memref<128x32xf32, #tpu.memory_space<vmem>>
        %dma_wait3A_398 = arith.constant 256 : i32
        %dma_wait3A_399 = tpu.memref_slice %arg12[%dma_wait3A_393, %dma_wait3A_398] : memref<2x384xi32, #tpu.memory_space<vmem>> -> memref<1x128xi32, #tpu.memory_space<vmem>>
        %dma_wait3A_400 = tpu.memref_squeeze %dma_wait3A_399 : memref<1x128xi32, #tpu.memory_space<vmem>> -> memref<128xi32, #tpu.memory_space<vmem>>
        %dma_wait3A_401 = arith.constant 0 : i32
        %dma_wait3A_402 = arith.constant 0 : i32
        %dma_wait3A_403 = tpu.memref_slice %arg10[%dma_wait3A_401, %dma_wait3A_402] : memref<50048x32xf32, #tpu.memory_space<vmem_shared>> -> memref<50048x32xf32, #tpu.memory_space<vmem_shared>>
        tpu.wait_indirect_dma semaphore(%arg16 : memref<!tpu.dma_semaphore, #tpu.memory_space<semaphore_mem>>) src(%dma_wait3A_397 : memref<128x32xf32, #tpu.memory_space<vmem>>) dst(%dma_wait3A_403 : memref<50048x32xf32, #tpu.memory_space<vmem_shared>>)
        %mul3A_404 = arith.constant 132 : i32
        %mul3A_405 = arith.muli %arg1, %mul3A_404 : i32
        %add3A_406 = arith.addi %mul3A_405, %mul3A_364 : i32
        %run_scoped3A_407 = arith.constant 0 : i32
        "tpu.region"() ({
          %run_scoped3A_695 = tpu.sem_alloc : memref<!tpu.dma_semaphore, #tpu.memory_space<semaphore_mem>>
          %dma_start3A_696 = arith.constant 0 : i32
          %dma_start3A_697 = tpu.memref_slice %arg11[%run_scoped3A_407, %dma_start3A_696] : memref<2x384xi32, #tpu.memory_space<vmem>> -> memref<1x384xi32, #tpu.memory_space<vmem>>
          %dma_start3A_698 = tpu.memref_squeeze %dma_start3A_697 : memref<1x384xi32, #tpu.memory_space<vmem>> -> memref<384xi32, #tpu.memory_space<vmem>>
          %dma_start3A_699 = arith.constant 0 : i32
          %dma_start3A_700 = tpu.memref_slice %arg6[%add3A_406, %dma_start3A_699] : memref<2112x384xi32, #tpu.memory_space<hbm>> -> memref<1x384xi32, #tpu.memory_space<hbm>>
          %dma_start3A_701 = tpu.memref_squeeze %dma_start3A_700 : memref<1x384xi32, #tpu.memory_space<hbm>> -> memref<384xi32, #tpu.memory_space<hbm>>
          %dma_start3A_702 = arith.constant 0 : i32
          %dma_start3A_703 = tpu.memref_slice %arg11[%run_scoped3A_407, %dma_start3A_702] : memref<2x384xi32, #tpu.memory_space<vmem>> -> memref<1x384xi32, #tpu.memory_space<vmem>>
          %dma_start3A_704 = tpu.memref_squeeze %dma_start3A_703 : memref<1x384xi32, #tpu.memory_space<vmem>> -> memref<384xi32, #tpu.memory_space<vmem>>
          %dma_start3A_705 = arith.constant 0 : i32
          %dma_start3A_706 = tpu.memref_slice %arg6[%add3A_406, %dma_start3A_705] : memref<2112x384xi32, #tpu.memory_space<hbm>> -> memref<1x384xi32, #tpu.memory_space<hbm>>
          %dma_start3A_707 = tpu.memref_squeeze %dma_start3A_706 : memref<1x384xi32, #tpu.memory_space<hbm>> -> memref<384xi32, #tpu.memory_space<hbm>>
          tpu.enqueue_dma source(%dma_start3A_707 : memref<384xi32, #tpu.memory_space<hbm>>) target(%dma_start3A_704 : memref<384xi32, #tpu.memory_space<vmem>>) target_semaphore(%run_scoped3A_695 : memref<!tpu.dma_semaphore, #tpu.memory_space<semaphore_mem>>)
          %dma_wait3A_708 = arith.constant 0 : i32
          %dma_wait3A_709 = tpu.memref_slice %arg11[%run_scoped3A_407, %dma_wait3A_708] : memref<2x384xi32, #tpu.memory_space<vmem>> -> memref<1x384xi32, #tpu.memory_space<vmem>>
          %dma_wait3A_710 = tpu.memref_squeeze %dma_wait3A_709 : memref<1x384xi32, #tpu.memory_space<vmem>> -> memref<384xi32, #tpu.memory_space<vmem>>
          %dma_wait3A_711 = arith.constant 0 : i32
          %dma_wait3A_712 = tpu.memref_slice %arg6[%add3A_406, %dma_wait3A_711] : memref<2112x384xi32, #tpu.memory_space<hbm>> -> memref<1x384xi32, #tpu.memory_space<hbm>>
          %dma_wait3A_713 = tpu.memref_squeeze %dma_wait3A_712 : memref<1x384xi32, #tpu.memory_space<hbm>> -> memref<384xi32, #tpu.memory_space<hbm>>
          %dma_wait3A_714 = arith.constant 0 : i32
          %dma_wait3A_715 = tpu.memref_slice %arg11[%run_scoped3A_407, %dma_wait3A_714] : memref<2x384xi32, #tpu.memory_space<vmem>> -> memref<1x384xi32, #tpu.memory_space<vmem>>
          %dma_wait3A_716 = tpu.memref_squeeze %dma_wait3A_715 : memref<1x384xi32, #tpu.memory_space<vmem>> -> memref<384xi32, #tpu.memory_space<vmem>>
          %dma_wait3A_717 = arith.constant 0 : i32
          %dma_wait3A_718 = tpu.memref_slice %arg6[%add3A_406, %dma_wait3A_717] : memref<2112x384xi32, #tpu.memory_space<hbm>> -> memref<1x384xi32, #tpu.memory_space<hbm>>
          %dma_wait3A_719 = tpu.memref_squeeze %dma_wait3A_718 : memref<1x384xi32, #tpu.memory_space<hbm>> -> memref<384xi32, #tpu.memory_space<hbm>>
          tpu.wait_dma2 semaphore(%run_scoped3A_695 : memref<!tpu.dma_semaphore, #tpu.memory_space<semaphore_mem>>) src(%dma_wait3A_719 : memref<384xi32, #tpu.memory_space<hbm>>) dst(%dma_wait3A_716 : memref<384xi32, #tpu.memory_space<vmem>>)
          tpu.yield
        }) : () -> ()
        %mul3A_408 = arith.constant 132 : i32
        %mul3A_409 = arith.muli %arg1, %mul3A_408 : i32
        %add3A_410 = arith.addi %mul3A_409, %mul3A_364 : i32
        %run_scoped3A_411 = arith.constant 0 : i32
        "tpu.region"() ({
          %run_scoped3A_695 = tpu.sem_alloc : memref<!tpu.dma_semaphore, #tpu.memory_space<semaphore_mem>>
          %dma_start3A_696 = arith.constant 0 : i32
          %dma_start3A_697 = tpu.memref_slice %arg12[%run_scoped3A_411, %dma_start3A_696] : memref<2x384xi32, #tpu.memory_space<vmem>> -> memref<1x384xi32, #tpu.memory_space<vmem>>
          %dma_start3A_698 = tpu.memref_squeeze %dma_start3A_697 : memref<1x384xi32, #tpu.memory_space<vmem>> -> memref<384xi32, #tpu.memory_space<vmem>>
          %dma_start3A_699 = arith.constant 0 : i32
          %dma_start3A_700 = tpu.memref_slice %arg7[%add3A_410, %dma_start3A_699] : memref<2112x384xi32, #tpu.memory_space<hbm>> -> memref<1x384xi32, #tpu.memory_space<hbm>>
          %dma_start3A_701 = tpu.memref_squeeze %dma_start3A_700 : memref<1x384xi32, #tpu.memory_space<hbm>> -> memref<384xi32, #tpu.memory_space<hbm>>
          %dma_start3A_702 = arith.constant 0 : i32
          %dma_start3A_703 = tpu.memref_slice %arg12[%run_scoped3A_411, %dma_start3A_702] : memref<2x384xi32, #tpu.memory_space<vmem>> -> memref<1x384xi32, #tpu.memory_space<vmem>>
          %dma_start3A_704 = tpu.memref_squeeze %dma_start3A_703 : memref<1x384xi32, #tpu.memory_space<vmem>> -> memref<384xi32, #tpu.memory_space<vmem>>
          %dma_start3A_705 = arith.constant 0 : i32
          %dma_start3A_706 = tpu.memref_slice %arg7[%add3A_410, %dma_start3A_705] : memref<2112x384xi32, #tpu.memory_space<hbm>> -> memref<1x384xi32, #tpu.memory_space<hbm>>
          %dma_start3A_707 = tpu.memref_squeeze %dma_start3A_706 : memref<1x384xi32, #tpu.memory_space<hbm>> -> memref<384xi32, #tpu.memory_space<hbm>>
          tpu.enqueue_dma source(%dma_start3A_707 : memref<384xi32, #tpu.memory_space<hbm>>) target(%dma_start3A_704 : memref<384xi32, #tpu.memory_space<vmem>>) target_semaphore(%run_scoped3A_695 : memref<!tpu.dma_semaphore, #tpu.memory_space<semaphore_mem>>)
          %dma_wait3A_708 = arith.constant 0 : i32
          %dma_wait3A_709 = tpu.memref_slice %arg12[%run_scoped3A_411, %dma_wait3A_708] : memref<2x384xi32, #tpu.memory_space<vmem>> -> memref<1x384xi32, #tpu.memory_space<vmem>>
          %dma_wait3A_710 = tpu.memref_squeeze %dma_wait3A_709 : memref<1x384xi32, #tpu.memory_space<vmem>> -> memref<384xi32, #tpu.memory_space<vmem>>
          %dma_wait3A_711 = arith.constant 0 : i32
          %dma_wait3A_712 = tpu.memref_slice %arg7[%add3A_410, %dma_wait3A_711] : memref<2112x384xi32, #tpu.memory_space<hbm>> -> memref<1x384xi32, #tpu.memory_space<hbm>>
          %dma_wait3A_713 = tpu.memref_squeeze %dma_wait3A_712 : memref<1x384xi32, #tpu.memory_space<hbm>> -> memref<384xi32, #tpu.memory_space<hbm>>
          %dma_wait3A_714 = arith.constant 0 : i32
          %dma_wait3A_715 = tpu.memref_slice %arg12[%run_scoped3A_411, %dma_wait3A_714] : memref<2x384xi32, #tpu.memory_space<vmem>> -> memref<1x384xi32, #tpu.memory_space<vmem>>
          %dma_wait3A_716 = tpu.memref_squeeze %dma_wait3A_715 : memref<1x384xi32, #tpu.memory_space<vmem>> -> memref<384xi32, #tpu.memory_space<vmem>>
          %dma_wait3A_717 = arith.constant 0 : i32
          %dma_wait3A_718 = tpu.memref_slice %arg7[%add3A_410, %dma_wait3A_717] : memref<2112x384xi32, #tpu.memory_space<hbm>> -> memref<1x384xi32, #tpu.memory_space<hbm>>
          %dma_wait3A_719 = tpu.memref_squeeze %dma_wait3A_718 : memref<1x384xi32, #tpu.memory_space<hbm>> -> memref<384xi32, #tpu.memory_space<hbm>>
          tpu.wait_dma2 semaphore(%run_scoped3A_695 : memref<!tpu.dma_semaphore, #tpu.memory_space<semaphore_mem>>) src(%dma_wait3A_719 : memref<384xi32, #tpu.memory_space<hbm>>) dst(%dma_wait3A_716 : memref<384xi32, #tpu.memory_space<vmem>>)
          tpu.yield
        }) : () -> ()
        %dma_start3A_412 = arith.constant 0 : i32
        %dma_start3A_413 = arith.constant 0 : i32
        %dma_start3A_414 = arith.constant 0 : i32
        %dma_start3A_415 = arith.constant 0 : i32
        %dma_start3A_416 = arith.constant 0 : i32
        %dma_start3A_417 = tpu.memref_slice %arg13[%dma_start3A_413, %dma_start3A_414, %dma_start3A_415, %dma_start3A_416] : memref<2x3x128x32xf32, #tpu.memory_space<vmem>> -> memref<1x1x128x32xf32, #tpu.memory_space<vmem>>
        %dma_start3A_418 = tpu.memref_squeeze %dma_start3A_417 : memref<1x1x128x32xf32, #tpu.memory_space<vmem>> -> memref<128x32xf32, #tpu.memory_space<vmem>>
        %dma_start3A_419 = arith.constant 0 : i32
        %dma_start3A_420 = tpu.memref_slice %arg11[%dma_start3A_412, %dma_start3A_419] : memref<2x384xi32, #tpu.memory_space<vmem>> -> memref<1x128xi32, #tpu.memory_space<vmem>>
        %dma_start3A_421 = tpu.memref_squeeze %dma_start3A_420 : memref<1x128xi32, #tpu.memory_space<vmem>> -> memref<128xi32, #tpu.memory_space<vmem>>
        %dma_start3A_422 = arith.constant 0 : i32
        %dma_start3A_423 = arith.constant 0 : i32
        %dma_start3A_424 = tpu.memref_slice %arg2[%dma_start3A_422, %dma_start3A_423] : memref<50048x32xf32, #tpu.memory_space<hbm>> -> memref<50048x32xf32, #tpu.memory_space<hbm>>
        tpu.enqueue_indirect_dma source(%dma_start3A_424 : memref<50048x32xf32, #tpu.memory_space<hbm>>) target(%dma_start3A_418 : memref<128x32xf32, #tpu.memory_space<vmem>>) offsets(%dma_start3A_421 : memref<128xi32, #tpu.memory_space<vmem>>) semaphore(%arg14 : memref<!tpu.dma_semaphore, #tpu.memory_space<semaphore_mem>>)
        %dma_start3A_425 = arith.constant 0 : i32
        %dma_start3A_426 = arith.constant 0 : i32
        %dma_start3A_427 = arith.constant 1 : i32
        %dma_start3A_428 = arith.constant 0 : i32
        %dma_start3A_429 = arith.constant 0 : i32
        %dma_start3A_430 = tpu.memref_slice %arg13[%dma_start3A_426, %dma_start3A_427, %dma_start3A_428, %dma_start3A_429] : memref<2x3x128x32xf32, #tpu.memory_space<vmem>> -> memref<1x1x128x32xf32, #tpu.memory_space<vmem>>
        %dma_start3A_431 = tpu.memref_squeeze %dma_start3A_430 : memref<1x1x128x32xf32, #tpu.memory_space<vmem>> -> memref<128x32xf32, #tpu.memory_space<vmem>>
        %dma_start3A_432 = arith.constant 128 : i32
        %dma_start3A_433 = tpu.memref_slice %arg11[%dma_start3A_425, %dma_start3A_432] : memref<2x384xi32, #tpu.memory_space<vmem>> -> memref<1x128xi32, #tpu.memory_space<vmem>>
        %dma_start3A_434 = tpu.memref_squeeze %dma_start3A_433 : memref<1x128xi32, #tpu.memory_space<vmem>> -> memref<128xi32, #tpu.memory_space<vmem>>
        %dma_start3A_435 = arith.constant 0 : i32
        %dma_start3A_436 = arith.constant 0 : i32
        %dma_start3A_437 = tpu.memref_slice %arg2[%dma_start3A_435, %dma_start3A_436] : memref<50048x32xf32, #tpu.memory_space<hbm>> -> memref<50048x32xf32, #tpu.memory_space<hbm>>
        tpu.enqueue_indirect_dma source(%dma_start3A_437 : memref<50048x32xf32, #tpu.memory_space<hbm>>) target(%dma_start3A_431 : memref<128x32xf32, #tpu.memory_space<vmem>>) offsets(%dma_start3A_434 : memref<128xi32, #tpu.memory_space<vmem>>) semaphore(%arg14 : memref<!tpu.dma_semaphore, #tpu.memory_space<semaphore_mem>>)
        %dma_start3A_438 = arith.constant 0 : i32
        %dma_start3A_439 = arith.constant 0 : i32
        %dma_start3A_440 = arith.constant 2 : i32
        %dma_start3A_441 = arith.constant 0 : i32
        %dma_start3A_442 = arith.constant 0 : i32
        %dma_start3A_443 = tpu.memref_slice %arg13[%dma_start3A_439, %dma_start3A_440, %dma_start3A_441, %dma_start3A_442] : memref<2x3x128x32xf32, #tpu.memory_space<vmem>> -> memref<1x1x128x32xf32, #tpu.memory_space<vmem>>
        %dma_start3A_444 = tpu.memref_squeeze %dma_start3A_443 : memref<1x1x128x32xf32, #tpu.memory_space<vmem>> -> memref<128x32xf32, #tpu.memory_space<vmem>>
        %dma_start3A_445 = arith.constant 256 : i32
        %dma_start3A_446 = tpu.memref_slice %arg11[%dma_start3A_438, %dma_start3A_445] : memref<2x384xi32, #tpu.memory_space<vmem>> -> memref<1x128xi32, #tpu.memory_space<vmem>>
        %dma_start3A_447 = tpu.memref_squeeze %dma_start3A_446 : memref<1x128xi32, #tpu.memory_space<vmem>> -> memref<128xi32, #tpu.memory_space<vmem>>
        %dma_start3A_448 = arith.constant 0 : i32
        %dma_start3A_449 = arith.constant 0 : i32
        %dma_start3A_450 = tpu.memref_slice %arg2[%dma_start3A_448, %dma_start3A_449] : memref<50048x32xf32, #tpu.memory_space<hbm>> -> memref<50048x32xf32, #tpu.memory_space<hbm>>
        tpu.enqueue_indirect_dma source(%dma_start3A_450 : memref<50048x32xf32, #tpu.memory_space<hbm>>) target(%dma_start3A_444 : memref<128x32xf32, #tpu.memory_space<vmem>>) offsets(%dma_start3A_447 : memref<128xi32, #tpu.memory_space<vmem>>) semaphore(%arg14 : memref<!tpu.dma_semaphore, #tpu.memory_space<semaphore_mem>>)
        %dma_wait3A_451 = arith.constant 1 : i32
        %dma_wait3A_452 = arith.constant 1 : i32
        %dma_wait3A_453 = arith.constant 0 : i32
        %dma_wait3A_454 = arith.constant 0 : i32
        %dma_wait3A_455 = arith.constant 0 : i32
        %dma_wait3A_456 = tpu.memref_slice %arg13[%dma_wait3A_452, %dma_wait3A_453, %dma_wait3A_454, %dma_wait3A_455] : memref<2x3x128x32xf32, #tpu.memory_space<vmem>> -> memref<1x1x128x32xf32, #tpu.memory_space<vmem>>
        %dma_wait3A_457 = tpu.memref_squeeze %dma_wait3A_456 : memref<1x1x128x32xf32, #tpu.memory_space<vmem>> -> memref<128x32xf32, #tpu.memory_space<vmem>>
        %dma_wait3A_458 = arith.constant 0 : i32
        %dma_wait3A_459 = tpu.memref_slice %arg11[%dma_wait3A_451, %dma_wait3A_458] : memref<2x384xi32, #tpu.memory_space<vmem>> -> memref<1x128xi32, #tpu.memory_space<vmem>>
        %dma_wait3A_460 = tpu.memref_squeeze %dma_wait3A_459 : memref<1x128xi32, #tpu.memory_space<vmem>> -> memref<128xi32, #tpu.memory_space<vmem>>
        %dma_wait3A_461 = arith.constant 0 : i32
        %dma_wait3A_462 = arith.constant 0 : i32
        %dma_wait3A_463 = tpu.memref_slice %arg2[%dma_wait3A_461, %dma_wait3A_462] : memref<50048x32xf32, #tpu.memory_space<hbm>> -> memref<50048x32xf32, #tpu.memory_space<hbm>>
        tpu.wait_indirect_dma semaphore(%arg15 : memref<!tpu.dma_semaphore, #tpu.memory_space<semaphore_mem>>) src(%dma_wait3A_463 : memref<50048x32xf32, #tpu.memory_space<hbm>>) dst(%dma_wait3A_457 : memref<128x32xf32, #tpu.memory_space<vmem>>)
        %dma_wait3A_464 = arith.constant 1 : i32
        %dma_wait3A_465 = arith.constant 1 : i32
        %dma_wait3A_466 = arith.constant 1 : i32
        %dma_wait3A_467 = arith.constant 0 : i32
        %dma_wait3A_468 = arith.constant 0 : i32
        %dma_wait3A_469 = tpu.memref_slice %arg13[%dma_wait3A_465, %dma_wait3A_466, %dma_wait3A_467, %dma_wait3A_468] : memref<2x3x128x32xf32, #tpu.memory_space<vmem>> -> memref<1x1x128x32xf32, #tpu.memory_space<vmem>>
        %dma_wait3A_470 = tpu.memref_squeeze %dma_wait3A_469 : memref<1x1x128x32xf32, #tpu.memory_space<vmem>> -> memref<128x32xf32, #tpu.memory_space<vmem>>
        %dma_wait3A_471 = arith.constant 128 : i32
        %dma_wait3A_472 = tpu.memref_slice %arg11[%dma_wait3A_464, %dma_wait3A_471] : memref<2x384xi32, #tpu.memory_space<vmem>> -> memref<1x128xi32, #tpu.memory_space<vmem>>
        %dma_wait3A_473 = tpu.memref_squeeze %dma_wait3A_472 : memref<1x128xi32, #tpu.memory_space<vmem>> -> memref<128xi32, #tpu.memory_space<vmem>>
        %dma_wait3A_474 = arith.constant 0 : i32
        %dma_wait3A_475 = arith.constant 0 : i32
        %dma_wait3A_476 = tpu.memref_slice %arg2[%dma_wait3A_474, %dma_wait3A_475] : memref<50048x32xf32, #tpu.memory_space<hbm>> -> memref<50048x32xf32, #tpu.memory_space<hbm>>
        tpu.wait_indirect_dma semaphore(%arg15 : memref<!tpu.dma_semaphore, #tpu.memory_space<semaphore_mem>>) src(%dma_wait3A_476 : memref<50048x32xf32, #tpu.memory_space<hbm>>) dst(%dma_wait3A_470 : memref<128x32xf32, #tpu.memory_space<vmem>>)
        %dma_wait3A_477 = arith.constant 1 : i32
        %dma_wait3A_478 = arith.constant 1 : i32
        %dma_wait3A_479 = arith.constant 2 : i32
        %dma_wait3A_480 = arith.constant 0 : i32
        %dma_wait3A_481 = arith.constant 0 : i32
        %dma_wait3A_482 = tpu.memref_slice %arg13[%dma_wait3A_478, %dma_wait3A_479, %dma_wait3A_480, %dma_wait3A_481] : memref<2x3x128x32xf32, #tpu.memory_space<vmem>> -> memref<1x1x128x32xf32, #tpu.memory_space<vmem>>
        %dma_wait3A_483 = tpu.memref_squeeze %dma_wait3A_482 : memref<1x1x128x32xf32, #tpu.memory_space<vmem>> -> memref<128x32xf32, #tpu.memory_space<vmem>>
        %dma_wait3A_484 = arith.constant 256 : i32
        %dma_wait3A_485 = tpu.memref_slice %arg11[%dma_wait3A_477, %dma_wait3A_484] : memref<2x384xi32, #tpu.memory_space<vmem>> -> memref<1x128xi32, #tpu.memory_space<vmem>>
        %dma_wait3A_486 = tpu.memref_squeeze %dma_wait3A_485 : memref<1x128xi32, #tpu.memory_space<vmem>> -> memref<128xi32, #tpu.memory_space<vmem>>
        %dma_wait3A_487 = arith.constant 0 : i32
        %dma_wait3A_488 = arith.constant 0 : i32
        %dma_wait3A_489 = tpu.memref_slice %arg2[%dma_wait3A_487, %dma_wait3A_488] : memref<50048x32xf32, #tpu.memory_space<hbm>> -> memref<50048x32xf32, #tpu.memory_space<hbm>>
        tpu.wait_indirect_dma semaphore(%arg15 : memref<!tpu.dma_semaphore, #tpu.memory_space<semaphore_mem>>) src(%dma_wait3A_489 : memref<50048x32xf32, #tpu.memory_space<hbm>>) dst(%dma_wait3A_483 : memref<128x32xf32, #tpu.memory_space<vmem>>)
        %dma_start3A_490 = arith.constant 1 : i32
        %dma_start3A_491 = arith.constant 0 : i32
        %dma_start3A_492 = arith.constant 1 : i32
        %dma_start3A_493 = arith.constant 0 : i32
        %dma_start3A_494 = arith.constant 0 : i32
        %dma_start3A_495 = tpu.memref_slice %arg13[%dma_start3A_490, %dma_start3A_491, %dma_start3A_493, %dma_start3A_494] : memref<2x3x128x32xf32, #tpu.memory_space<vmem>> -> memref<1x1x128x32xf32, #tpu.memory_space<vmem>>
        %dma_start3A_496 = tpu.memref_squeeze %dma_start3A_495 : memref<1x1x128x32xf32, #tpu.memory_space<vmem>> -> memref<128x32xf32, #tpu.memory_space<vmem>>
        %dma_start3A_497 = arith.constant 0 : i32
        %dma_start3A_498 = tpu.memref_slice %arg12[%dma_start3A_492, %dma_start3A_497] : memref<2x384xi32, #tpu.memory_space<vmem>> -> memref<1x128xi32, #tpu.memory_space<vmem>>
        %dma_start3A_499 = tpu.memref_squeeze %dma_start3A_498 : memref<1x128xi32, #tpu.memory_space<vmem>> -> memref<128xi32, #tpu.memory_space<vmem>>
        %dma_start3A_500 = arith.constant 0 : i32
        %dma_start3A_501 = arith.constant 0 : i32
        %dma_start3A_502 = tpu.memref_slice %arg10[%dma_start3A_500, %dma_start3A_501] : memref<50048x32xf32, #tpu.memory_space<vmem_shared>> -> memref<50048x32xf32, #tpu.memory_space<vmem_shared>>
        tpu.enqueue_indirect_dma source(%dma_start3A_496 : memref<128x32xf32, #tpu.memory_space<vmem>>) target(%dma_start3A_502 : memref<50048x32xf32, #tpu.memory_space<vmem_shared>>) offsets(%dma_start3A_499 : memref<128xi32, #tpu.memory_space<vmem>>) semaphore(%arg17 : memref<!tpu.dma_semaphore, #tpu.memory_space<semaphore_mem>>) {add = true}
        %dma_start3A_503 = arith.constant 1 : i32
        %dma_start3A_504 = arith.constant 1 : i32
        %dma_start3A_505 = arith.constant 1 : i32
        %dma_start3A_506 = arith.constant 0 : i32
        %dma_start3A_507 = arith.constant 0 : i32
        %dma_start3A_508 = tpu.memref_slice %arg13[%dma_start3A_503, %dma_start3A_504, %dma_start3A_506, %dma_start3A_507] : memref<2x3x128x32xf32, #tpu.memory_space<vmem>> -> memref<1x1x128x32xf32, #tpu.memory_space<vmem>>
        %dma_start3A_509 = tpu.memref_squeeze %dma_start3A_508 : memref<1x1x128x32xf32, #tpu.memory_space<vmem>> -> memref<128x32xf32, #tpu.memory_space<vmem>>
        %dma_start3A_510 = arith.constant 128 : i32
        %dma_start3A_511 = tpu.memref_slice %arg12[%dma_start3A_505, %dma_start3A_510] : memref<2x384xi32, #tpu.memory_space<vmem>> -> memref<1x128xi32, #tpu.memory_space<vmem>>
        %dma_start3A_512 = tpu.memref_squeeze %dma_start3A_511 : memref<1x128xi32, #tpu.memory_space<vmem>> -> memref<128xi32, #tpu.memory_space<vmem>>
        %dma_start3A_513 = arith.constant 0 : i32
        %dma_start3A_514 = arith.constant 0 : i32
        %dma_start3A_515 = tpu.memref_slice %arg10[%dma_start3A_513, %dma_start3A_514] : memref<50048x32xf32, #tpu.memory_space<vmem_shared>> -> memref<50048x32xf32, #tpu.memory_space<vmem_shared>>
        tpu.enqueue_indirect_dma source(%dma_start3A_509 : memref<128x32xf32, #tpu.memory_space<vmem>>) target(%dma_start3A_515 : memref<50048x32xf32, #tpu.memory_space<vmem_shared>>) offsets(%dma_start3A_512 : memref<128xi32, #tpu.memory_space<vmem>>) semaphore(%arg17 : memref<!tpu.dma_semaphore, #tpu.memory_space<semaphore_mem>>) {add = true}
        %dma_start3A_516 = arith.constant 1 : i32
        %dma_start3A_517 = arith.constant 2 : i32
        %dma_start3A_518 = arith.constant 1 : i32
        %dma_start3A_519 = arith.constant 0 : i32
        %dma_start3A_520 = arith.constant 0 : i32
        %dma_start3A_521 = tpu.memref_slice %arg13[%dma_start3A_516, %dma_start3A_517, %dma_start3A_519, %dma_start3A_520] : memref<2x3x128x32xf32, #tpu.memory_space<vmem>> -> memref<1x1x128x32xf32, #tpu.memory_space<vmem>>
        %dma_start3A_522 = tpu.memref_squeeze %dma_start3A_521 : memref<1x1x128x32xf32, #tpu.memory_space<vmem>> -> memref<128x32xf32, #tpu.memory_space<vmem>>
        %dma_start3A_523 = arith.constant 256 : i32
        %dma_start3A_524 = tpu.memref_slice %arg12[%dma_start3A_518, %dma_start3A_523] : memref<2x384xi32, #tpu.memory_space<vmem>> -> memref<1x128xi32, #tpu.memory_space<vmem>>
        %dma_start3A_525 = tpu.memref_squeeze %dma_start3A_524 : memref<1x128xi32, #tpu.memory_space<vmem>> -> memref<128xi32, #tpu.memory_space<vmem>>
        %dma_start3A_526 = arith.constant 0 : i32
        %dma_start3A_527 = arith.constant 0 : i32
        %dma_start3A_528 = tpu.memref_slice %arg10[%dma_start3A_526, %dma_start3A_527] : memref<50048x32xf32, #tpu.memory_space<vmem_shared>> -> memref<50048x32xf32, #tpu.memory_space<vmem_shared>>
        tpu.enqueue_indirect_dma source(%dma_start3A_522 : memref<128x32xf32, #tpu.memory_space<vmem>>) target(%dma_start3A_528 : memref<50048x32xf32, #tpu.memory_space<vmem_shared>>) offsets(%dma_start3A_525 : memref<128xi32, #tpu.memory_space<vmem>>) semaphore(%arg17 : memref<!tpu.dma_semaphore, #tpu.memory_space<semaphore_mem>>) {add = true}
        %dma_wait3A_529 = arith.constant 1 : i32
        %dma_wait3A_530 = arith.constant 0 : i32
        %dma_wait3A_531 = arith.constant 1 : i32
        %dma_wait3A_532 = arith.constant 0 : i32
        %dma_wait3A_533 = arith.constant 0 : i32
        %dma_wait3A_534 = tpu.memref_slice %arg13[%dma_wait3A_529, %dma_wait3A_530, %dma_wait3A_532, %dma_wait3A_533] : memref<2x3x128x32xf32, #tpu.memory_space<vmem>> -> memref<1x1x128x32xf32, #tpu.memory_space<vmem>>
        %dma_wait3A_535 = tpu.memref_squeeze %dma_wait3A_534 : memref<1x1x128x32xf32, #tpu.memory_space<vmem>> -> memref<128x32xf32, #tpu.memory_space<vmem>>
        %dma_wait3A_536 = arith.constant 0 : i32
        %dma_wait3A_537 = tpu.memref_slice %arg12[%dma_wait3A_531, %dma_wait3A_536] : memref<2x384xi32, #tpu.memory_space<vmem>> -> memref<1x128xi32, #tpu.memory_space<vmem>>
        %dma_wait3A_538 = tpu.memref_squeeze %dma_wait3A_537 : memref<1x128xi32, #tpu.memory_space<vmem>> -> memref<128xi32, #tpu.memory_space<vmem>>
        %dma_wait3A_539 = arith.constant 0 : i32
        %dma_wait3A_540 = arith.constant 0 : i32
        %dma_wait3A_541 = tpu.memref_slice %arg10[%dma_wait3A_539, %dma_wait3A_540] : memref<50048x32xf32, #tpu.memory_space<vmem_shared>> -> memref<50048x32xf32, #tpu.memory_space<vmem_shared>>
        tpu.wait_indirect_dma semaphore(%arg17 : memref<!tpu.dma_semaphore, #tpu.memory_space<semaphore_mem>>) src(%dma_wait3A_535 : memref<128x32xf32, #tpu.memory_space<vmem>>) dst(%dma_wait3A_541 : memref<50048x32xf32, #tpu.memory_space<vmem_shared>>)
        %dma_wait3A_542 = arith.constant 1 : i32
        %dma_wait3A_543 = arith.constant 1 : i32
        %dma_wait3A_544 = arith.constant 1 : i32
        %dma_wait3A_545 = arith.constant 0 : i32
        %dma_wait3A_546 = arith.constant 0 : i32
        %dma_wait3A_547 = tpu.memref_slice %arg13[%dma_wait3A_542, %dma_wait3A_543, %dma_wait3A_545, %dma_wait3A_546] : memref<2x3x128x32xf32, #tpu.memory_space<vmem>> -> memref<1x1x128x32xf32, #tpu.memory_space<vmem>>
        %dma_wait3A_548 = tpu.memref_squeeze %dma_wait3A_547 : memref<1x1x128x32xf32, #tpu.memory_space<vmem>> -> memref<128x32xf32, #tpu.memory_space<vmem>>
        %dma_wait3A_549 = arith.constant 128 : i32
        %dma_wait3A_550 = tpu.memref_slice %arg12[%dma_wait3A_544, %dma_wait3A_549] : memref<2x384xi32, #tpu.memory_space<vmem>> -> memref<1x128xi32, #tpu.memory_space<vmem>>
        %dma_wait3A_551 = tpu.memref_squeeze %dma_wait3A_550 : memref<1x128xi32, #tpu.memory_space<vmem>> -> memref<128xi32, #tpu.memory_space<vmem>>
        %dma_wait3A_552 = arith.constant 0 : i32
        %dma_wait3A_553 = arith.constant 0 : i32
        %dma_wait3A_554 = tpu.memref_slice %arg10[%dma_wait3A_552, %dma_wait3A_553] : memref<50048x32xf32, #tpu.memory_space<vmem_shared>> -> memref<50048x32xf32, #tpu.memory_space<vmem_shared>>
        tpu.wait_indirect_dma semaphore(%arg17 : memref<!tpu.dma_semaphore, #tpu.memory_space<semaphore_mem>>) src(%dma_wait3A_548 : memref<128x32xf32, #tpu.memory_space<vmem>>) dst(%dma_wait3A_554 : memref<50048x32xf32, #tpu.memory_space<vmem_shared>>)
        %dma_wait3A_555 = arith.constant 1 : i32
        %dma_wait3A_556 = arith.constant 2 : i32
        %dma_wait3A_557 = arith.constant 1 : i32
        %dma_wait3A_558 = arith.constant 0 : i32
        %dma_wait3A_559 = arith.constant 0 : i32
        %dma_wait3A_560 = tpu.memref_slice %arg13[%dma_wait3A_555, %dma_wait3A_556, %dma_wait3A_558, %dma_wait3A_559] : memref<2x3x128x32xf32, #tpu.memory_space<vmem>> -> memref<1x1x128x32xf32, #tpu.memory_space<vmem>>
        %dma_wait3A_561 = tpu.memref_squeeze %dma_wait3A_560 : memref<1x1x128x32xf32, #tpu.memory_space<vmem>> -> memref<128x32xf32, #tpu.memory_space<vmem>>
        %dma_wait3A_562 = arith.constant 256 : i32
        %dma_wait3A_563 = tpu.memref_slice %arg12[%dma_wait3A_557, %dma_wait3A_562] : memref<2x384xi32, #tpu.memory_space<vmem>> -> memref<1x128xi32, #tpu.memory_space<vmem>>
        %dma_wait3A_564 = tpu.memref_squeeze %dma_wait3A_563 : memref<1x128xi32, #tpu.memory_space<vmem>> -> memref<128xi32, #tpu.memory_space<vmem>>
        %dma_wait3A_565 = arith.constant 0 : i32
        %dma_wait3A_566 = arith.constant 0 : i32
        %dma_wait3A_567 = tpu.memref_slice %arg10[%dma_wait3A_565, %dma_wait3A_566] : memref<50048x32xf32, #tpu.memory_space<vmem_shared>> -> memref<50048x32xf32, #tpu.memory_space<vmem_shared>>
        tpu.wait_indirect_dma semaphore(%arg17 : memref<!tpu.dma_semaphore, #tpu.memory_space<semaphore_mem>>) src(%dma_wait3A_561 : memref<128x32xf32, #tpu.memory_space<vmem>>) dst(%dma_wait3A_567 : memref<50048x32xf32, #tpu.memory_space<vmem_shared>>)
        %add3A_568 = arith.constant 1 : i32
        %add3A_569 = arith.addi %mul3A_364, %add3A_568 : i32
        %mul3A_570 = arith.constant 132 : i32
        %mul3A_571 = arith.muli %arg1, %mul3A_570 : i32
        %add3A_572 = arith.addi %mul3A_571, %add3A_569 : i32
        %run_scoped3A_573 = arith.constant 1 : i32
        "tpu.region"() ({
          %run_scoped3A_695 = tpu.sem_alloc : memref<!tpu.dma_semaphore, #tpu.memory_space<semaphore_mem>>
          %dma_start3A_696 = arith.constant 0 : i32
          %dma_start3A_697 = tpu.memref_slice %arg11[%run_scoped3A_573, %dma_start3A_696] : memref<2x384xi32, #tpu.memory_space<vmem>> -> memref<1x384xi32, #tpu.memory_space<vmem>>
          %dma_start3A_698 = tpu.memref_squeeze %dma_start3A_697 : memref<1x384xi32, #tpu.memory_space<vmem>> -> memref<384xi32, #tpu.memory_space<vmem>>
          %dma_start3A_699 = arith.constant 0 : i32
          %dma_start3A_700 = tpu.memref_slice %arg6[%add3A_572, %dma_start3A_699] : memref<2112x384xi32, #tpu.memory_space<hbm>> -> memref<1x384xi32, #tpu.memory_space<hbm>>
          %dma_start3A_701 = tpu.memref_squeeze %dma_start3A_700 : memref<1x384xi32, #tpu.memory_space<hbm>> -> memref<384xi32, #tpu.memory_space<hbm>>
          %dma_start3A_702 = arith.constant 0 : i32
          %dma_start3A_703 = tpu.memref_slice %arg11[%run_scoped3A_573, %dma_start3A_702] : memref<2x384xi32, #tpu.memory_space<vmem>> -> memref<1x384xi32, #tpu.memory_space<vmem>>
          %dma_start3A_704 = tpu.memref_squeeze %dma_start3A_703 : memref<1x384xi32, #tpu.memory_space<vmem>> -> memref<384xi32, #tpu.memory_space<vmem>>
          %dma_start3A_705 = arith.constant 0 : i32
          %dma_start3A_706 = tpu.memref_slice %arg6[%add3A_572, %dma_start3A_705] : memref<2112x384xi32, #tpu.memory_space<hbm>> -> memref<1x384xi32, #tpu.memory_space<hbm>>
          %dma_start3A_707 = tpu.memref_squeeze %dma_start3A_706 : memref<1x384xi32, #tpu.memory_space<hbm>> -> memref<384xi32, #tpu.memory_space<hbm>>
          tpu.enqueue_dma source(%dma_start3A_707 : memref<384xi32, #tpu.memory_space<hbm>>) target(%dma_start3A_704 : memref<384xi32, #tpu.memory_space<vmem>>) target_semaphore(%run_scoped3A_695 : memref<!tpu.dma_semaphore, #tpu.memory_space<semaphore_mem>>)
          %dma_wait3A_708 = arith.constant 0 : i32
          %dma_wait3A_709 = tpu.memref_slice %arg11[%run_scoped3A_573, %dma_wait3A_708] : memref<2x384xi32, #tpu.memory_space<vmem>> -> memref<1x384xi32, #tpu.memory_space<vmem>>
          %dma_wait3A_710 = tpu.memref_squeeze %dma_wait3A_709 : memref<1x384xi32, #tpu.memory_space<vmem>> -> memref<384xi32, #tpu.memory_space<vmem>>
          %dma_wait3A_711 = arith.constant 0 : i32
          %dma_wait3A_712 = tpu.memref_slice %arg6[%add3A_572, %dma_wait3A_711] : memref<2112x384xi32, #tpu.memory_space<hbm>> -> memref<1x384xi32, #tpu.memory_space<hbm>>
          %dma_wait3A_713 = tpu.memref_squeeze %dma_wait3A_712 : memref<1x384xi32, #tpu.memory_space<hbm>> -> memref<384xi32, #tpu.memory_space<hbm>>
          %dma_wait3A_714 = arith.constant 0 : i32
          %dma_wait3A_715 = tpu.memref_slice %arg11[%run_scoped3A_573, %dma_wait3A_714] : memref<2x384xi32, #tpu.memory_space<vmem>> -> memref<1x384xi32, #tpu.memory_space<vmem>>
          %dma_wait3A_716 = tpu.memref_squeeze %dma_wait3A_715 : memref<1x384xi32, #tpu.memory_space<vmem>> -> memref<384xi32, #tpu.memory_space<vmem>>
          %dma_wait3A_717 = arith.constant 0 : i32
          %dma_wait3A_718 = tpu.memref_slice %arg6[%add3A_572, %dma_wait3A_717] : memref<2112x384xi32, #tpu.memory_space<hbm>> -> memref<1x384xi32, #tpu.memory_space<hbm>>
          %dma_wait3A_719 = tpu.memref_squeeze %dma_wait3A_718 : memref<1x384xi32, #tpu.memory_space<hbm>> -> memref<384xi32, #tpu.memory_space<hbm>>
          tpu.wait_dma2 semaphore(%run_scoped3A_695 : memref<!tpu.dma_semaphore, #tpu.memory_space<semaphore_mem>>) src(%dma_wait3A_719 : memref<384xi32, #tpu.memory_space<hbm>>) dst(%dma_wait3A_716 : memref<384xi32, #tpu.memory_space<vmem>>)
          tpu.yield
        }) : () -> ()
        %mul3A_574 = arith.constant 132 : i32
        %mul3A_575 = arith.muli %arg1, %mul3A_574 : i32
        %add3A_576 = arith.addi %mul3A_575, %add3A_569 : i32
        %run_scoped3A_577 = arith.constant 1 : i32
        "tpu.region"() ({
          %run_scoped3A_695 = tpu.sem_alloc : memref<!tpu.dma_semaphore, #tpu.memory_space<semaphore_mem>>
          %dma_start3A_696 = arith.constant 0 : i32
          %dma_start3A_697 = tpu.memref_slice %arg12[%run_scoped3A_577, %dma_start3A_696] : memref<2x384xi32, #tpu.memory_space<vmem>> -> memref<1x384xi32, #tpu.memory_space<vmem>>
          %dma_start3A_698 = tpu.memref_squeeze %dma_start3A_697 : memref<1x384xi32, #tpu.memory_space<vmem>> -> memref<384xi32, #tpu.memory_space<vmem>>
          %dma_start3A_699 = arith.constant 0 : i32
          %dma_start3A_700 = tpu.memref_slice %arg7[%add3A_576, %dma_start3A_699] : memref<2112x384xi32, #tpu.memory_space<hbm>> -> memref<1x384xi32, #tpu.memory_space<hbm>>
          %dma_start3A_701 = tpu.memref_squeeze %dma_start3A_700 : memref<1x384xi32, #tpu.memory_space<hbm>> -> memref<384xi32, #tpu.memory_space<hbm>>
          %dma_start3A_702 = arith.constant 0 : i32
          %dma_start3A_703 = tpu.memref_slice %arg12[%run_scoped3A_577, %dma_start3A_702] : memref<2x384xi32, #tpu.memory_space<vmem>> -> memref<1x384xi32, #tpu.memory_space<vmem>>
          %dma_start3A_704 = tpu.memref_squeeze %dma_start3A_703 : memref<1x384xi32, #tpu.memory_space<vmem>> -> memref<384xi32, #tpu.memory_space<vmem>>
          %dma_start3A_705 = arith.constant 0 : i32
          %dma_start3A_706 = tpu.memref_slice %arg7[%add3A_576, %dma_start3A_705] : memref<2112x384xi32, #tpu.memory_space<hbm>> -> memref<1x384xi32, #tpu.memory_space<hbm>>
          %dma_start3A_707 = tpu.memref_squeeze %dma_start3A_706 : memref<1x384xi32, #tpu.memory_space<hbm>> -> memref<384xi32, #tpu.memory_space<hbm>>
          tpu.enqueue_dma source(%dma_start3A_707 : memref<384xi32, #tpu.memory_space<hbm>>) target(%dma_start3A_704 : memref<384xi32, #tpu.memory_space<vmem>>) target_semaphore(%run_scoped3A_695 : memref<!tpu.dma_semaphore, #tpu.memory_space<semaphore_mem>>)
          %dma_wait3A_708 = arith.constant 0 : i32
          %dma_wait3A_709 = tpu.memref_slice %arg12[%run_scoped3A_577, %dma_wait3A_708] : memref<2x384xi32, #tpu.memory_space<vmem>> -> memref<1x384xi32, #tpu.memory_space<vmem>>
          %dma_wait3A_710 = tpu.memref_squeeze %dma_wait3A_709 : memref<1x384xi32, #tpu.memory_space<vmem>> -> memref<384xi32, #tpu.memory_space<vmem>>
          %dma_wait3A_711 = arith.constant 0 : i32
          %dma_wait3A_712 = tpu.memref_slice %arg7[%add3A_576, %dma_wait3A_711] : memref<2112x384xi32, #tpu.memory_space<hbm>> -> memref<1x384xi32, #tpu.memory_space<hbm>>
          %dma_wait3A_713 = tpu.memref_squeeze %dma_wait3A_712 : memref<1x384xi32, #tpu.memory_space<hbm>> -> memref<384xi32, #tpu.memory_space<hbm>>
          %dma_wait3A_714 = arith.constant 0 : i32
          %dma_wait3A_715 = tpu.memref_slice %arg12[%run_scoped3A_577, %dma_wait3A_714] : memref<2x384xi32, #tpu.memory_space<vmem>> -> memref<1x384xi32, #tpu.memory_space<vmem>>
          %dma_wait3A_716 = tpu.memref_squeeze %dma_wait3A_715 : memref<1x384xi32, #tpu.memory_space<vmem>> -> memref<384xi32, #tpu.memory_space<vmem>>
          %dma_wait3A_717 = arith.constant 0 : i32
          %dma_wait3A_718 = tpu.memref_slice %arg7[%add3A_576, %dma_wait3A_717] : memref<2112x384xi32, #tpu.memory_space<hbm>> -> memref<1x384xi32, #tpu.memory_space<hbm>>
          %dma_wait3A_719 = tpu.memref_squeeze %dma_wait3A_718 : memref<1x384xi32, #tpu.memory_space<hbm>> -> memref<384xi32, #tpu.memory_space<hbm>>
          tpu.wait_dma2 semaphore(%run_scoped3A_695 : memref<!tpu.dma_semaphore, #tpu.memory_space<semaphore_mem>>) src(%dma_wait3A_719 : memref<384xi32, #tpu.memory_space<hbm>>) dst(%dma_wait3A_716 : memref<384xi32, #tpu.memory_space<vmem>>)
          tpu.yield
        }) : () -> ()
        %dma_start3A_578 = arith.constant 1 : i32
        %dma_start3A_579 = arith.constant 1 : i32
        %dma_start3A_580 = arith.constant 0 : i32
        %dma_start3A_581 = arith.constant 0 : i32
        %dma_start3A_582 = arith.constant 0 : i32
        %dma_start3A_583 = tpu.memref_slice %arg13[%dma_start3A_579, %dma_start3A_580, %dma_start3A_581, %dma_start3A_582] : memref<2x3x128x32xf32, #tpu.memory_space<vmem>> -> memref<1x1x128x32xf32, #tpu.memory_space<vmem>>
        %dma_start3A_584 = tpu.memref_squeeze %dma_start3A_583 : memref<1x1x128x32xf32, #tpu.memory_space<vmem>> -> memref<128x32xf32, #tpu.memory_space<vmem>>
        %dma_start3A_585 = arith.constant 0 : i32
        %dma_start3A_586 = tpu.memref_slice %arg11[%dma_start3A_578, %dma_start3A_585] : memref<2x384xi32, #tpu.memory_space<vmem>> -> memref<1x128xi32, #tpu.memory_space<vmem>>
        %dma_start3A_587 = tpu.memref_squeeze %dma_start3A_586 : memref<1x128xi32, #tpu.memory_space<vmem>> -> memref<128xi32, #tpu.memory_space<vmem>>
        %dma_start3A_588 = arith.constant 0 : i32
        %dma_start3A_589 = arith.constant 0 : i32
        %dma_start3A_590 = tpu.memref_slice %arg2[%dma_start3A_588, %dma_start3A_589] : memref<50048x32xf32, #tpu.memory_space<hbm>> -> memref<50048x32xf32, #tpu.memory_space<hbm>>
        tpu.enqueue_indirect_dma source(%dma_start3A_590 : memref<50048x32xf32, #tpu.memory_space<hbm>>) target(%dma_start3A_584 : memref<128x32xf32, #tpu.memory_space<vmem>>) offsets(%dma_start3A_587 : memref<128xi32, #tpu.memory_space<vmem>>) semaphore(%arg15 : memref<!tpu.dma_semaphore, #tpu.memory_space<semaphore_mem>>)
        %dma_start3A_591 = arith.constant 1 : i32
        %dma_start3A_592 = arith.constant 1 : i32
        %dma_start3A_593 = arith.constant 1 : i32
        %dma_start3A_594 = arith.constant 0 : i32
        %dma_start3A_595 = arith.constant 0 : i32
        %dma_start3A_596 = tpu.memref_slice %arg13[%dma_start3A_592, %dma_start3A_593, %dma_start3A_594, %dma_start3A_595] : memref<2x3x128x32xf32, #tpu.memory_space<vmem>> -> memref<1x1x128x32xf32, #tpu.memory_space<vmem>>
        %dma_start3A_597 = tpu.memref_squeeze %dma_start3A_596 : memref<1x1x128x32xf32, #tpu.memory_space<vmem>> -> memref<128x32xf32, #tpu.memory_space<vmem>>
        %dma_start3A_598 = arith.constant 128 : i32
        %dma_start3A_599 = tpu.memref_slice %arg11[%dma_start3A_591, %dma_start3A_598] : memref<2x384xi32, #tpu.memory_space<vmem>> -> memref<1x128xi32, #tpu.memory_space<vmem>>
        %dma_start3A_600 = tpu.memref_squeeze %dma_start3A_599 : memref<1x128xi32, #tpu.memory_space<vmem>> -> memref<128xi32, #tpu.memory_space<vmem>>
        %dma_start3A_601 = arith.constant 0 : i32
        %dma_start3A_602 = arith.constant 0 : i32
        %dma_start3A_603 = tpu.memref_slice %arg2[%dma_start3A_601, %dma_start3A_602] : memref<50048x32xf32, #tpu.memory_space<hbm>> -> memref<50048x32xf32, #tpu.memory_space<hbm>>
        tpu.enqueue_indirect_dma source(%dma_start3A_603 : memref<50048x32xf32, #tpu.memory_space<hbm>>) target(%dma_start3A_597 : memref<128x32xf32, #tpu.memory_space<vmem>>) offsets(%dma_start3A_600 : memref<128xi32, #tpu.memory_space<vmem>>) semaphore(%arg15 : memref<!tpu.dma_semaphore, #tpu.memory_space<semaphore_mem>>)
        %dma_start3A_604 = arith.constant 1 : i32
        %dma_start3A_605 = arith.constant 1 : i32
        %dma_start3A_606 = arith.constant 2 : i32
        %dma_start3A_607 = arith.constant 0 : i32
        %dma_start3A_608 = arith.constant 0 : i32
        %dma_start3A_609 = tpu.memref_slice %arg13[%dma_start3A_605, %dma_start3A_606, %dma_start3A_607, %dma_start3A_608] : memref<2x3x128x32xf32, #tpu.memory_space<vmem>> -> memref<1x1x128x32xf32, #tpu.memory_space<vmem>>
        %dma_start3A_610 = tpu.memref_squeeze %dma_start3A_609 : memref<1x1x128x32xf32, #tpu.memory_space<vmem>> -> memref<128x32xf32, #tpu.memory_space<vmem>>
        %dma_start3A_611 = arith.constant 256 : i32
        %dma_start3A_612 = tpu.memref_slice %arg11[%dma_start3A_604, %dma_start3A_611] : memref<2x384xi32, #tpu.memory_space<vmem>> -> memref<1x128xi32, #tpu.memory_space<vmem>>
        %dma_start3A_613 = tpu.memref_squeeze %dma_start3A_612 : memref<1x128xi32, #tpu.memory_space<vmem>> -> memref<128xi32, #tpu.memory_space<vmem>>
        %dma_start3A_614 = arith.constant 0 : i32
        %dma_start3A_615 = arith.constant 0 : i32
        %dma_start3A_616 = tpu.memref_slice %arg2[%dma_start3A_614, %dma_start3A_615] : memref<50048x32xf32, #tpu.memory_space<hbm>> -> memref<50048x32xf32, #tpu.memory_space<hbm>>
        tpu.enqueue_indirect_dma source(%dma_start3A_616 : memref<50048x32xf32, #tpu.memory_space<hbm>>) target(%dma_start3A_610 : memref<128x32xf32, #tpu.memory_space<vmem>>) offsets(%dma_start3A_613 : memref<128xi32, #tpu.memory_space<vmem>>) semaphore(%arg15 : memref<!tpu.dma_semaphore, #tpu.memory_space<semaphore_mem>>)
        %dma_wait3A_617 = arith.constant 0 : i32
        %dma_wait3A_618 = arith.constant 0 : i32
        %dma_wait3A_619 = arith.constant 0 : i32
        %dma_wait3A_620 = arith.constant 0 : i32
        %dma_wait3A_621 = arith.constant 0 : i32
        %dma_wait3A_622 = tpu.memref_slice %arg13[%dma_wait3A_618, %dma_wait3A_619, %dma_wait3A_620, %dma_wait3A_621] : memref<2x3x128x32xf32, #tpu.memory_space<vmem>> -> memref<1x1x128x32xf32, #tpu.memory_space<vmem>>
        %dma_wait3A_623 = tpu.memref_squeeze %dma_wait3A_622 : memref<1x1x128x32xf32, #tpu.memory_space<vmem>> -> memref<128x32xf32, #tpu.memory_space<vmem>>
        %dma_wait3A_624 = arith.constant 0 : i32
        %dma_wait3A_625 = tpu.memref_slice %arg11[%dma_wait3A_617, %dma_wait3A_624] : memref<2x384xi32, #tpu.memory_space<vmem>> -> memref<1x128xi32, #tpu.memory_space<vmem>>
        %dma_wait3A_626 = tpu.memref_squeeze %dma_wait3A_625 : memref<1x128xi32, #tpu.memory_space<vmem>> -> memref<128xi32, #tpu.memory_space<vmem>>
        %dma_wait3A_627 = arith.constant 0 : i32
        %dma_wait3A_628 = arith.constant 0 : i32
        %dma_wait3A_629 = tpu.memref_slice %arg2[%dma_wait3A_627, %dma_wait3A_628] : memref<50048x32xf32, #tpu.memory_space<hbm>> -> memref<50048x32xf32, #tpu.memory_space<hbm>>
        tpu.wait_indirect_dma semaphore(%arg14 : memref<!tpu.dma_semaphore, #tpu.memory_space<semaphore_mem>>) src(%dma_wait3A_629 : memref<50048x32xf32, #tpu.memory_space<hbm>>) dst(%dma_wait3A_623 : memref<128x32xf32, #tpu.memory_space<vmem>>)
        %dma_wait3A_630 = arith.constant 0 : i32
        %dma_wait3A_631 = arith.constant 0 : i32
        %dma_wait3A_632 = arith.constant 1 : i32
        %dma_wait3A_633 = arith.constant 0 : i32
        %dma_wait3A_634 = arith.constant 0 : i32
        %dma_wait3A_635 = tpu.memref_slice %arg13[%dma_wait3A_631, %dma_wait3A_632, %dma_wait3A_633, %dma_wait3A_634] : memref<2x3x128x32xf32, #tpu.memory_space<vmem>> -> memref<1x1x128x32xf32, #tpu.memory_space<vmem>>
        %dma_wait3A_636 = tpu.memref_squeeze %dma_wait3A_635 : memref<1x1x128x32xf32, #tpu.memory_space<vmem>> -> memref<128x32xf32, #tpu.memory_space<vmem>>
        %dma_wait3A_637 = arith.constant 128 : i32
        %dma_wait3A_638 = tpu.memref_slice %arg11[%dma_wait3A_630, %dma_wait3A_637] : memref<2x384xi32, #tpu.memory_space<vmem>> -> memref<1x128xi32, #tpu.memory_space<vmem>>
        %dma_wait3A_639 = tpu.memref_squeeze %dma_wait3A_638 : memref<1x128xi32, #tpu.memory_space<vmem>> -> memref<128xi32, #tpu.memory_space<vmem>>
        %dma_wait3A_640 = arith.constant 0 : i32
        %dma_wait3A_641 = arith.constant 0 : i32
        %dma_wait3A_642 = tpu.memref_slice %arg2[%dma_wait3A_640, %dma_wait3A_641] : memref<50048x32xf32, #tpu.memory_space<hbm>> -> memref<50048x32xf32, #tpu.memory_space<hbm>>
        tpu.wait_indirect_dma semaphore(%arg14 : memref<!tpu.dma_semaphore, #tpu.memory_space<semaphore_mem>>) src(%dma_wait3A_642 : memref<50048x32xf32, #tpu.memory_space<hbm>>) dst(%dma_wait3A_636 : memref<128x32xf32, #tpu.memory_space<vmem>>)
        %dma_wait3A_643 = arith.constant 0 : i32
        %dma_wait3A_644 = arith.constant 0 : i32
        %dma_wait3A_645 = arith.constant 2 : i32
        %dma_wait3A_646 = arith.constant 0 : i32
        %dma_wait3A_647 = arith.constant 0 : i32
        %dma_wait3A_648 = tpu.memref_slice %arg13[%dma_wait3A_644, %dma_wait3A_645, %dma_wait3A_646, %dma_wait3A_647] : memref<2x3x128x32xf32, #tpu.memory_space<vmem>> -> memref<1x1x128x32xf32, #tpu.memory_space<vmem>>
        %dma_wait3A_649 = tpu.memref_squeeze %dma_wait3A_648 : memref<1x1x128x32xf32, #tpu.memory_space<vmem>> -> memref<128x32xf32, #tpu.memory_space<vmem>>
        %dma_wait3A_650 = arith.constant 256 : i32
        %dma_wait3A_651 = tpu.memref_slice %arg11[%dma_wait3A_643, %dma_wait3A_650] : memref<2x384xi32, #tpu.memory_space<vmem>> -> memref<1x128xi32, #tpu.memory_space<vmem>>
        %dma_wait3A_652 = tpu.memref_squeeze %dma_wait3A_651 : memref<1x128xi32, #tpu.memory_space<vmem>> -> memref<128xi32, #tpu.memory_space<vmem>>
        %dma_wait3A_653 = arith.constant 0 : i32
        %dma_wait3A_654 = arith.constant 0 : i32
        %dma_wait3A_655 = tpu.memref_slice %arg2[%dma_wait3A_653, %dma_wait3A_654] : memref<50048x32xf32, #tpu.memory_space<hbm>> -> memref<50048x32xf32, #tpu.memory_space<hbm>>
        tpu.wait_indirect_dma semaphore(%arg14 : memref<!tpu.dma_semaphore, #tpu.memory_space<semaphore_mem>>) src(%dma_wait3A_655 : memref<50048x32xf32, #tpu.memory_space<hbm>>) dst(%dma_wait3A_649 : memref<128x32xf32, #tpu.memory_space<vmem>>)
        %dma_start3A_656 = arith.constant 0 : i32
        %dma_start3A_657 = arith.constant 0 : i32
        %dma_start3A_658 = arith.constant 0 : i32
        %dma_start3A_659 = arith.constant 0 : i32
        %dma_start3A_660 = arith.constant 0 : i32
        %dma_start3A_661 = tpu.memref_slice %arg13[%dma_start3A_656, %dma_start3A_657, %dma_start3A_659, %dma_start3A_660] : memref<2x3x128x32xf32, #tpu.memory_space<vmem>> -> memref<1x1x128x32xf32, #tpu.memory_space<vmem>>
        %dma_start3A_662 = tpu.memref_squeeze %dma_start3A_661 : memref<1x1x128x32xf32, #tpu.memory_space<vmem>> -> memref<128x32xf32, #tpu.memory_space<vmem>>
        %dma_start3A_663 = arith.constant 0 : i32
        %dma_start3A_664 = tpu.memref_slice %arg12[%dma_start3A_658, %dma_start3A_663] : memref<2x384xi32, #tpu.memory_space<vmem>> -> memref<1x128xi32, #tpu.memory_space<vmem>>
        %dma_start3A_665 = tpu.memref_squeeze %dma_start3A_664 : memref<1x128xi32, #tpu.memory_space<vmem>> -> memref<128xi32, #tpu.memory_space<vmem>>
        %dma_start3A_666 = arith.constant 0 : i32
        %dma_start3A_667 = arith.constant 0 : i32
        %dma_start3A_668 = tpu.memref_slice %arg10[%dma_start3A_666, %dma_start3A_667] : memref<50048x32xf32, #tpu.memory_space<vmem_shared>> -> memref<50048x32xf32, #tpu.memory_space<vmem_shared>>
        tpu.enqueue_indirect_dma source(%dma_start3A_662 : memref<128x32xf32, #tpu.memory_space<vmem>>) target(%dma_start3A_668 : memref<50048x32xf32, #tpu.memory_space<vmem_shared>>) offsets(%dma_start3A_665 : memref<128xi32, #tpu.memory_space<vmem>>) semaphore(%arg16 : memref<!tpu.dma_semaphore, #tpu.memory_space<semaphore_mem>>) {add = true}
        %dma_start3A_669 = arith.constant 0 : i32
        %dma_start3A_670 = arith.constant 1 : i32
        %dma_start3A_671 = arith.constant 0 : i32
        %dma_start3A_672 = arith.constant 0 : i32
        %dma_start3A_673 = arith.constant 0 : i32
        %dma_start3A_674 = tpu.memref_slice %arg13[%dma_start3A_669, %dma_start3A_670, %dma_start3A_672, %dma_start3A_673] : memref<2x3x128x32xf32, #tpu.memory_space<vmem>> -> memref<1x1x128x32xf32, #tpu.memory_space<vmem>>
        %dma_start3A_675 = tpu.memref_squeeze %dma_start3A_674 : memref<1x1x128x32xf32, #tpu.memory_space<vmem>> -> memref<128x32xf32, #tpu.memory_space<vmem>>
        %dma_start3A_676 = arith.constant 128 : i32
        %dma_start3A_677 = tpu.memref_slice %arg12[%dma_start3A_671, %dma_start3A_676] : memref<2x384xi32, #tpu.memory_space<vmem>> -> memref<1x128xi32, #tpu.memory_space<vmem>>
        %dma_start3A_678 = tpu.memref_squeeze %dma_start3A_677 : memref<1x128xi32, #tpu.memory_space<vmem>> -> memref<128xi32, #tpu.memory_space<vmem>>
        %dma_start3A_679 = arith.constant 0 : i32
        %dma_start3A_680 = arith.constant 0 : i32
        %dma_start3A_681 = tpu.memref_slice %arg10[%dma_start3A_679, %dma_start3A_680] : memref<50048x32xf32, #tpu.memory_space<vmem_shared>> -> memref<50048x32xf32, #tpu.memory_space<vmem_shared>>
        tpu.enqueue_indirect_dma source(%dma_start3A_675 : memref<128x32xf32, #tpu.memory_space<vmem>>) target(%dma_start3A_681 : memref<50048x32xf32, #tpu.memory_space<vmem_shared>>) offsets(%dma_start3A_678 : memref<128xi32, #tpu.memory_space<vmem>>) semaphore(%arg16 : memref<!tpu.dma_semaphore, #tpu.memory_space<semaphore_mem>>) {add = true}
        %dma_start3A_682 = arith.constant 0 : i32
        %dma_start3A_683 = arith.constant 2 : i32
        %dma_start3A_684 = arith.constant 0 : i32
        %dma_start3A_685 = arith.constant 0 : i32
        %dma_start3A_686 = arith.constant 0 : i32
        %dma_start3A_687 = tpu.memref_slice %arg13[%dma_start3A_682, %dma_start3A_683, %dma_start3A_685, %dma_start3A_686] : memref<2x3x128x32xf32, #tpu.memory_space<vmem>> -> memref<1x1x128x32xf32, #tpu.memory_space<vmem>>
        %dma_start3A_688 = tpu.memref_squeeze %dma_start3A_687 : memref<1x1x128x32xf32, #tpu.memory_space<vmem>> -> memref<128x32xf32, #tpu.memory_space<vmem>>
        %dma_start3A_689 = arith.constant 256 : i32
        %dma_start3A_690 = tpu.memref_slice %arg12[%dma_start3A_684, %dma_start3A_689] : memref<2x384xi32, #tpu.memory_space<vmem>> -> memref<1x128xi32, #tpu.memory_space<vmem>>
        %dma_start3A_691 = tpu.memref_squeeze %dma_start3A_690 : memref<1x128xi32, #tpu.memory_space<vmem>> -> memref<128xi32, #tpu.memory_space<vmem>>
        %dma_start3A_692 = arith.constant 0 : i32
        %dma_start3A_693 = arith.constant 0 : i32
        %dma_start3A_694 = tpu.memref_slice %arg10[%dma_start3A_692, %dma_start3A_693] : memref<50048x32xf32, #tpu.memory_space<vmem_shared>> -> memref<50048x32xf32, #tpu.memory_space<vmem_shared>>
        tpu.enqueue_indirect_dma source(%dma_start3A_688 : memref<128x32xf32, #tpu.memory_space<vmem>>) target(%dma_start3A_694 : memref<50048x32xf32, #tpu.memory_space<vmem_shared>>) offsets(%dma_start3A_691 : memref<128xi32, #tpu.memory_space<vmem>>) semaphore(%arg16 : memref<!tpu.dma_semaphore, #tpu.memory_space<semaphore_mem>>) {add = true}
      }
      %scan3A_205 = arith.constant 65 : i32
      %dma_wait3A_206 = arith.constant 1 : i32
      %dma_wait3A_207 = arith.constant 1 : i32
      %dma_wait3A_208 = arith.constant 0 : i32
      %dma_wait3A_209 = arith.constant 0 : i32
      %dma_wait3A_210 = arith.constant 0 : i32
      %dma_wait3A_211 = tpu.memref_slice %arg13[%dma_wait3A_207, %dma_wait3A_208, %dma_wait3A_209, %dma_wait3A_210] : memref<2x3x128x32xf32, #tpu.memory_space<vmem>> -> memref<1x1x128x32xf32, #tpu.memory_space<vmem>>
      %dma_wait3A_212 = tpu.memref_squeeze %dma_wait3A_211 : memref<1x1x128x32xf32, #tpu.memory_space<vmem>> -> memref<128x32xf32, #tpu.memory_space<vmem>>
      %dma_wait3A_213 = arith.constant 0 : i32
      %dma_wait3A_214 = tpu.memref_slice %arg11[%dma_wait3A_206, %dma_wait3A_213] : memref<2x384xi32, #tpu.memory_space<vmem>> -> memref<1x128xi32, #tpu.memory_space<vmem>>
      %dma_wait3A_215 = tpu.memref_squeeze %dma_wait3A_214 : memref<1x128xi32, #tpu.memory_space<vmem>> -> memref<128xi32, #tpu.memory_space<vmem>>
      %dma_wait3A_216 = arith.constant 0 : i32
      %dma_wait3A_217 = arith.constant 0 : i32
      %dma_wait3A_218 = tpu.memref_slice %arg2[%dma_wait3A_216, %dma_wait3A_217] : memref<50048x32xf32, #tpu.memory_space<hbm>> -> memref<50048x32xf32, #tpu.memory_space<hbm>>
      tpu.wait_indirect_dma semaphore(%arg15 : memref<!tpu.dma_semaphore, #tpu.memory_space<semaphore_mem>>) src(%dma_wait3A_218 : memref<50048x32xf32, #tpu.memory_space<hbm>>) dst(%dma_wait3A_212 : memref<128x32xf32, #tpu.memory_space<vmem>>)
      %dma_wait3A_219 = arith.constant 1 : i32
      %dma_wait3A_220 = arith.constant 1 : i32
      %dma_wait3A_221 = arith.constant 1 : i32
      %dma_wait3A_222 = arith.constant 0 : i32
      %dma_wait3A_223 = arith.constant 0 : i32
      %dma_wait3A_224 = tpu.memref_slice %arg13[%dma_wait3A_220, %dma_wait3A_221, %dma_wait3A_222, %dma_wait3A_223] : memref<2x3x128x32xf32, #tpu.memory_space<vmem>> -> memref<1x1x128x32xf32, #tpu.memory_space<vmem>>
      %dma_wait3A_225 = tpu.memref_squeeze %dma_wait3A_224 : memref<1x1x128x32xf32, #tpu.memory_space<vmem>> -> memref<128x32xf32, #tpu.memory_space<vmem>>
      %dma_wait3A_226 = arith.constant 128 : i32
      %dma_wait3A_227 = tpu.memref_slice %arg11[%dma_wait3A_219, %dma_wait3A_226] : memref<2x384xi32, #tpu.memory_space<vmem>> -> memref<1x128xi32, #tpu.memory_space<vmem>>
      %dma_wait3A_228 = tpu.memref_squeeze %dma_wait3A_227 : memref<1x128xi32, #tpu.memory_space<vmem>> -> memref<128xi32, #tpu.memory_space<vmem>>
      %dma_wait3A_229 = arith.constant 0 : i32
      %dma_wait3A_230 = arith.constant 0 : i32
      %dma_wait3A_231 = tpu.memref_slice %arg2[%dma_wait3A_229, %dma_wait3A_230] : memref<50048x32xf32, #tpu.memory_space<hbm>> -> memref<50048x32xf32, #tpu.memory_space<hbm>>
      tpu.wait_indirect_dma semaphore(%arg15 : memref<!tpu.dma_semaphore, #tpu.memory_space<semaphore_mem>>) src(%dma_wait3A_231 : memref<50048x32xf32, #tpu.memory_space<hbm>>) dst(%dma_wait3A_225 : memref<128x32xf32, #tpu.memory_space<vmem>>)
      %dma_wait3A_232 = arith.constant 1 : i32
      %dma_wait3A_233 = arith.constant 1 : i32
      %dma_wait3A_234 = arith.constant 2 : i32
      %dma_wait3A_235 = arith.constant 0 : i32
      %dma_wait3A_236 = arith.constant 0 : i32
      %dma_wait3A_237 = tpu.memref_slice %arg13[%dma_wait3A_233, %dma_wait3A_234, %dma_wait3A_235, %dma_wait3A_236] : memref<2x3x128x32xf32, #tpu.memory_space<vmem>> -> memref<1x1x128x32xf32, #tpu.memory_space<vmem>>
      %dma_wait3A_238 = tpu.memref_squeeze %dma_wait3A_237 : memref<1x1x128x32xf32, #tpu.memory_space<vmem>> -> memref<128x32xf32, #tpu.memory_space<vmem>>
      %dma_wait3A_239 = arith.constant 256 : i32
      %dma_wait3A_240 = tpu.memref_slice %arg11[%dma_wait3A_232, %dma_wait3A_239] : memref<2x384xi32, #tpu.memory_space<vmem>> -> memref<1x128xi32, #tpu.memory_space<vmem>>
      %dma_wait3A_241 = tpu.memref_squeeze %dma_wait3A_240 : memref<1x128xi32, #tpu.memory_space<vmem>> -> memref<128xi32, #tpu.memory_space<vmem>>
      %dma_wait3A_242 = arith.constant 0 : i32
      %dma_wait3A_243 = arith.constant 0 : i32
      %dma_wait3A_244 = tpu.memref_slice %arg2[%dma_wait3A_242, %dma_wait3A_243] : memref<50048x32xf32, #tpu.memory_space<hbm>> -> memref<50048x32xf32, #tpu.memory_space<hbm>>
      tpu.wait_indirect_dma semaphore(%arg15 : memref<!tpu.dma_semaphore, #tpu.memory_space<semaphore_mem>>) src(%dma_wait3A_244 : memref<50048x32xf32, #tpu.memory_space<hbm>>) dst(%dma_wait3A_238 : memref<128x32xf32, #tpu.memory_space<vmem>>)
      %dma_start3A_245 = arith.constant 1 : i32
      %dma_start3A_246 = arith.constant 0 : i32
      %dma_start3A_247 = arith.constant 1 : i32
      %dma_start3A_248 = arith.constant 0 : i32
      %dma_start3A_249 = arith.constant 0 : i32
      %dma_start3A_250 = tpu.memref_slice %arg13[%dma_start3A_245, %dma_start3A_246, %dma_start3A_248, %dma_start3A_249] : memref<2x3x128x32xf32, #tpu.memory_space<vmem>> -> memref<1x1x128x32xf32, #tpu.memory_space<vmem>>
      %dma_start3A_251 = tpu.memref_squeeze %dma_start3A_250 : memref<1x1x128x32xf32, #tpu.memory_space<vmem>> -> memref<128x32xf32, #tpu.memory_space<vmem>>
      %dma_start3A_252 = arith.constant 0 : i32
      %dma_start3A_253 = tpu.memref_slice %arg12[%dma_start3A_247, %dma_start3A_252] : memref<2x384xi32, #tpu.memory_space<vmem>> -> memref<1x128xi32, #tpu.memory_space<vmem>>
      %dma_start3A_254 = tpu.memref_squeeze %dma_start3A_253 : memref<1x128xi32, #tpu.memory_space<vmem>> -> memref<128xi32, #tpu.memory_space<vmem>>
      %dma_start3A_255 = arith.constant 0 : i32
      %dma_start3A_256 = arith.constant 0 : i32
      %dma_start3A_257 = tpu.memref_slice %arg10[%dma_start3A_255, %dma_start3A_256] : memref<50048x32xf32, #tpu.memory_space<vmem_shared>> -> memref<50048x32xf32, #tpu.memory_space<vmem_shared>>
      tpu.enqueue_indirect_dma source(%dma_start3A_251 : memref<128x32xf32, #tpu.memory_space<vmem>>) target(%dma_start3A_257 : memref<50048x32xf32, #tpu.memory_space<vmem_shared>>) offsets(%dma_start3A_254 : memref<128xi32, #tpu.memory_space<vmem>>) semaphore(%arg17 : memref<!tpu.dma_semaphore, #tpu.memory_space<semaphore_mem>>) {add = true}
      %dma_start3A_258 = arith.constant 1 : i32
      %dma_start3A_259 = arith.constant 1 : i32
      %dma_start3A_260 = arith.constant 1 : i32
      %dma_start3A_261 = arith.constant 0 : i32
      %dma_start3A_262 = arith.constant 0 : i32
      %dma_start3A_263 = tpu.memref_slice %arg13[%dma_start3A_258, %dma_start3A_259, %dma_start3A_261, %dma_start3A_262] : memref<2x3x128x32xf32, #tpu.memory_space<vmem>> -> memref<1x1x128x32xf32, #tpu.memory_space<vmem>>
      %dma_start3A_264 = tpu.memref_squeeze %dma_start3A_263 : memref<1x1x128x32xf32, #tpu.memory_space<vmem>> -> memref<128x32xf32, #tpu.memory_space<vmem>>
      %dma_start3A_265 = arith.constant 128 : i32
      %dma_start3A_266 = tpu.memref_slice %arg12[%dma_start3A_260, %dma_start3A_265] : memref<2x384xi32, #tpu.memory_space<vmem>> -> memref<1x128xi32, #tpu.memory_space<vmem>>
      %dma_start3A_267 = tpu.memref_squeeze %dma_start3A_266 : memref<1x128xi32, #tpu.memory_space<vmem>> -> memref<128xi32, #tpu.memory_space<vmem>>
      %dma_start3A_268 = arith.constant 0 : i32
      %dma_start3A_269 = arith.constant 0 : i32
      %dma_start3A_270 = tpu.memref_slice %arg10[%dma_start3A_268, %dma_start3A_269] : memref<50048x32xf32, #tpu.memory_space<vmem_shared>> -> memref<50048x32xf32, #tpu.memory_space<vmem_shared>>
      tpu.enqueue_indirect_dma source(%dma_start3A_264 : memref<128x32xf32, #tpu.memory_space<vmem>>) target(%dma_start3A_270 : memref<50048x32xf32, #tpu.memory_space<vmem_shared>>) offsets(%dma_start3A_267 : memref<128xi32, #tpu.memory_space<vmem>>) semaphore(%arg17 : memref<!tpu.dma_semaphore, #tpu.memory_space<semaphore_mem>>) {add = true}
      %dma_start3A_271 = arith.constant 1 : i32
      %dma_start3A_272 = arith.constant 2 : i32
      %dma_start3A_273 = arith.constant 1 : i32
      %dma_start3A_274 = arith.constant 0 : i32
      %dma_start3A_275 = arith.constant 0 : i32
      %dma_start3A_276 = tpu.memref_slice %arg13[%dma_start3A_271, %dma_start3A_272, %dma_start3A_274, %dma_start3A_275] : memref<2x3x128x32xf32, #tpu.memory_space<vmem>> -> memref<1x1x128x32xf32, #tpu.memory_space<vmem>>
      %dma_start3A_277 = tpu.memref_squeeze %dma_start3A_276 : memref<1x1x128x32xf32, #tpu.memory_space<vmem>> -> memref<128x32xf32, #tpu.memory_space<vmem>>
      %dma_start3A_278 = arith.constant 256 : i32
      %dma_start3A_279 = tpu.memref_slice %arg12[%dma_start3A_273, %dma_start3A_278] : memref<2x384xi32, #tpu.memory_space<vmem>> -> memref<1x128xi32, #tpu.memory_space<vmem>>
      %dma_start3A_280 = tpu.memref_squeeze %dma_start3A_279 : memref<1x128xi32, #tpu.memory_space<vmem>> -> memref<128xi32, #tpu.memory_space<vmem>>
      %dma_start3A_281 = arith.constant 0 : i32
      %dma_start3A_282 = arith.constant 0 : i32
      %dma_start3A_283 = tpu.memref_slice %arg10[%dma_start3A_281, %dma_start3A_282] : memref<50048x32xf32, #tpu.memory_space<vmem_shared>> -> memref<50048x32xf32, #tpu.memory_space<vmem_shared>>
      tpu.enqueue_indirect_dma source(%dma_start3A_277 : memref<128x32xf32, #tpu.memory_space<vmem>>) target(%dma_start3A_283 : memref<50048x32xf32, #tpu.memory_space<vmem_shared>>) offsets(%dma_start3A_280 : memref<128xi32, #tpu.memory_space<vmem>>) semaphore(%arg17 : memref<!tpu.dma_semaphore, #tpu.memory_space<semaphore_mem>>) {add = true}
      %dma_wait3A_284 = arith.constant 0 : i32
      %dma_wait3A_285 = arith.constant 0 : i32
      %dma_wait3A_286 = arith.constant 0 : i32
      %dma_wait3A_287 = arith.constant 0 : i32
      %dma_wait3A_288 = arith.constant 0 : i32
      %dma_wait3A_289 = tpu.memref_slice %arg13[%dma_wait3A_284, %dma_wait3A_285, %dma_wait3A_287, %dma_wait3A_288] : memref<2x3x128x32xf32, #tpu.memory_space<vmem>> -> memref<1x1x128x32xf32, #tpu.memory_space<vmem>>
      %dma_wait3A_290 = tpu.memref_squeeze %dma_wait3A_289 : memref<1x1x128x32xf32, #tpu.memory_space<vmem>> -> memref<128x32xf32, #tpu.memory_space<vmem>>
      %dma_wait3A_291 = arith.constant 0 : i32
      %dma_wait3A_292 = tpu.memref_slice %arg12[%dma_wait3A_286, %dma_wait3A_291] : memref<2x384xi32, #tpu.memory_space<vmem>> -> memref<1x128xi32, #tpu.memory_space<vmem>>
      %dma_wait3A_293 = tpu.memref_squeeze %dma_wait3A_292 : memref<1x128xi32, #tpu.memory_space<vmem>> -> memref<128xi32, #tpu.memory_space<vmem>>
      %dma_wait3A_294 = arith.constant 0 : i32
      %dma_wait3A_295 = arith.constant 0 : i32
      %dma_wait3A_296 = tpu.memref_slice %arg10[%dma_wait3A_294, %dma_wait3A_295] : memref<50048x32xf32, #tpu.memory_space<vmem_shared>> -> memref<50048x32xf32, #tpu.memory_space<vmem_shared>>
      tpu.wait_indirect_dma semaphore(%arg16 : memref<!tpu.dma_semaphore, #tpu.memory_space<semaphore_mem>>) src(%dma_wait3A_290 : memref<128x32xf32, #tpu.memory_space<vmem>>) dst(%dma_wait3A_296 : memref<50048x32xf32, #tpu.memory_space<vmem_shared>>)
      %dma_wait3A_297 = arith.constant 0 : i32
      %dma_wait3A_298 = arith.constant 1 : i32
      %dma_wait3A_299 = arith.constant 0 : i32
      %dma_wait3A_300 = arith.constant 0 : i32
      %dma_wait3A_301 = arith.constant 0 : i32
      %dma_wait3A_302 = tpu.memref_slice %arg13[%dma_wait3A_297, %dma_wait3A_298, %dma_wait3A_300, %dma_wait3A_301] : memref<2x3x128x32xf32, #tpu.memory_space<vmem>> -> memref<1x1x128x32xf32, #tpu.memory_space<vmem>>
      %dma_wait3A_303 = tpu.memref_squeeze %dma_wait3A_302 : memref<1x1x128x32xf32, #tpu.memory_space<vmem>> -> memref<128x32xf32, #tpu.memory_space<vmem>>
      %dma_wait3A_304 = arith.constant 128 : i32
      %dma_wait3A_305 = tpu.memref_slice %arg12[%dma_wait3A_299, %dma_wait3A_304] : memref<2x384xi32, #tpu.memory_space<vmem>> -> memref<1x128xi32, #tpu.memory_space<vmem>>
      %dma_wait3A_306 = tpu.memref_squeeze %dma_wait3A_305 : memref<1x128xi32, #tpu.memory_space<vmem>> -> memref<128xi32, #tpu.memory_space<vmem>>
      %dma_wait3A_307 = arith.constant 0 : i32
      %dma_wait3A_308 = arith.constant 0 : i32
      %dma_wait3A_309 = tpu.memref_slice %arg10[%dma_wait3A_307, %dma_wait3A_308] : memref<50048x32xf32, #tpu.memory_space<vmem_shared>> -> memref<50048x32xf32, #tpu.memory_space<vmem_shared>>
      tpu.wait_indirect_dma semaphore(%arg16 : memref<!tpu.dma_semaphore, #tpu.memory_space<semaphore_mem>>) src(%dma_wait3A_303 : memref<128x32xf32, #tpu.memory_space<vmem>>) dst(%dma_wait3A_309 : memref<50048x32xf32, #tpu.memory_space<vmem_shared>>)
      %dma_wait3A_310 = arith.constant 0 : i32
      %dma_wait3A_311 = arith.constant 2 : i32
      %dma_wait3A_312 = arith.constant 0 : i32
      %dma_wait3A_313 = arith.constant 0 : i32
      %dma_wait3A_314 = arith.constant 0 : i32
      %dma_wait3A_315 = tpu.memref_slice %arg13[%dma_wait3A_310, %dma_wait3A_311, %dma_wait3A_313, %dma_wait3A_314] : memref<2x3x128x32xf32, #tpu.memory_space<vmem>> -> memref<1x1x128x32xf32, #tpu.memory_space<vmem>>
      %dma_wait3A_316 = tpu.memref_squeeze %dma_wait3A_315 : memref<1x1x128x32xf32, #tpu.memory_space<vmem>> -> memref<128x32xf32, #tpu.memory_space<vmem>>
      %dma_wait3A_317 = arith.constant 256 : i32
      %dma_wait3A_318 = tpu.memref_slice %arg12[%dma_wait3A_312, %dma_wait3A_317] : memref<2x384xi32, #tpu.memory_space<vmem>> -> memref<1x128xi32, #tpu.memory_space<vmem>>
      %dma_wait3A_319 = tpu.memref_squeeze %dma_wait3A_318 : memref<1x128xi32, #tpu.memory_space<vmem>> -> memref<128xi32, #tpu.memory_space<vmem>>
      %dma_wait3A_320 = arith.constant 0 : i32
      %dma_wait3A_321 = arith.constant 0 : i32
      %dma_wait3A_322 = tpu.memref_slice %arg10[%dma_wait3A_320, %dma_wait3A_321] : memref<50048x32xf32, #tpu.memory_space<vmem_shared>> -> memref<50048x32xf32, #tpu.memory_space<vmem_shared>>
      tpu.wait_indirect_dma semaphore(%arg16 : memref<!tpu.dma_semaphore, #tpu.memory_space<semaphore_mem>>) src(%dma_wait3A_316 : memref<128x32xf32, #tpu.memory_space<vmem>>) dst(%dma_wait3A_322 : memref<50048x32xf32, #tpu.memory_space<vmem_shared>>)
      %dma_wait3A_323 = arith.constant 1 : i32
      %dma_wait3A_324 = arith.constant 0 : i32
      %dma_wait3A_325 = arith.constant 1 : i32
      %dma_wait3A_326 = arith.constant 0 : i32
      %dma_wait3A_327 = arith.constant 0 : i32
      %dma_wait3A_328 = tpu.memref_slice %arg13[%dma_wait3A_323, %dma_wait3A_324, %dma_wait3A_326, %dma_wait3A_327] : memref<2x3x128x32xf32, #tpu.memory_space<vmem>> -> memref<1x1x128x32xf32, #tpu.memory_space<vmem>>
      %dma_wait3A_329 = tpu.memref_squeeze %dma_wait3A_328 : memref<1x1x128x32xf32, #tpu.memory_space<vmem>> -> memref<128x32xf32, #tpu.memory_space<vmem>>
      %dma_wait3A_330 = arith.constant 0 : i32
      %dma_wait3A_331 = tpu.memref_slice %arg12[%dma_wait3A_325, %dma_wait3A_330] : memref<2x384xi32, #tpu.memory_space<vmem>> -> memref<1x128xi32, #tpu.memory_space<vmem>>
      %dma_wait3A_332 = tpu.memref_squeeze %dma_wait3A_331 : memref<1x128xi32, #tpu.memory_space<vmem>> -> memref<128xi32, #tpu.memory_space<vmem>>
      %dma_wait3A_333 = arith.constant 0 : i32
      %dma_wait3A_334 = arith.constant 0 : i32
      %dma_wait3A_335 = tpu.memref_slice %arg10[%dma_wait3A_333, %dma_wait3A_334] : memref<50048x32xf32, #tpu.memory_space<vmem_shared>> -> memref<50048x32xf32, #tpu.memory_space<vmem_shared>>
      tpu.wait_indirect_dma semaphore(%arg17 : memref<!tpu.dma_semaphore, #tpu.memory_space<semaphore_mem>>) src(%dma_wait3A_329 : memref<128x32xf32, #tpu.memory_space<vmem>>) dst(%dma_wait3A_335 : memref<50048x32xf32, #tpu.memory_space<vmem_shared>>)
      %dma_wait3A_336 = arith.constant 1 : i32
      %dma_wait3A_337 = arith.constant 1 : i32
      %dma_wait3A_338 = arith.constant 1 : i32
      %dma_wait3A_339 = arith.constant 0 : i32
      %dma_wait3A_340 = arith.constant 0 : i32
      %dma_wait3A_341 = tpu.memref_slice %arg13[%dma_wait3A_336, %dma_wait3A_337, %dma_wait3A_339, %dma_wait3A_340] : memref<2x3x128x32xf32, #tpu.memory_space<vmem>> -> memref<1x1x128x32xf32, #tpu.memory_space<vmem>>
      %dma_wait3A_342 = tpu.memref_squeeze %dma_wait3A_341 : memref<1x1x128x32xf32, #tpu.memory_space<vmem>> -> memref<128x32xf32, #tpu.memory_space<vmem>>
      %dma_wait3A_343 = arith.constant 128 : i32
      %dma_wait3A_344 = tpu.memref_slice %arg12[%dma_wait3A_338, %dma_wait3A_343] : memref<2x384xi32, #tpu.memory_space<vmem>> -> memref<1x128xi32, #tpu.memory_space<vmem>>
      %dma_wait3A_345 = tpu.memref_squeeze %dma_wait3A_344 : memref<1x128xi32, #tpu.memory_space<vmem>> -> memref<128xi32, #tpu.memory_space<vmem>>
      %dma_wait3A_346 = arith.constant 0 : i32
      %dma_wait3A_347 = arith.constant 0 : i32
      %dma_wait3A_348 = tpu.memref_slice %arg10[%dma_wait3A_346, %dma_wait3A_347] : memref<50048x32xf32, #tpu.memory_space<vmem_shared>> -> memref<50048x32xf32, #tpu.memory_space<vmem_shared>>
      tpu.wait_indirect_dma semaphore(%arg17 : memref<!tpu.dma_semaphore, #tpu.memory_space<semaphore_mem>>) src(%dma_wait3A_342 : memref<128x32xf32, #tpu.memory_space<vmem>>) dst(%dma_wait3A_348 : memref<50048x32xf32, #tpu.memory_space<vmem_shared>>)
      %dma_wait3A_349 = arith.constant 1 : i32
      %dma_wait3A_350 = arith.constant 2 : i32
      %dma_wait3A_351 = arith.constant 1 : i32
      %dma_wait3A_352 = arith.constant 0 : i32
      %dma_wait3A_353 = arith.constant 0 : i32
      %dma_wait3A_354 = tpu.memref_slice %arg13[%dma_wait3A_349, %dma_wait3A_350, %dma_wait3A_352, %dma_wait3A_353] : memref<2x3x128x32xf32, #tpu.memory_space<vmem>> -> memref<1x1x128x32xf32, #tpu.memory_space<vmem>>
      %dma_wait3A_355 = tpu.memref_squeeze %dma_wait3A_354 : memref<1x1x128x32xf32, #tpu.memory_space<vmem>> -> memref<128x32xf32, #tpu.memory_space<vmem>>
      %dma_wait3A_356 = arith.constant 256 : i32
      %dma_wait3A_357 = tpu.memref_slice %arg12[%dma_wait3A_351, %dma_wait3A_356] : memref<2x384xi32, #tpu.memory_space<vmem>> -> memref<1x128xi32, #tpu.memory_space<vmem>>
      %dma_wait3A_358 = tpu.memref_squeeze %dma_wait3A_357 : memref<1x128xi32, #tpu.memory_space<vmem>> -> memref<128xi32, #tpu.memory_space<vmem>>
      %dma_wait3A_359 = arith.constant 0 : i32
      %dma_wait3A_360 = arith.constant 0 : i32
      %dma_wait3A_361 = tpu.memref_slice %arg10[%dma_wait3A_359, %dma_wait3A_360] : memref<50048x32xf32, #tpu.memory_space<vmem_shared>> -> memref<50048x32xf32, #tpu.memory_space<vmem_shared>>
      tpu.wait_indirect_dma semaphore(%arg17 : memref<!tpu.dma_semaphore, #tpu.memory_space<semaphore_mem>>) src(%dma_wait3A_355 : memref<128x32xf32, #tpu.memory_space<vmem>>) dst(%dma_wait3A_361 : memref<50048x32xf32, #tpu.memory_space<vmem_shared>>)
    } else {
    }
    %eq3A_13 = arith.constant 1 : i32
    %eq3A_14 = arith.cmpi eq, %arg0, %eq3A_13 : i32
    %convert_element_type3A_15 = arith.extui %eq3A_14 : i1 to i32
    %cond3A_16 = arith.constant 0 : i32
    %cond3A_17 = arith.cmpi ne, %convert_element_type3A_15, %cond3A_16 : i32
    scf.if %cond3A_17 {
      %mul3A_29 = arith.constant 132 : i32
      %mul3A_30 = arith.muli %arg1, %mul3A_29 : i32
      %add3A = arith.constant 0 : i32
      %add3A_31 = arith.addi %mul3A_30, %add3A : i32
      %run_scoped3A = arith.constant 0 : i32
      "tpu.region"() ({
        %run_scoped3A_362 = tpu.sem_alloc : memref<!tpu.dma_semaphore, #tpu.memory_space<semaphore_mem>>
        %dma_start3A_363 = arith.constant 0 : i32
        %dma_start3A_364 = tpu.memref_slice %arg11[%run_scoped3A, %dma_start3A_363] : memref<2x384xi32, #tpu.memory_space<vmem>> -> memref<1x384xi32, #tpu.memory_space<vmem>>
        %dma_start3A_365 = tpu.memref_squeeze %dma_start3A_364 : memref<1x384xi32, #tpu.memory_space<vmem>> -> memref<384xi32, #tpu.memory_space<vmem>>
        %dma_start3A_366 = arith.constant 0 : i32
        %dma_start3A_367 = tpu.memref_slice %arg6[%add3A_31, %dma_start3A_366] : memref<2112x384xi32, #tpu.memory_space<hbm>> -> memref<1x384xi32, #tpu.memory_space<hbm>>
        %dma_start3A_368 = tpu.memref_squeeze %dma_start3A_367 : memref<1x384xi32, #tpu.memory_space<hbm>> -> memref<384xi32, #tpu.memory_space<hbm>>
        %dma_start3A_369 = arith.constant 0 : i32
        %dma_start3A_370 = tpu.memref_slice %arg11[%run_scoped3A, %dma_start3A_369] : memref<2x384xi32, #tpu.memory_space<vmem>> -> memref<1x384xi32, #tpu.memory_space<vmem>>
        %dma_start3A_371 = tpu.memref_squeeze %dma_start3A_370 : memref<1x384xi32, #tpu.memory_space<vmem>> -> memref<384xi32, #tpu.memory_space<vmem>>
        %dma_start3A_372 = arith.constant 0 : i32
        %dma_start3A_373 = tpu.memref_slice %arg6[%add3A_31, %dma_start3A_372] : memref<2112x384xi32, #tpu.memory_space<hbm>> -> memref<1x384xi32, #tpu.memory_space<hbm>>
        %dma_start3A_374 = tpu.memref_squeeze %dma_start3A_373 : memref<1x384xi32, #tpu.memory_space<hbm>> -> memref<384xi32, #tpu.memory_space<hbm>>
        tpu.enqueue_dma source(%dma_start3A_374 : memref<384xi32, #tpu.memory_space<hbm>>) target(%dma_start3A_371 : memref<384xi32, #tpu.memory_space<vmem>>) target_semaphore(%run_scoped3A_362 : memref<!tpu.dma_semaphore, #tpu.memory_space<semaphore_mem>>)
        %dma_wait3A_375 = arith.constant 0 : i32
        %dma_wait3A_376 = tpu.memref_slice %arg11[%run_scoped3A, %dma_wait3A_375] : memref<2x384xi32, #tpu.memory_space<vmem>> -> memref<1x384xi32, #tpu.memory_space<vmem>>
        %dma_wait3A_377 = tpu.memref_squeeze %dma_wait3A_376 : memref<1x384xi32, #tpu.memory_space<vmem>> -> memref<384xi32, #tpu.memory_space<vmem>>
        %dma_wait3A_378 = arith.constant 0 : i32
        %dma_wait3A_379 = tpu.memref_slice %arg6[%add3A_31, %dma_wait3A_378] : memref<2112x384xi32, #tpu.memory_space<hbm>> -> memref<1x384xi32, #tpu.memory_space<hbm>>
        %dma_wait3A_380 = tpu.memref_squeeze %dma_wait3A_379 : memref<1x384xi32, #tpu.memory_space<hbm>> -> memref<384xi32, #tpu.memory_space<hbm>>
        %dma_wait3A_381 = arith.constant 0 : i32
        %dma_wait3A_382 = tpu.memref_slice %arg11[%run_scoped3A, %dma_wait3A_381] : memref<2x384xi32, #tpu.memory_space<vmem>> -> memref<1x384xi32, #tpu.memory_space<vmem>>
        %dma_wait3A_383 = tpu.memref_squeeze %dma_wait3A_382 : memref<1x384xi32, #tpu.memory_space<vmem>> -> memref<384xi32, #tpu.memory_space<vmem>>
        %dma_wait3A_384 = arith.constant 0 : i32
        %dma_wait3A_385 = tpu.memref_slice %arg6[%add3A_31, %dma_wait3A_384] : memref<2112x384xi32, #tpu.memory_space<hbm>> -> memref<1x384xi32, #tpu.memory_space<hbm>>
        %dma_wait3A_386 = tpu.memref_squeeze %dma_wait3A_385 : memref<1x384xi32, #tpu.memory_space<hbm>> -> memref<384xi32, #tpu.memory_space<hbm>>
        tpu.wait_dma2 semaphore(%run_scoped3A_362 : memref<!tpu.dma_semaphore, #tpu.memory_space<semaphore_mem>>) src(%dma_wait3A_386 : memref<384xi32, #tpu.memory_space<hbm>>) dst(%dma_wait3A_383 : memref<384xi32, #tpu.memory_space<vmem>>)
        tpu.yield
      }) : () -> ()
      %mul3A_32 = arith.constant 132 : i32
      %mul3A_33 = arith.muli %arg1, %mul3A_32 : i32
      %add3A_34 = arith.constant 0 : i32
      %add3A_35 = arith.addi %mul3A_33, %add3A_34 : i32
      %run_scoped3A_36 = arith.constant 0 : i32
      "tpu.region"() ({
        %run_scoped3A_362 = tpu.sem_alloc : memref<!tpu.dma_semaphore, #tpu.memory_space<semaphore_mem>>
        %dma_start3A_363 = arith.constant 0 : i32
        %dma_start3A_364 = tpu.memref_slice %arg12[%run_scoped3A_36, %dma_start3A_363] : memref<2x384xi32, #tpu.memory_space<vmem>> -> memref<1x384xi32, #tpu.memory_space<vmem>>
        %dma_start3A_365 = tpu.memref_squeeze %dma_start3A_364 : memref<1x384xi32, #tpu.memory_space<vmem>> -> memref<384xi32, #tpu.memory_space<vmem>>
        %dma_start3A_366 = arith.constant 0 : i32
        %dma_start3A_367 = tpu.memref_slice %arg7[%add3A_35, %dma_start3A_366] : memref<2112x384xi32, #tpu.memory_space<hbm>> -> memref<1x384xi32, #tpu.memory_space<hbm>>
        %dma_start3A_368 = tpu.memref_squeeze %dma_start3A_367 : memref<1x384xi32, #tpu.memory_space<hbm>> -> memref<384xi32, #tpu.memory_space<hbm>>
        %dma_start3A_369 = arith.constant 0 : i32
        %dma_start3A_370 = tpu.memref_slice %arg12[%run_scoped3A_36, %dma_start3A_369] : memref<2x384xi32, #tpu.memory_space<vmem>> -> memref<1x384xi32, #tpu.memory_space<vmem>>
        %dma_start3A_371 = tpu.memref_squeeze %dma_start3A_370 : memref<1x384xi32, #tpu.memory_space<vmem>> -> memref<384xi32, #tpu.memory_space<vmem>>
        %dma_start3A_372 = arith.constant 0 : i32
        %dma_start3A_373 = tpu.memref_slice %arg7[%add3A_35, %dma_start3A_372] : memref<2112x384xi32, #tpu.memory_space<hbm>> -> memref<1x384xi32, #tpu.memory_space<hbm>>
        %dma_start3A_374 = tpu.memref_squeeze %dma_start3A_373 : memref<1x384xi32, #tpu.memory_space<hbm>> -> memref<384xi32, #tpu.memory_space<hbm>>
        tpu.enqueue_dma source(%dma_start3A_374 : memref<384xi32, #tpu.memory_space<hbm>>) target(%dma_start3A_371 : memref<384xi32, #tpu.memory_space<vmem>>) target_semaphore(%run_scoped3A_362 : memref<!tpu.dma_semaphore, #tpu.memory_space<semaphore_mem>>)
        %dma_wait3A_375 = arith.constant 0 : i32
        %dma_wait3A_376 = tpu.memref_slice %arg12[%run_scoped3A_36, %dma_wait3A_375] : memref<2x384xi32, #tpu.memory_space<vmem>> -> memref<1x384xi32, #tpu.memory_space<vmem>>
        %dma_wait3A_377 = tpu.memref_squeeze %dma_wait3A_376 : memref<1x384xi32, #tpu.memory_space<vmem>> -> memref<384xi32, #tpu.memory_space<vmem>>
        %dma_wait3A_378 = arith.constant 0 : i32
        %dma_wait3A_379 = tpu.memref_slice %arg7[%add3A_35, %dma_wait3A_378] : memref<2112x384xi32, #tpu.memory_space<hbm>> -> memref<1x384xi32, #tpu.memory_space<hbm>>
        %dma_wait3A_380 = tpu.memref_squeeze %dma_wait3A_379 : memref<1x384xi32, #tpu.memory_space<hbm>> -> memref<384xi32, #tpu.memory_space<hbm>>
        %dma_wait3A_381 = arith.constant 0 : i32
        %dma_wait3A_382 = tpu.memref_slice %arg12[%run_scoped3A_36, %dma_wait3A_381] : memref<2x384xi32, #tpu.memory_space<vmem>> -> memref<1x384xi32, #tpu.memory_space<vmem>>
        %dma_wait3A_383 = tpu.memref_squeeze %dma_wait3A_382 : memref<1x384xi32, #tpu.memory_space<vmem>> -> memref<384xi32, #tpu.memory_space<vmem>>
        %dma_wait3A_384 = arith.constant 0 : i32
        %dma_wait3A_385 = tpu.memref_slice %arg7[%add3A_35, %dma_wait3A_384] : memref<2112x384xi32, #tpu.memory_space<hbm>> -> memref<1x384xi32, #tpu.memory_space<hbm>>
        %dma_wait3A_386 = tpu.memref_squeeze %dma_wait3A_385 : memref<1x384xi32, #tpu.memory_space<hbm>> -> memref<384xi32, #tpu.memory_space<hbm>>
        tpu.wait_dma2 semaphore(%run_scoped3A_362 : memref<!tpu.dma_semaphore, #tpu.memory_space<semaphore_mem>>) src(%dma_wait3A_386 : memref<384xi32, #tpu.memory_space<hbm>>) dst(%dma_wait3A_383 : memref<384xi32, #tpu.memory_space<vmem>>)
        tpu.yield
      }) : () -> ()
      %dma_start3A = arith.constant 0 : i32
      %dma_start3A_37 = arith.constant 0 : i32
      %dma_start3A_38 = arith.constant 0 : i32
      %dma_start3A_39 = arith.constant 0 : i32
      %dma_start3A_40 = arith.constant 0 : i32
      %dma_start3A_41 = tpu.memref_slice %arg13[%dma_start3A_37, %dma_start3A_38, %dma_start3A_39, %dma_start3A_40] : memref<2x3x128x32xf32, #tpu.memory_space<vmem>> -> memref<1x1x128x32xf32, #tpu.memory_space<vmem>>
      %dma_start3A_42 = tpu.memref_squeeze %dma_start3A_41 : memref<1x1x128x32xf32, #tpu.memory_space<vmem>> -> memref<128x32xf32, #tpu.memory_space<vmem>>
      %dma_start3A_43 = arith.constant 0 : i32
      %dma_start3A_44 = tpu.memref_slice %arg11[%dma_start3A, %dma_start3A_43] : memref<2x384xi32, #tpu.memory_space<vmem>> -> memref<1x128xi32, #tpu.memory_space<vmem>>
      %dma_start3A_45 = tpu.memref_squeeze %dma_start3A_44 : memref<1x128xi32, #tpu.memory_space<vmem>> -> memref<128xi32, #tpu.memory_space<vmem>>
      %dma_start3A_46 = arith.constant 0 : i32
      %dma_start3A_47 = arith.constant 0 : i32
      %dma_start3A_48 = tpu.memref_slice %arg3[%dma_start3A_46, %dma_start3A_47] : memref<50048x32xf32, #tpu.memory_space<hbm>> -> memref<50048x32xf32, #tpu.memory_space<hbm>>
      tpu.enqueue_indirect_dma source(%dma_start3A_48 : memref<50048x32xf32, #tpu.memory_space<hbm>>) target(%dma_start3A_42 : memref<128x32xf32, #tpu.memory_space<vmem>>) offsets(%dma_start3A_45 : memref<128xi32, #tpu.memory_space<vmem>>) semaphore(%arg14 : memref<!tpu.dma_semaphore, #tpu.memory_space<semaphore_mem>>)
      %dma_start3A_49 = arith.constant 0 : i32
      %dma_start3A_50 = arith.constant 0 : i32
      %dma_start3A_51 = arith.constant 1 : i32
      %dma_start3A_52 = arith.constant 0 : i32
      %dma_start3A_53 = arith.constant 0 : i32
      %dma_start3A_54 = tpu.memref_slice %arg13[%dma_start3A_50, %dma_start3A_51, %dma_start3A_52, %dma_start3A_53] : memref<2x3x128x32xf32, #tpu.memory_space<vmem>> -> memref<1x1x128x32xf32, #tpu.memory_space<vmem>>
      %dma_start3A_55 = tpu.memref_squeeze %dma_start3A_54 : memref<1x1x128x32xf32, #tpu.memory_space<vmem>> -> memref<128x32xf32, #tpu.memory_space<vmem>>
      %dma_start3A_56 = arith.constant 128 : i32
      %dma_start3A_57 = tpu.memref_slice %arg11[%dma_start3A_49, %dma_start3A_56] : memref<2x384xi32, #tpu.memory_space<vmem>> -> memref<1x128xi32, #tpu.memory_space<vmem>>
      %dma_start3A_58 = tpu.memref_squeeze %dma_start3A_57 : memref<1x128xi32, #tpu.memory_space<vmem>> -> memref<128xi32, #tpu.memory_space<vmem>>
      %dma_start3A_59 = arith.constant 0 : i32
      %dma_start3A_60 = arith.constant 0 : i32
      %dma_start3A_61 = tpu.memref_slice %arg3[%dma_start3A_59, %dma_start3A_60] : memref<50048x32xf32, #tpu.memory_space<hbm>> -> memref<50048x32xf32, #tpu.memory_space<hbm>>
      tpu.enqueue_indirect_dma source(%dma_start3A_61 : memref<50048x32xf32, #tpu.memory_space<hbm>>) target(%dma_start3A_55 : memref<128x32xf32, #tpu.memory_space<vmem>>) offsets(%dma_start3A_58 : memref<128xi32, #tpu.memory_space<vmem>>) semaphore(%arg14 : memref<!tpu.dma_semaphore, #tpu.memory_space<semaphore_mem>>)
      %dma_start3A_62 = arith.constant 0 : i32
      %dma_start3A_63 = arith.constant 0 : i32
      %dma_start3A_64 = arith.constant 2 : i32
      %dma_start3A_65 = arith.constant 0 : i32
      %dma_start3A_66 = arith.constant 0 : i32
      %dma_start3A_67 = tpu.memref_slice %arg13[%dma_start3A_63, %dma_start3A_64, %dma_start3A_65, %dma_start3A_66] : memref<2x3x128x32xf32, #tpu.memory_space<vmem>> -> memref<1x1x128x32xf32, #tpu.memory_space<vmem>>
      %dma_start3A_68 = tpu.memref_squeeze %dma_start3A_67 : memref<1x1x128x32xf32, #tpu.memory_space<vmem>> -> memref<128x32xf32, #tpu.memory_space<vmem>>
      %dma_start3A_69 = arith.constant 256 : i32
      %dma_start3A_70 = tpu.memref_slice %arg11[%dma_start3A_62, %dma_start3A_69] : memref<2x384xi32, #tpu.memory_space<vmem>> -> memref<1x128xi32, #tpu.memory_space<vmem>>
      %dma_start3A_71 = tpu.memref_squeeze %dma_start3A_70 : memref<1x128xi32, #tpu.memory_space<vmem>> -> memref<128xi32, #tpu.memory_space<vmem>>
      %dma_start3A_72 = arith.constant 0 : i32
      %dma_start3A_73 = arith.constant 0 : i32
      %dma_start3A_74 = tpu.memref_slice %arg3[%dma_start3A_72, %dma_start3A_73] : memref<50048x32xf32, #tpu.memory_space<hbm>> -> memref<50048x32xf32, #tpu.memory_space<hbm>>
      tpu.enqueue_indirect_dma source(%dma_start3A_74 : memref<50048x32xf32, #tpu.memory_space<hbm>>) target(%dma_start3A_68 : memref<128x32xf32, #tpu.memory_space<vmem>>) offsets(%dma_start3A_71 : memref<128xi32, #tpu.memory_space<vmem>>) semaphore(%arg14 : memref<!tpu.dma_semaphore, #tpu.memory_space<semaphore_mem>>)
      %mul3A_75 = arith.constant 132 : i32
      %mul3A_76 = arith.muli %arg1, %mul3A_75 : i32
      %add3A_77 = arith.constant 1 : i32
      %add3A_78 = arith.addi %mul3A_76, %add3A_77 : i32
      %run_scoped3A_79 = arith.constant 1 : i32
      "tpu.region"() ({
        %run_scoped3A_362 = tpu.sem_alloc : memref<!tpu.dma_semaphore, #tpu.memory_space<semaphore_mem>>
        %dma_start3A_363 = arith.constant 0 : i32
        %dma_start3A_364 = tpu.memref_slice %arg11[%run_scoped3A_79, %dma_start3A_363] : memref<2x384xi32, #tpu.memory_space<vmem>> -> memref<1x384xi32, #tpu.memory_space<vmem>>
        %dma_start3A_365 = tpu.memref_squeeze %dma_start3A_364 : memref<1x384xi32, #tpu.memory_space<vmem>> -> memref<384xi32, #tpu.memory_space<vmem>>
        %dma_start3A_366 = arith.constant 0 : i32
        %dma_start3A_367 = tpu.memref_slice %arg6[%add3A_78, %dma_start3A_366] : memref<2112x384xi32, #tpu.memory_space<hbm>> -> memref<1x384xi32, #tpu.memory_space<hbm>>
        %dma_start3A_368 = tpu.memref_squeeze %dma_start3A_367 : memref<1x384xi32, #tpu.memory_space<hbm>> -> memref<384xi32, #tpu.memory_space<hbm>>
        %dma_start3A_369 = arith.constant 0 : i32
        %dma_start3A_370 = tpu.memref_slice %arg11[%run_scoped3A_79, %dma_start3A_369] : memref<2x384xi32, #tpu.memory_space<vmem>> -> memref<1x384xi32, #tpu.memory_space<vmem>>
        %dma_start3A_371 = tpu.memref_squeeze %dma_start3A_370 : memref<1x384xi32, #tpu.memory_space<vmem>> -> memref<384xi32, #tpu.memory_space<vmem>>
        %dma_start3A_372 = arith.constant 0 : i32
        %dma_start3A_373 = tpu.memref_slice %arg6[%add3A_78, %dma_start3A_372] : memref<2112x384xi32, #tpu.memory_space<hbm>> -> memref<1x384xi32, #tpu.memory_space<hbm>>
        %dma_start3A_374 = tpu.memref_squeeze %dma_start3A_373 : memref<1x384xi32, #tpu.memory_space<hbm>> -> memref<384xi32, #tpu.memory_space<hbm>>
        tpu.enqueue_dma source(%dma_start3A_374 : memref<384xi32, #tpu.memory_space<hbm>>) target(%dma_start3A_371 : memref<384xi32, #tpu.memory_space<vmem>>) target_semaphore(%run_scoped3A_362 : memref<!tpu.dma_semaphore, #tpu.memory_space<semaphore_mem>>)
        %dma_wait3A_375 = arith.constant 0 : i32
        %dma_wait3A_376 = tpu.memref_slice %arg11[%run_scoped3A_79, %dma_wait3A_375] : memref<2x384xi32, #tpu.memory_space<vmem>> -> memref<1x384xi32, #tpu.memory_space<vmem>>
        %dma_wait3A_377 = tpu.memref_squeeze %dma_wait3A_376 : memref<1x384xi32, #tpu.memory_space<vmem>> -> memref<384xi32, #tpu.memory_space<vmem>>
        %dma_wait3A_378 = arith.constant 0 : i32
        %dma_wait3A_379 = tpu.memref_slice %arg6[%add3A_78, %dma_wait3A_378] : memref<2112x384xi32, #tpu.memory_space<hbm>> -> memref<1x384xi32, #tpu.memory_space<hbm>>
        %dma_wait3A_380 = tpu.memref_squeeze %dma_wait3A_379 : memref<1x384xi32, #tpu.memory_space<hbm>> -> memref<384xi32, #tpu.memory_space<hbm>>
        %dma_wait3A_381 = arith.constant 0 : i32
        %dma_wait3A_382 = tpu.memref_slice %arg11[%run_scoped3A_79, %dma_wait3A_381] : memref<2x384xi32, #tpu.memory_space<vmem>> -> memref<1x384xi32, #tpu.memory_space<vmem>>
        %dma_wait3A_383 = tpu.memref_squeeze %dma_wait3A_382 : memref<1x384xi32, #tpu.memory_space<vmem>> -> memref<384xi32, #tpu.memory_space<vmem>>
        %dma_wait3A_384 = arith.constant 0 : i32
        %dma_wait3A_385 = tpu.memref_slice %arg6[%add3A_78, %dma_wait3A_384] : memref<2112x384xi32, #tpu.memory_space<hbm>> -> memref<1x384xi32, #tpu.memory_space<hbm>>
        %dma_wait3A_386 = tpu.memref_squeeze %dma_wait3A_385 : memref<1x384xi32, #tpu.memory_space<hbm>> -> memref<384xi32, #tpu.memory_space<hbm>>
        tpu.wait_dma2 semaphore(%run_scoped3A_362 : memref<!tpu.dma_semaphore, #tpu.memory_space<semaphore_mem>>) src(%dma_wait3A_386 : memref<384xi32, #tpu.memory_space<hbm>>) dst(%dma_wait3A_383 : memref<384xi32, #tpu.memory_space<vmem>>)
        tpu.yield
      }) : () -> ()
      %mul3A_80 = arith.constant 132 : i32
      %mul3A_81 = arith.muli %arg1, %mul3A_80 : i32
      %add3A_82 = arith.constant 1 : i32
      %add3A_83 = arith.addi %mul3A_81, %add3A_82 : i32
      %run_scoped3A_84 = arith.constant 1 : i32
      "tpu.region"() ({
        %run_scoped3A_362 = tpu.sem_alloc : memref<!tpu.dma_semaphore, #tpu.memory_space<semaphore_mem>>
        %dma_start3A_363 = arith.constant 0 : i32
        %dma_start3A_364 = tpu.memref_slice %arg12[%run_scoped3A_84, %dma_start3A_363] : memref<2x384xi32, #tpu.memory_space<vmem>> -> memref<1x384xi32, #tpu.memory_space<vmem>>
        %dma_start3A_365 = tpu.memref_squeeze %dma_start3A_364 : memref<1x384xi32, #tpu.memory_space<vmem>> -> memref<384xi32, #tpu.memory_space<vmem>>
        %dma_start3A_366 = arith.constant 0 : i32
        %dma_start3A_367 = tpu.memref_slice %arg7[%add3A_83, %dma_start3A_366] : memref<2112x384xi32, #tpu.memory_space<hbm>> -> memref<1x384xi32, #tpu.memory_space<hbm>>
        %dma_start3A_368 = tpu.memref_squeeze %dma_start3A_367 : memref<1x384xi32, #tpu.memory_space<hbm>> -> memref<384xi32, #tpu.memory_space<hbm>>
        %dma_start3A_369 = arith.constant 0 : i32
        %dma_start3A_370 = tpu.memref_slice %arg12[%run_scoped3A_84, %dma_start3A_369] : memref<2x384xi32, #tpu.memory_space<vmem>> -> memref<1x384xi32, #tpu.memory_space<vmem>>
        %dma_start3A_371 = tpu.memref_squeeze %dma_start3A_370 : memref<1x384xi32, #tpu.memory_space<vmem>> -> memref<384xi32, #tpu.memory_space<vmem>>
        %dma_start3A_372 = arith.constant 0 : i32
        %dma_start3A_373 = tpu.memref_slice %arg7[%add3A_83, %dma_start3A_372] : memref<2112x384xi32, #tpu.memory_space<hbm>> -> memref<1x384xi32, #tpu.memory_space<hbm>>
        %dma_start3A_374 = tpu.memref_squeeze %dma_start3A_373 : memref<1x384xi32, #tpu.memory_space<hbm>> -> memref<384xi32, #tpu.memory_space<hbm>>
        tpu.enqueue_dma source(%dma_start3A_374 : memref<384xi32, #tpu.memory_space<hbm>>) target(%dma_start3A_371 : memref<384xi32, #tpu.memory_space<vmem>>) target_semaphore(%run_scoped3A_362 : memref<!tpu.dma_semaphore, #tpu.memory_space<semaphore_mem>>)
        %dma_wait3A_375 = arith.constant 0 : i32
        %dma_wait3A_376 = tpu.memref_slice %arg12[%run_scoped3A_84, %dma_wait3A_375] : memref<2x384xi32, #tpu.memory_space<vmem>> -> memref<1x384xi32, #tpu.memory_space<vmem>>
        %dma_wait3A_377 = tpu.memref_squeeze %dma_wait3A_376 : memref<1x384xi32, #tpu.memory_space<vmem>> -> memref<384xi32, #tpu.memory_space<vmem>>
        %dma_wait3A_378 = arith.constant 0 : i32
        %dma_wait3A_379 = tpu.memref_slice %arg7[%add3A_83, %dma_wait3A_378] : memref<2112x384xi32, #tpu.memory_space<hbm>> -> memref<1x384xi32, #tpu.memory_space<hbm>>
        %dma_wait3A_380 = tpu.memref_squeeze %dma_wait3A_379 : memref<1x384xi32, #tpu.memory_space<hbm>> -> memref<384xi32, #tpu.memory_space<hbm>>
        %dma_wait3A_381 = arith.constant 0 : i32
        %dma_wait3A_382 = tpu.memref_slice %arg12[%run_scoped3A_84, %dma_wait3A_381] : memref<2x384xi32, #tpu.memory_space<vmem>> -> memref<1x384xi32, #tpu.memory_space<vmem>>
        %dma_wait3A_383 = tpu.memref_squeeze %dma_wait3A_382 : memref<1x384xi32, #tpu.memory_space<vmem>> -> memref<384xi32, #tpu.memory_space<vmem>>
        %dma_wait3A_384 = arith.constant 0 : i32
        %dma_wait3A_385 = tpu.memref_slice %arg7[%add3A_83, %dma_wait3A_384] : memref<2112x384xi32, #tpu.memory_space<hbm>> -> memref<1x384xi32, #tpu.memory_space<hbm>>
        %dma_wait3A_386 = tpu.memref_squeeze %dma_wait3A_385 : memref<1x384xi32, #tpu.memory_space<hbm>> -> memref<384xi32, #tpu.memory_space<hbm>>
        tpu.wait_dma2 semaphore(%run_scoped3A_362 : memref<!tpu.dma_semaphore, #tpu.memory_space<semaphore_mem>>) src(%dma_wait3A_386 : memref<384xi32, #tpu.memory_space<hbm>>) dst(%dma_wait3A_383 : memref<384xi32, #tpu.memory_space<vmem>>)
        tpu.yield
      }) : () -> ()
      %dma_start3A_85 = arith.constant 1 : i32
      %dma_start3A_86 = arith.constant 1 : i32
      %dma_start3A_87 = arith.constant 0 : i32
      %dma_start3A_88 = arith.constant 0 : i32
      %dma_start3A_89 = arith.constant 0 : i32
      %dma_start3A_90 = tpu.memref_slice %arg13[%dma_start3A_86, %dma_start3A_87, %dma_start3A_88, %dma_start3A_89] : memref<2x3x128x32xf32, #tpu.memory_space<vmem>> -> memref<1x1x128x32xf32, #tpu.memory_space<vmem>>
      %dma_start3A_91 = tpu.memref_squeeze %dma_start3A_90 : memref<1x1x128x32xf32, #tpu.memory_space<vmem>> -> memref<128x32xf32, #tpu.memory_space<vmem>>
      %dma_start3A_92 = arith.constant 0 : i32
      %dma_start3A_93 = tpu.memref_slice %arg11[%dma_start3A_85, %dma_start3A_92] : memref<2x384xi32, #tpu.memory_space<vmem>> -> memref<1x128xi32, #tpu.memory_space<vmem>>
      %dma_start3A_94 = tpu.memref_squeeze %dma_start3A_93 : memref<1x128xi32, #tpu.memory_space<vmem>> -> memref<128xi32, #tpu.memory_space<vmem>>
      %dma_start3A_95 = arith.constant 0 : i32
      %dma_start3A_96 = arith.constant 0 : i32
      %dma_start3A_97 = tpu.memref_slice %arg3[%dma_start3A_95, %dma_start3A_96] : memref<50048x32xf32, #tpu.memory_space<hbm>> -> memref<50048x32xf32, #tpu.memory_space<hbm>>
      tpu.enqueue_indirect_dma source(%dma_start3A_97 : memref<50048x32xf32, #tpu.memory_space<hbm>>) target(%dma_start3A_91 : memref<128x32xf32, #tpu.memory_space<vmem>>) offsets(%dma_start3A_94 : memref<128xi32, #tpu.memory_space<vmem>>) semaphore(%arg15 : memref<!tpu.dma_semaphore, #tpu.memory_space<semaphore_mem>>)
      %dma_start3A_98 = arith.constant 1 : i32
      %dma_start3A_99 = arith.constant 1 : i32
      %dma_start3A_100 = arith.constant 1 : i32
      %dma_start3A_101 = arith.constant 0 : i32
      %dma_start3A_102 = arith.constant 0 : i32
      %dma_start3A_103 = tpu.memref_slice %arg13[%dma_start3A_99, %dma_start3A_100, %dma_start3A_101, %dma_start3A_102] : memref<2x3x128x32xf32, #tpu.memory_space<vmem>> -> memref<1x1x128x32xf32, #tpu.memory_space<vmem>>
      %dma_start3A_104 = tpu.memref_squeeze %dma_start3A_103 : memref<1x1x128x32xf32, #tpu.memory_space<vmem>> -> memref<128x32xf32, #tpu.memory_space<vmem>>
      %dma_start3A_105 = arith.constant 128 : i32
      %dma_start3A_106 = tpu.memref_slice %arg11[%dma_start3A_98, %dma_start3A_105] : memref<2x384xi32, #tpu.memory_space<vmem>> -> memref<1x128xi32, #tpu.memory_space<vmem>>
      %dma_start3A_107 = tpu.memref_squeeze %dma_start3A_106 : memref<1x128xi32, #tpu.memory_space<vmem>> -> memref<128xi32, #tpu.memory_space<vmem>>
      %dma_start3A_108 = arith.constant 0 : i32
      %dma_start3A_109 = arith.constant 0 : i32
      %dma_start3A_110 = tpu.memref_slice %arg3[%dma_start3A_108, %dma_start3A_109] : memref<50048x32xf32, #tpu.memory_space<hbm>> -> memref<50048x32xf32, #tpu.memory_space<hbm>>
      tpu.enqueue_indirect_dma source(%dma_start3A_110 : memref<50048x32xf32, #tpu.memory_space<hbm>>) target(%dma_start3A_104 : memref<128x32xf32, #tpu.memory_space<vmem>>) offsets(%dma_start3A_107 : memref<128xi32, #tpu.memory_space<vmem>>) semaphore(%arg15 : memref<!tpu.dma_semaphore, #tpu.memory_space<semaphore_mem>>)
      %dma_start3A_111 = arith.constant 1 : i32
      %dma_start3A_112 = arith.constant 1 : i32
      %dma_start3A_113 = arith.constant 2 : i32
      %dma_start3A_114 = arith.constant 0 : i32
      %dma_start3A_115 = arith.constant 0 : i32
      %dma_start3A_116 = tpu.memref_slice %arg13[%dma_start3A_112, %dma_start3A_113, %dma_start3A_114, %dma_start3A_115] : memref<2x3x128x32xf32, #tpu.memory_space<vmem>> -> memref<1x1x128x32xf32, #tpu.memory_space<vmem>>
      %dma_start3A_117 = tpu.memref_squeeze %dma_start3A_116 : memref<1x1x128x32xf32, #tpu.memory_space<vmem>> -> memref<128x32xf32, #tpu.memory_space<vmem>>
      %dma_start3A_118 = arith.constant 256 : i32
      %dma_start3A_119 = tpu.memref_slice %arg11[%dma_start3A_111, %dma_start3A_118] : memref<2x384xi32, #tpu.memory_space<vmem>> -> memref<1x128xi32, #tpu.memory_space<vmem>>
      %dma_start3A_120 = tpu.memref_squeeze %dma_start3A_119 : memref<1x128xi32, #tpu.memory_space<vmem>> -> memref<128xi32, #tpu.memory_space<vmem>>
      %dma_start3A_121 = arith.constant 0 : i32
      %dma_start3A_122 = arith.constant 0 : i32
      %dma_start3A_123 = tpu.memref_slice %arg3[%dma_start3A_121, %dma_start3A_122] : memref<50048x32xf32, #tpu.memory_space<hbm>> -> memref<50048x32xf32, #tpu.memory_space<hbm>>
      tpu.enqueue_indirect_dma source(%dma_start3A_123 : memref<50048x32xf32, #tpu.memory_space<hbm>>) target(%dma_start3A_117 : memref<128x32xf32, #tpu.memory_space<vmem>>) offsets(%dma_start3A_120 : memref<128xi32, #tpu.memory_space<vmem>>) semaphore(%arg15 : memref<!tpu.dma_semaphore, #tpu.memory_space<semaphore_mem>>)
      %dma_wait3A = arith.constant 0 : i32
      %dma_wait3A_124 = arith.constant 0 : i32
      %dma_wait3A_125 = arith.constant 0 : i32
      %dma_wait3A_126 = arith.constant 0 : i32
      %dma_wait3A_127 = arith.constant 0 : i32
      %dma_wait3A_128 = tpu.memref_slice %arg13[%dma_wait3A_124, %dma_wait3A_125, %dma_wait3A_126, %dma_wait3A_127] : memref<2x3x128x32xf32, #tpu.memory_space<vmem>> -> memref<1x1x128x32xf32, #tpu.memory_space<vmem>>
      %dma_wait3A_129 = tpu.memref_squeeze %dma_wait3A_128 : memref<1x1x128x32xf32, #tpu.memory_space<vmem>> -> memref<128x32xf32, #tpu.memory_space<vmem>>
      %dma_wait3A_130 = arith.constant 0 : i32
      %dma_wait3A_131 = tpu.memref_slice %arg11[%dma_wait3A, %dma_wait3A_130] : memref<2x384xi32, #tpu.memory_space<vmem>> -> memref<1x128xi32, #tpu.memory_space<vmem>>
      %dma_wait3A_132 = tpu.memref_squeeze %dma_wait3A_131 : memref<1x128xi32, #tpu.memory_space<vmem>> -> memref<128xi32, #tpu.memory_space<vmem>>
      %dma_wait3A_133 = arith.constant 0 : i32
      %dma_wait3A_134 = arith.constant 0 : i32
      %dma_wait3A_135 = tpu.memref_slice %arg3[%dma_wait3A_133, %dma_wait3A_134] : memref<50048x32xf32, #tpu.memory_space<hbm>> -> memref<50048x32xf32, #tpu.memory_space<hbm>>
      tpu.wait_indirect_dma semaphore(%arg14 : memref<!tpu.dma_semaphore, #tpu.memory_space<semaphore_mem>>) src(%dma_wait3A_135 : memref<50048x32xf32, #tpu.memory_space<hbm>>) dst(%dma_wait3A_129 : memref<128x32xf32, #tpu.memory_space<vmem>>)
      %dma_wait3A_136 = arith.constant 0 : i32
      %dma_wait3A_137 = arith.constant 0 : i32
      %dma_wait3A_138 = arith.constant 1 : i32
      %dma_wait3A_139 = arith.constant 0 : i32
      %dma_wait3A_140 = arith.constant 0 : i32
      %dma_wait3A_141 = tpu.memref_slice %arg13[%dma_wait3A_137, %dma_wait3A_138, %dma_wait3A_139, %dma_wait3A_140] : memref<2x3x128x32xf32, #tpu.memory_space<vmem>> -> memref<1x1x128x32xf32, #tpu.memory_space<vmem>>
      %dma_wait3A_142 = tpu.memref_squeeze %dma_wait3A_141 : memref<1x1x128x32xf32, #tpu.memory_space<vmem>> -> memref<128x32xf32, #tpu.memory_space<vmem>>
      %dma_wait3A_143 = arith.constant 128 : i32
      %dma_wait3A_144 = tpu.memref_slice %arg11[%dma_wait3A_136, %dma_wait3A_143] : memref<2x384xi32, #tpu.memory_space<vmem>> -> memref<1x128xi32, #tpu.memory_space<vmem>>
      %dma_wait3A_145 = tpu.memref_squeeze %dma_wait3A_144 : memref<1x128xi32, #tpu.memory_space<vmem>> -> memref<128xi32, #tpu.memory_space<vmem>>
      %dma_wait3A_146 = arith.constant 0 : i32
      %dma_wait3A_147 = arith.constant 0 : i32
      %dma_wait3A_148 = tpu.memref_slice %arg3[%dma_wait3A_146, %dma_wait3A_147] : memref<50048x32xf32, #tpu.memory_space<hbm>> -> memref<50048x32xf32, #tpu.memory_space<hbm>>
      tpu.wait_indirect_dma semaphore(%arg14 : memref<!tpu.dma_semaphore, #tpu.memory_space<semaphore_mem>>) src(%dma_wait3A_148 : memref<50048x32xf32, #tpu.memory_space<hbm>>) dst(%dma_wait3A_142 : memref<128x32xf32, #tpu.memory_space<vmem>>)
      %dma_wait3A_149 = arith.constant 0 : i32
      %dma_wait3A_150 = arith.constant 0 : i32
      %dma_wait3A_151 = arith.constant 2 : i32
      %dma_wait3A_152 = arith.constant 0 : i32
      %dma_wait3A_153 = arith.constant 0 : i32
      %dma_wait3A_154 = tpu.memref_slice %arg13[%dma_wait3A_150, %dma_wait3A_151, %dma_wait3A_152, %dma_wait3A_153] : memref<2x3x128x32xf32, #tpu.memory_space<vmem>> -> memref<1x1x128x32xf32, #tpu.memory_space<vmem>>
      %dma_wait3A_155 = tpu.memref_squeeze %dma_wait3A_154 : memref<1x1x128x32xf32, #tpu.memory_space<vmem>> -> memref<128x32xf32, #tpu.memory_space<vmem>>
      %dma_wait3A_156 = arith.constant 256 : i32
      %dma_wait3A_157 = tpu.memref_slice %arg11[%dma_wait3A_149, %dma_wait3A_156] : memref<2x384xi32, #tpu.memory_space<vmem>> -> memref<1x128xi32, #tpu.memory_space<vmem>>
      %dma_wait3A_158 = tpu.memref_squeeze %dma_wait3A_157 : memref<1x128xi32, #tpu.memory_space<vmem>> -> memref<128xi32, #tpu.memory_space<vmem>>
      %dma_wait3A_159 = arith.constant 0 : i32
      %dma_wait3A_160 = arith.constant 0 : i32
      %dma_wait3A_161 = tpu.memref_slice %arg3[%dma_wait3A_159, %dma_wait3A_160] : memref<50048x32xf32, #tpu.memory_space<hbm>> -> memref<50048x32xf32, #tpu.memory_space<hbm>>
      tpu.wait_indirect_dma semaphore(%arg14 : memref<!tpu.dma_semaphore, #tpu.memory_space<semaphore_mem>>) src(%dma_wait3A_161 : memref<50048x32xf32, #tpu.memory_space<hbm>>) dst(%dma_wait3A_155 : memref<128x32xf32, #tpu.memory_space<vmem>>)
      %dma_start3A_162 = arith.constant 0 : i32
      %dma_start3A_163 = arith.constant 0 : i32
      %dma_start3A_164 = arith.constant 0 : i32
      %dma_start3A_165 = arith.constant 0 : i32
      %dma_start3A_166 = arith.constant 0 : i32
      %dma_start3A_167 = tpu.memref_slice %arg13[%dma_start3A_162, %dma_start3A_163, %dma_start3A_165, %dma_start3A_166] : memref<2x3x128x32xf32, #tpu.memory_space<vmem>> -> memref<1x1x128x32xf32, #tpu.memory_space<vmem>>
      %dma_start3A_168 = tpu.memref_squeeze %dma_start3A_167 : memref<1x1x128x32xf32, #tpu.memory_space<vmem>> -> memref<128x32xf32, #tpu.memory_space<vmem>>
      %dma_start3A_169 = arith.constant 0 : i32
      %dma_start3A_170 = tpu.memref_slice %arg12[%dma_start3A_164, %dma_start3A_169] : memref<2x384xi32, #tpu.memory_space<vmem>> -> memref<1x128xi32, #tpu.memory_space<vmem>>
      %dma_start3A_171 = tpu.memref_squeeze %dma_start3A_170 : memref<1x128xi32, #tpu.memory_space<vmem>> -> memref<128xi32, #tpu.memory_space<vmem>>
      %dma_start3A_172 = arith.constant 0 : i32
      %dma_start3A_173 = arith.constant 0 : i32
      %dma_start3A_174 = tpu.memref_slice %arg10[%dma_start3A_172, %dma_start3A_173] : memref<50048x32xf32, #tpu.memory_space<vmem_shared>> -> memref<50048x32xf32, #tpu.memory_space<vmem_shared>>
      tpu.enqueue_indirect_dma source(%dma_start3A_168 : memref<128x32xf32, #tpu.memory_space<vmem>>) target(%dma_start3A_174 : memref<50048x32xf32, #tpu.memory_space<vmem_shared>>) offsets(%dma_start3A_171 : memref<128xi32, #tpu.memory_space<vmem>>) semaphore(%arg16 : memref<!tpu.dma_semaphore, #tpu.memory_space<semaphore_mem>>) {add = true}
      %dma_start3A_175 = arith.constant 0 : i32
      %dma_start3A_176 = arith.constant 1 : i32
      %dma_start3A_177 = arith.constant 0 : i32
      %dma_start3A_178 = arith.constant 0 : i32
      %dma_start3A_179 = arith.constant 0 : i32
      %dma_start3A_180 = tpu.memref_slice %arg13[%dma_start3A_175, %dma_start3A_176, %dma_start3A_178, %dma_start3A_179] : memref<2x3x128x32xf32, #tpu.memory_space<vmem>> -> memref<1x1x128x32xf32, #tpu.memory_space<vmem>>
      %dma_start3A_181 = tpu.memref_squeeze %dma_start3A_180 : memref<1x1x128x32xf32, #tpu.memory_space<vmem>> -> memref<128x32xf32, #tpu.memory_space<vmem>>
      %dma_start3A_182 = arith.constant 128 : i32
      %dma_start3A_183 = tpu.memref_slice %arg12[%dma_start3A_177, %dma_start3A_182] : memref<2x384xi32, #tpu.memory_space<vmem>> -> memref<1x128xi32, #tpu.memory_space<vmem>>
      %dma_start3A_184 = tpu.memref_squeeze %dma_start3A_183 : memref<1x128xi32, #tpu.memory_space<vmem>> -> memref<128xi32, #tpu.memory_space<vmem>>
      %dma_start3A_185 = arith.constant 0 : i32
      %dma_start3A_186 = arith.constant 0 : i32
      %dma_start3A_187 = tpu.memref_slice %arg10[%dma_start3A_185, %dma_start3A_186] : memref<50048x32xf32, #tpu.memory_space<vmem_shared>> -> memref<50048x32xf32, #tpu.memory_space<vmem_shared>>
      tpu.enqueue_indirect_dma source(%dma_start3A_181 : memref<128x32xf32, #tpu.memory_space<vmem>>) target(%dma_start3A_187 : memref<50048x32xf32, #tpu.memory_space<vmem_shared>>) offsets(%dma_start3A_184 : memref<128xi32, #tpu.memory_space<vmem>>) semaphore(%arg16 : memref<!tpu.dma_semaphore, #tpu.memory_space<semaphore_mem>>) {add = true}
      %dma_start3A_188 = arith.constant 0 : i32
      %dma_start3A_189 = arith.constant 2 : i32
      %dma_start3A_190 = arith.constant 0 : i32
      %dma_start3A_191 = arith.constant 0 : i32
      %dma_start3A_192 = arith.constant 0 : i32
      %dma_start3A_193 = tpu.memref_slice %arg13[%dma_start3A_188, %dma_start3A_189, %dma_start3A_191, %dma_start3A_192] : memref<2x3x128x32xf32, #tpu.memory_space<vmem>> -> memref<1x1x128x32xf32, #tpu.memory_space<vmem>>
      %dma_start3A_194 = tpu.memref_squeeze %dma_start3A_193 : memref<1x1x128x32xf32, #tpu.memory_space<vmem>> -> memref<128x32xf32, #tpu.memory_space<vmem>>
      %dma_start3A_195 = arith.constant 256 : i32
      %dma_start3A_196 = tpu.memref_slice %arg12[%dma_start3A_190, %dma_start3A_195] : memref<2x384xi32, #tpu.memory_space<vmem>> -> memref<1x128xi32, #tpu.memory_space<vmem>>
      %dma_start3A_197 = tpu.memref_squeeze %dma_start3A_196 : memref<1x128xi32, #tpu.memory_space<vmem>> -> memref<128xi32, #tpu.memory_space<vmem>>
      %dma_start3A_198 = arith.constant 0 : i32
      %dma_start3A_199 = arith.constant 0 : i32
      %dma_start3A_200 = tpu.memref_slice %arg10[%dma_start3A_198, %dma_start3A_199] : memref<50048x32xf32, #tpu.memory_space<vmem_shared>> -> memref<50048x32xf32, #tpu.memory_space<vmem_shared>>
      tpu.enqueue_indirect_dma source(%dma_start3A_194 : memref<128x32xf32, #tpu.memory_space<vmem>>) target(%dma_start3A_200 : memref<50048x32xf32, #tpu.memory_space<vmem_shared>>) offsets(%dma_start3A_197 : memref<128xi32, #tpu.memory_space<vmem>>) semaphore(%arg16 : memref<!tpu.dma_semaphore, #tpu.memory_space<semaphore_mem>>) {add = true}
      %scan3A = arith.constant 0 : i32
      %scan3A_201 = arith.constant 1 : i32
      %scan3A_202 = arith.constant 65 : i32
      %scan3A_203 = arith.addi %scan3A_201, %scan3A_202 : i32
      %scan3A_204 = arith.constant 1 : i32
      scf.for %scan3A_362 = %scan3A_201 to %scan3A_203 step %scan3A_204  : i32 {
        %mul3A_363 = arith.constant 2 : i32
        %mul3A_364 = arith.muli %mul3A_363, %scan3A_362 : i32
        %dma_wait3A_365 = arith.constant 0 : i32
        %dma_wait3A_366 = arith.constant 0 : i32
        %dma_wait3A_367 = arith.constant 0 : i32
        %dma_wait3A_368 = arith.constant 0 : i32
        %dma_wait3A_369 = arith.constant 0 : i32
        %dma_wait3A_370 = tpu.memref_slice %arg13[%dma_wait3A_365, %dma_wait3A_366, %dma_wait3A_368, %dma_wait3A_369] : memref<2x3x128x32xf32, #tpu.memory_space<vmem>> -> memref<1x1x128x32xf32, #tpu.memory_space<vmem>>
        %dma_wait3A_371 = tpu.memref_squeeze %dma_wait3A_370 : memref<1x1x128x32xf32, #tpu.memory_space<vmem>> -> memref<128x32xf32, #tpu.memory_space<vmem>>
        %dma_wait3A_372 = arith.constant 0 : i32
        %dma_wait3A_373 = tpu.memref_slice %arg12[%dma_wait3A_367, %dma_wait3A_372] : memref<2x384xi32, #tpu.memory_space<vmem>> -> memref<1x128xi32, #tpu.memory_space<vmem>>
        %dma_wait3A_374 = tpu.memref_squeeze %dma_wait3A_373 : memref<1x128xi32, #tpu.memory_space<vmem>> -> memref<128xi32, #tpu.memory_space<vmem>>
        %dma_wait3A_375 = arith.constant 0 : i32
        %dma_wait3A_376 = arith.constant 0 : i32
        %dma_wait3A_377 = tpu.memref_slice %arg10[%dma_wait3A_375, %dma_wait3A_376] : memref<50048x32xf32, #tpu.memory_space<vmem_shared>> -> memref<50048x32xf32, #tpu.memory_space<vmem_shared>>
        tpu.wait_indirect_dma semaphore(%arg16 : memref<!tpu.dma_semaphore, #tpu.memory_space<semaphore_mem>>) src(%dma_wait3A_371 : memref<128x32xf32, #tpu.memory_space<vmem>>) dst(%dma_wait3A_377 : memref<50048x32xf32, #tpu.memory_space<vmem_shared>>)
        %dma_wait3A_378 = arith.constant 0 : i32
        %dma_wait3A_379 = arith.constant 1 : i32
        %dma_wait3A_380 = arith.constant 0 : i32
        %dma_wait3A_381 = arith.constant 0 : i32
        %dma_wait3A_382 = arith.constant 0 : i32
        %dma_wait3A_383 = tpu.memref_slice %arg13[%dma_wait3A_378, %dma_wait3A_379, %dma_wait3A_381, %dma_wait3A_382] : memref<2x3x128x32xf32, #tpu.memory_space<vmem>> -> memref<1x1x128x32xf32, #tpu.memory_space<vmem>>
        %dma_wait3A_384 = tpu.memref_squeeze %dma_wait3A_383 : memref<1x1x128x32xf32, #tpu.memory_space<vmem>> -> memref<128x32xf32, #tpu.memory_space<vmem>>
        %dma_wait3A_385 = arith.constant 128 : i32
        %dma_wait3A_386 = tpu.memref_slice %arg12[%dma_wait3A_380, %dma_wait3A_385] : memref<2x384xi32, #tpu.memory_space<vmem>> -> memref<1x128xi32, #tpu.memory_space<vmem>>
        %dma_wait3A_387 = tpu.memref_squeeze %dma_wait3A_386 : memref<1x128xi32, #tpu.memory_space<vmem>> -> memref<128xi32, #tpu.memory_space<vmem>>
        %dma_wait3A_388 = arith.constant 0 : i32
        %dma_wait3A_389 = arith.constant 0 : i32
        %dma_wait3A_390 = tpu.memref_slice %arg10[%dma_wait3A_388, %dma_wait3A_389] : memref<50048x32xf32, #tpu.memory_space<vmem_shared>> -> memref<50048x32xf32, #tpu.memory_space<vmem_shared>>
        tpu.wait_indirect_dma semaphore(%arg16 : memref<!tpu.dma_semaphore, #tpu.memory_space<semaphore_mem>>) src(%dma_wait3A_384 : memref<128x32xf32, #tpu.memory_space<vmem>>) dst(%dma_wait3A_390 : memref<50048x32xf32, #tpu.memory_space<vmem_shared>>)
        %dma_wait3A_391 = arith.constant 0 : i32
        %dma_wait3A_392 = arith.constant 2 : i32
        %dma_wait3A_393 = arith.constant 0 : i32
        %dma_wait3A_394 = arith.constant 0 : i32
        %dma_wait3A_395 = arith.constant 0 : i32
        %dma_wait3A_396 = tpu.memref_slice %arg13[%dma_wait3A_391, %dma_wait3A_392, %dma_wait3A_394, %dma_wait3A_395] : memref<2x3x128x32xf32, #tpu.memory_space<vmem>> -> memref<1x1x128x32xf32, #tpu.memory_space<vmem>>
        %dma_wait3A_397 = tpu.memref_squeeze %dma_wait3A_396 : memref<1x1x128x32xf32, #tpu.memory_space<vmem>> -> memref<128x32xf32, #tpu.memory_space<vmem>>
        %dma_wait3A_398 = arith.constant 256 : i32
        %dma_wait3A_399 = tpu.memref_slice %arg12[%dma_wait3A_393, %dma_wait3A_398] : memref<2x384xi32, #tpu.memory_space<vmem>> -> memref<1x128xi32, #tpu.memory_space<vmem>>
        %dma_wait3A_400 = tpu.memref_squeeze %dma_wait3A_399 : memref<1x128xi32, #tpu.memory_space<vmem>> -> memref<128xi32, #tpu.memory_space<vmem>>
        %dma_wait3A_401 = arith.constant 0 : i32
        %dma_wait3A_402 = arith.constant 0 : i32
        %dma_wait3A_403 = tpu.memref_slice %arg10[%dma_wait3A_401, %dma_wait3A_402] : memref<50048x32xf32, #tpu.memory_space<vmem_shared>> -> memref<50048x32xf32, #tpu.memory_space<vmem_shared>>
        tpu.wait_indirect_dma semaphore(%arg16 : memref<!tpu.dma_semaphore, #tpu.memory_space<semaphore_mem>>) src(%dma_wait3A_397 : memref<128x32xf32, #tpu.memory_space<vmem>>) dst(%dma_wait3A_403 : memref<50048x32xf32, #tpu.memory_space<vmem_shared>>)
        %mul3A_404 = arith.constant 132 : i32
        %mul3A_405 = arith.muli %arg1, %mul3A_404 : i32
        %add3A_406 = arith.addi %mul3A_405, %mul3A_364 : i32
        %run_scoped3A_407 = arith.constant 0 : i32
        "tpu.region"() ({
          %run_scoped3A_695 = tpu.sem_alloc : memref<!tpu.dma_semaphore, #tpu.memory_space<semaphore_mem>>
          %dma_start3A_696 = arith.constant 0 : i32
          %dma_start3A_697 = tpu.memref_slice %arg11[%run_scoped3A_407, %dma_start3A_696] : memref<2x384xi32, #tpu.memory_space<vmem>> -> memref<1x384xi32, #tpu.memory_space<vmem>>
          %dma_start3A_698 = tpu.memref_squeeze %dma_start3A_697 : memref<1x384xi32, #tpu.memory_space<vmem>> -> memref<384xi32, #tpu.memory_space<vmem>>
          %dma_start3A_699 = arith.constant 0 : i32
          %dma_start3A_700 = tpu.memref_slice %arg6[%add3A_406, %dma_start3A_699] : memref<2112x384xi32, #tpu.memory_space<hbm>> -> memref<1x384xi32, #tpu.memory_space<hbm>>
          %dma_start3A_701 = tpu.memref_squeeze %dma_start3A_700 : memref<1x384xi32, #tpu.memory_space<hbm>> -> memref<384xi32, #tpu.memory_space<hbm>>
          %dma_start3A_702 = arith.constant 0 : i32
          %dma_start3A_703 = tpu.memref_slice %arg11[%run_scoped3A_407, %dma_start3A_702] : memref<2x384xi32, #tpu.memory_space<vmem>> -> memref<1x384xi32, #tpu.memory_space<vmem>>
          %dma_start3A_704 = tpu.memref_squeeze %dma_start3A_703 : memref<1x384xi32, #tpu.memory_space<vmem>> -> memref<384xi32, #tpu.memory_space<vmem>>
          %dma_start3A_705 = arith.constant 0 : i32
          %dma_start3A_706 = tpu.memref_slice %arg6[%add3A_406, %dma_start3A_705] : memref<2112x384xi32, #tpu.memory_space<hbm>> -> memref<1x384xi32, #tpu.memory_space<hbm>>
          %dma_start3A_707 = tpu.memref_squeeze %dma_start3A_706 : memref<1x384xi32, #tpu.memory_space<hbm>> -> memref<384xi32, #tpu.memory_space<hbm>>
          tpu.enqueue_dma source(%dma_start3A_707 : memref<384xi32, #tpu.memory_space<hbm>>) target(%dma_start3A_704 : memref<384xi32, #tpu.memory_space<vmem>>) target_semaphore(%run_scoped3A_695 : memref<!tpu.dma_semaphore, #tpu.memory_space<semaphore_mem>>)
          %dma_wait3A_708 = arith.constant 0 : i32
          %dma_wait3A_709 = tpu.memref_slice %arg11[%run_scoped3A_407, %dma_wait3A_708] : memref<2x384xi32, #tpu.memory_space<vmem>> -> memref<1x384xi32, #tpu.memory_space<vmem>>
          %dma_wait3A_710 = tpu.memref_squeeze %dma_wait3A_709 : memref<1x384xi32, #tpu.memory_space<vmem>> -> memref<384xi32, #tpu.memory_space<vmem>>
          %dma_wait3A_711 = arith.constant 0 : i32
          %dma_wait3A_712 = tpu.memref_slice %arg6[%add3A_406, %dma_wait3A_711] : memref<2112x384xi32, #tpu.memory_space<hbm>> -> memref<1x384xi32, #tpu.memory_space<hbm>>
          %dma_wait3A_713 = tpu.memref_squeeze %dma_wait3A_712 : memref<1x384xi32, #tpu.memory_space<hbm>> -> memref<384xi32, #tpu.memory_space<hbm>>
          %dma_wait3A_714 = arith.constant 0 : i32
          %dma_wait3A_715 = tpu.memref_slice %arg11[%run_scoped3A_407, %dma_wait3A_714] : memref<2x384xi32, #tpu.memory_space<vmem>> -> memref<1x384xi32, #tpu.memory_space<vmem>>
          %dma_wait3A_716 = tpu.memref_squeeze %dma_wait3A_715 : memref<1x384xi32, #tpu.memory_space<vmem>> -> memref<384xi32, #tpu.memory_space<vmem>>
          %dma_wait3A_717 = arith.constant 0 : i32
          %dma_wait3A_718 = tpu.memref_slice %arg6[%add3A_406, %dma_wait3A_717] : memref<2112x384xi32, #tpu.memory_space<hbm>> -> memref<1x384xi32, #tpu.memory_space<hbm>>
          %dma_wait3A_719 = tpu.memref_squeeze %dma_wait3A_718 : memref<1x384xi32, #tpu.memory_space<hbm>> -> memref<384xi32, #tpu.memory_space<hbm>>
          tpu.wait_dma2 semaphore(%run_scoped3A_695 : memref<!tpu.dma_semaphore, #tpu.memory_space<semaphore_mem>>) src(%dma_wait3A_719 : memref<384xi32, #tpu.memory_space<hbm>>) dst(%dma_wait3A_716 : memref<384xi32, #tpu.memory_space<vmem>>)
          tpu.yield
        }) : () -> ()
        %mul3A_408 = arith.constant 132 : i32
        %mul3A_409 = arith.muli %arg1, %mul3A_408 : i32
        %add3A_410 = arith.addi %mul3A_409, %mul3A_364 : i32
        %run_scoped3A_411 = arith.constant 0 : i32
        "tpu.region"() ({
          %run_scoped3A_695 = tpu.sem_alloc : memref<!tpu.dma_semaphore, #tpu.memory_space<semaphore_mem>>
          %dma_start3A_696 = arith.constant 0 : i32
          %dma_start3A_697 = tpu.memref_slice %arg12[%run_scoped3A_411, %dma_start3A_696] : memref<2x384xi32, #tpu.memory_space<vmem>> -> memref<1x384xi32, #tpu.memory_space<vmem>>
          %dma_start3A_698 = tpu.memref_squeeze %dma_start3A_697 : memref<1x384xi32, #tpu.memory_space<vmem>> -> memref<384xi32, #tpu.memory_space<vmem>>
          %dma_start3A_699 = arith.constant 0 : i32
          %dma_start3A_700 = tpu.memref_slice %arg7[%add3A_410, %dma_start3A_699] : memref<2112x384xi32, #tpu.memory_space<hbm>> -> memref<1x384xi32, #tpu.memory_space<hbm>>
          %dma_start3A_701 = tpu.memref_squeeze %dma_start3A_700 : memref<1x384xi32, #tpu.memory_space<hbm>> -> memref<384xi32, #tpu.memory_space<hbm>>
          %dma_start3A_702 = arith.constant 0 : i32
          %dma_start3A_703 = tpu.memref_slice %arg12[%run_scoped3A_411, %dma_start3A_702] : memref<2x384xi32, #tpu.memory_space<vmem>> -> memref<1x384xi32, #tpu.memory_space<vmem>>
          %dma_start3A_704 = tpu.memref_squeeze %dma_start3A_703 : memref<1x384xi32, #tpu.memory_space<vmem>> -> memref<384xi32, #tpu.memory_space<vmem>>
          %dma_start3A_705 = arith.constant 0 : i32
          %dma_start3A_706 = tpu.memref_slice %arg7[%add3A_410, %dma_start3A_705] : memref<2112x384xi32, #tpu.memory_space<hbm>> -> memref<1x384xi32, #tpu.memory_space<hbm>>
          %dma_start3A_707 = tpu.memref_squeeze %dma_start3A_706 : memref<1x384xi32, #tpu.memory_space<hbm>> -> memref<384xi32, #tpu.memory_space<hbm>>
          tpu.enqueue_dma source(%dma_start3A_707 : memref<384xi32, #tpu.memory_space<hbm>>) target(%dma_start3A_704 : memref<384xi32, #tpu.memory_space<vmem>>) target_semaphore(%run_scoped3A_695 : memref<!tpu.dma_semaphore, #tpu.memory_space<semaphore_mem>>)
          %dma_wait3A_708 = arith.constant 0 : i32
          %dma_wait3A_709 = tpu.memref_slice %arg12[%run_scoped3A_411, %dma_wait3A_708] : memref<2x384xi32, #tpu.memory_space<vmem>> -> memref<1x384xi32, #tpu.memory_space<vmem>>
          %dma_wait3A_710 = tpu.memref_squeeze %dma_wait3A_709 : memref<1x384xi32, #tpu.memory_space<vmem>> -> memref<384xi32, #tpu.memory_space<vmem>>
          %dma_wait3A_711 = arith.constant 0 : i32
          %dma_wait3A_712 = tpu.memref_slice %arg7[%add3A_410, %dma_wait3A_711] : memref<2112x384xi32, #tpu.memory_space<hbm>> -> memref<1x384xi32, #tpu.memory_space<hbm>>
          %dma_wait3A_713 = tpu.memref_squeeze %dma_wait3A_712 : memref<1x384xi32, #tpu.memory_space<hbm>> -> memref<384xi32, #tpu.memory_space<hbm>>
          %dma_wait3A_714 = arith.constant 0 : i32
          %dma_wait3A_715 = tpu.memref_slice %arg12[%run_scoped3A_411, %dma_wait3A_714] : memref<2x384xi32, #tpu.memory_space<vmem>> -> memref<1x384xi32, #tpu.memory_space<vmem>>
          %dma_wait3A_716 = tpu.memref_squeeze %dma_wait3A_715 : memref<1x384xi32, #tpu.memory_space<vmem>> -> memref<384xi32, #tpu.memory_space<vmem>>
          %dma_wait3A_717 = arith.constant 0 : i32
          %dma_wait3A_718 = tpu.memref_slice %arg7[%add3A_410, %dma_wait3A_717] : memref<2112x384xi32, #tpu.memory_space<hbm>> -> memref<1x384xi32, #tpu.memory_space<hbm>>
          %dma_wait3A_719 = tpu.memref_squeeze %dma_wait3A_718 : memref<1x384xi32, #tpu.memory_space<hbm>> -> memref<384xi32, #tpu.memory_space<hbm>>
          tpu.wait_dma2 semaphore(%run_scoped3A_695 : memref<!tpu.dma_semaphore, #tpu.memory_space<semaphore_mem>>) src(%dma_wait3A_719 : memref<384xi32, #tpu.memory_space<hbm>>) dst(%dma_wait3A_716 : memref<384xi32, #tpu.memory_space<vmem>>)
          tpu.yield
        }) : () -> ()
        %dma_start3A_412 = arith.constant 0 : i32
        %dma_start3A_413 = arith.constant 0 : i32
        %dma_start3A_414 = arith.constant 0 : i32
        %dma_start3A_415 = arith.constant 0 : i32
        %dma_start3A_416 = arith.constant 0 : i32
        %dma_start3A_417 = tpu.memref_slice %arg13[%dma_start3A_413, %dma_start3A_414, %dma_start3A_415, %dma_start3A_416] : memref<2x3x128x32xf32, #tpu.memory_space<vmem>> -> memref<1x1x128x32xf32, #tpu.memory_space<vmem>>
        %dma_start3A_418 = tpu.memref_squeeze %dma_start3A_417 : memref<1x1x128x32xf32, #tpu.memory_space<vmem>> -> memref<128x32xf32, #tpu.memory_space<vmem>>
        %dma_start3A_419 = arith.constant 0 : i32
        %dma_start3A_420 = tpu.memref_slice %arg11[%dma_start3A_412, %dma_start3A_419] : memref<2x384xi32, #tpu.memory_space<vmem>> -> memref<1x128xi32, #tpu.memory_space<vmem>>
        %dma_start3A_421 = tpu.memref_squeeze %dma_start3A_420 : memref<1x128xi32, #tpu.memory_space<vmem>> -> memref<128xi32, #tpu.memory_space<vmem>>
        %dma_start3A_422 = arith.constant 0 : i32
        %dma_start3A_423 = arith.constant 0 : i32
        %dma_start3A_424 = tpu.memref_slice %arg3[%dma_start3A_422, %dma_start3A_423] : memref<50048x32xf32, #tpu.memory_space<hbm>> -> memref<50048x32xf32, #tpu.memory_space<hbm>>
        tpu.enqueue_indirect_dma source(%dma_start3A_424 : memref<50048x32xf32, #tpu.memory_space<hbm>>) target(%dma_start3A_418 : memref<128x32xf32, #tpu.memory_space<vmem>>) offsets(%dma_start3A_421 : memref<128xi32, #tpu.memory_space<vmem>>) semaphore(%arg14 : memref<!tpu.dma_semaphore, #tpu.memory_space<semaphore_mem>>)
        %dma_start3A_425 = arith.constant 0 : i32
        %dma_start3A_426 = arith.constant 0 : i32
        %dma_start3A_427 = arith.constant 1 : i32
        %dma_start3A_428 = arith.constant 0 : i32
        %dma_start3A_429 = arith.constant 0 : i32
        %dma_start3A_430 = tpu.memref_slice %arg13[%dma_start3A_426, %dma_start3A_427, %dma_start3A_428, %dma_start3A_429] : memref<2x3x128x32xf32, #tpu.memory_space<vmem>> -> memref<1x1x128x32xf32, #tpu.memory_space<vmem>>
        %dma_start3A_431 = tpu.memref_squeeze %dma_start3A_430 : memref<1x1x128x32xf32, #tpu.memory_space<vmem>> -> memref<128x32xf32, #tpu.memory_space<vmem>>
        %dma_start3A_432 = arith.constant 128 : i32
        %dma_start3A_433 = tpu.memref_slice %arg11[%dma_start3A_425, %dma_start3A_432] : memref<2x384xi32, #tpu.memory_space<vmem>> -> memref<1x128xi32, #tpu.memory_space<vmem>>
        %dma_start3A_434 = tpu.memref_squeeze %dma_start3A_433 : memref<1x128xi32, #tpu.memory_space<vmem>> -> memref<128xi32, #tpu.memory_space<vmem>>
        %dma_start3A_435 = arith.constant 0 : i32
        %dma_start3A_436 = arith.constant 0 : i32
        %dma_start3A_437 = tpu.memref_slice %arg3[%dma_start3A_435, %dma_start3A_436] : memref<50048x32xf32, #tpu.memory_space<hbm>> -> memref<50048x32xf32, #tpu.memory_space<hbm>>
        tpu.enqueue_indirect_dma source(%dma_start3A_437 : memref<50048x32xf32, #tpu.memory_space<hbm>>) target(%dma_start3A_431 : memref<128x32xf32, #tpu.memory_space<vmem>>) offsets(%dma_start3A_434 : memref<128xi32, #tpu.memory_space<vmem>>) semaphore(%arg14 : memref<!tpu.dma_semaphore, #tpu.memory_space<semaphore_mem>>)
        %dma_start3A_438 = arith.constant 0 : i32
        %dma_start3A_439 = arith.constant 0 : i32
        %dma_start3A_440 = arith.constant 2 : i32
        %dma_start3A_441 = arith.constant 0 : i32
        %dma_start3A_442 = arith.constant 0 : i32
        %dma_start3A_443 = tpu.memref_slice %arg13[%dma_start3A_439, %dma_start3A_440, %dma_start3A_441, %dma_start3A_442] : memref<2x3x128x32xf32, #tpu.memory_space<vmem>> -> memref<1x1x128x32xf32, #tpu.memory_space<vmem>>
        %dma_start3A_444 = tpu.memref_squeeze %dma_start3A_443 : memref<1x1x128x32xf32, #tpu.memory_space<vmem>> -> memref<128x32xf32, #tpu.memory_space<vmem>>
        %dma_start3A_445 = arith.constant 256 : i32
        %dma_start3A_446 = tpu.memref_slice %arg11[%dma_start3A_438, %dma_start3A_445] : memref<2x384xi32, #tpu.memory_space<vmem>> -> memref<1x128xi32, #tpu.memory_space<vmem>>
        %dma_start3A_447 = tpu.memref_squeeze %dma_start3A_446 : memref<1x128xi32, #tpu.memory_space<vmem>> -> memref<128xi32, #tpu.memory_space<vmem>>
        %dma_start3A_448 = arith.constant 0 : i32
        %dma_start3A_449 = arith.constant 0 : i32
        %dma_start3A_450 = tpu.memref_slice %arg3[%dma_start3A_448, %dma_start3A_449] : memref<50048x32xf32, #tpu.memory_space<hbm>> -> memref<50048x32xf32, #tpu.memory_space<hbm>>
        tpu.enqueue_indirect_dma source(%dma_start3A_450 : memref<50048x32xf32, #tpu.memory_space<hbm>>) target(%dma_start3A_444 : memref<128x32xf32, #tpu.memory_space<vmem>>) offsets(%dma_start3A_447 : memref<128xi32, #tpu.memory_space<vmem>>) semaphore(%arg14 : memref<!tpu.dma_semaphore, #tpu.memory_space<semaphore_mem>>)
        %dma_wait3A_451 = arith.constant 1 : i32
        %dma_wait3A_452 = arith.constant 1 : i32
        %dma_wait3A_453 = arith.constant 0 : i32
        %dma_wait3A_454 = arith.constant 0 : i32
        %dma_wait3A_455 = arith.constant 0 : i32
        %dma_wait3A_456 = tpu.memref_slice %arg13[%dma_wait3A_452, %dma_wait3A_453, %dma_wait3A_454, %dma_wait3A_455] : memref<2x3x128x32xf32, #tpu.memory_space<vmem>> -> memref<1x1x128x32xf32, #tpu.memory_space<vmem>>
        %dma_wait3A_457 = tpu.memref_squeeze %dma_wait3A_456 : memref<1x1x128x32xf32, #tpu.memory_space<vmem>> -> memref<128x32xf32, #tpu.memory_space<vmem>>
        %dma_wait3A_458 = arith.constant 0 : i32
        %dma_wait3A_459 = tpu.memref_slice %arg11[%dma_wait3A_451, %dma_wait3A_458] : memref<2x384xi32, #tpu.memory_space<vmem>> -> memref<1x128xi32, #tpu.memory_space<vmem>>
        %dma_wait3A_460 = tpu.memref_squeeze %dma_wait3A_459 : memref<1x128xi32, #tpu.memory_space<vmem>> -> memref<128xi32, #tpu.memory_space<vmem>>
        %dma_wait3A_461 = arith.constant 0 : i32
        %dma_wait3A_462 = arith.constant 0 : i32
        %dma_wait3A_463 = tpu.memref_slice %arg3[%dma_wait3A_461, %dma_wait3A_462] : memref<50048x32xf32, #tpu.memory_space<hbm>> -> memref<50048x32xf32, #tpu.memory_space<hbm>>
        tpu.wait_indirect_dma semaphore(%arg15 : memref<!tpu.dma_semaphore, #tpu.memory_space<semaphore_mem>>) src(%dma_wait3A_463 : memref<50048x32xf32, #tpu.memory_space<hbm>>) dst(%dma_wait3A_457 : memref<128x32xf32, #tpu.memory_space<vmem>>)
        %dma_wait3A_464 = arith.constant 1 : i32
        %dma_wait3A_465 = arith.constant 1 : i32
        %dma_wait3A_466 = arith.constant 1 : i32
        %dma_wait3A_467 = arith.constant 0 : i32
        %dma_wait3A_468 = arith.constant 0 : i32
        %dma_wait3A_469 = tpu.memref_slice %arg13[%dma_wait3A_465, %dma_wait3A_466, %dma_wait3A_467, %dma_wait3A_468] : memref<2x3x128x32xf32, #tpu.memory_space<vmem>> -> memref<1x1x128x32xf32, #tpu.memory_space<vmem>>
        %dma_wait3A_470 = tpu.memref_squeeze %dma_wait3A_469 : memref<1x1x128x32xf32, #tpu.memory_space<vmem>> -> memref<128x32xf32, #tpu.memory_space<vmem>>
        %dma_wait3A_471 = arith.constant 128 : i32
        %dma_wait3A_472 = tpu.memref_slice %arg11[%dma_wait3A_464, %dma_wait3A_471] : memref<2x384xi32, #tpu.memory_space<vmem>> -> memref<1x128xi32, #tpu.memory_space<vmem>>
        %dma_wait3A_473 = tpu.memref_squeeze %dma_wait3A_472 : memref<1x128xi32, #tpu.memory_space<vmem>> -> memref<128xi32, #tpu.memory_space<vmem>>
        %dma_wait3A_474 = arith.constant 0 : i32
        %dma_wait3A_475 = arith.constant 0 : i32
        %dma_wait3A_476 = tpu.memref_slice %arg3[%dma_wait3A_474, %dma_wait3A_475] : memref<50048x32xf32, #tpu.memory_space<hbm>> -> memref<50048x32xf32, #tpu.memory_space<hbm>>
        tpu.wait_indirect_dma semaphore(%arg15 : memref<!tpu.dma_semaphore, #tpu.memory_space<semaphore_mem>>) src(%dma_wait3A_476 : memref<50048x32xf32, #tpu.memory_space<hbm>>) dst(%dma_wait3A_470 : memref<128x32xf32, #tpu.memory_space<vmem>>)
        %dma_wait3A_477 = arith.constant 1 : i32
        %dma_wait3A_478 = arith.constant 1 : i32
        %dma_wait3A_479 = arith.constant 2 : i32
        %dma_wait3A_480 = arith.constant 0 : i32
        %dma_wait3A_481 = arith.constant 0 : i32
        %dma_wait3A_482 = tpu.memref_slice %arg13[%dma_wait3A_478, %dma_wait3A_479, %dma_wait3A_480, %dma_wait3A_481] : memref<2x3x128x32xf32, #tpu.memory_space<vmem>> -> memref<1x1x128x32xf32, #tpu.memory_space<vmem>>
        %dma_wait3A_483 = tpu.memref_squeeze %dma_wait3A_482 : memref<1x1x128x32xf32, #tpu.memory_space<vmem>> -> memref<128x32xf32, #tpu.memory_space<vmem>>
        %dma_wait3A_484 = arith.constant 256 : i32
        %dma_wait3A_485 = tpu.memref_slice %arg11[%dma_wait3A_477, %dma_wait3A_484] : memref<2x384xi32, #tpu.memory_space<vmem>> -> memref<1x128xi32, #tpu.memory_space<vmem>>
        %dma_wait3A_486 = tpu.memref_squeeze %dma_wait3A_485 : memref<1x128xi32, #tpu.memory_space<vmem>> -> memref<128xi32, #tpu.memory_space<vmem>>
        %dma_wait3A_487 = arith.constant 0 : i32
        %dma_wait3A_488 = arith.constant 0 : i32
        %dma_wait3A_489 = tpu.memref_slice %arg3[%dma_wait3A_487, %dma_wait3A_488] : memref<50048x32xf32, #tpu.memory_space<hbm>> -> memref<50048x32xf32, #tpu.memory_space<hbm>>
        tpu.wait_indirect_dma semaphore(%arg15 : memref<!tpu.dma_semaphore, #tpu.memory_space<semaphore_mem>>) src(%dma_wait3A_489 : memref<50048x32xf32, #tpu.memory_space<hbm>>) dst(%dma_wait3A_483 : memref<128x32xf32, #tpu.memory_space<vmem>>)
        %dma_start3A_490 = arith.constant 1 : i32
        %dma_start3A_491 = arith.constant 0 : i32
        %dma_start3A_492 = arith.constant 1 : i32
        %dma_start3A_493 = arith.constant 0 : i32
        %dma_start3A_494 = arith.constant 0 : i32
        %dma_start3A_495 = tpu.memref_slice %arg13[%dma_start3A_490, %dma_start3A_491, %dma_start3A_493, %dma_start3A_494] : memref<2x3x128x32xf32, #tpu.memory_space<vmem>> -> memref<1x1x128x32xf32, #tpu.memory_space<vmem>>
        %dma_start3A_496 = tpu.memref_squeeze %dma_start3A_495 : memref<1x1x128x32xf32, #tpu.memory_space<vmem>> -> memref<128x32xf32, #tpu.memory_space<vmem>>
        %dma_start3A_497 = arith.constant 0 : i32
        %dma_start3A_498 = tpu.memref_slice %arg12[%dma_start3A_492, %dma_start3A_497] : memref<2x384xi32, #tpu.memory_space<vmem>> -> memref<1x128xi32, #tpu.memory_space<vmem>>
        %dma_start3A_499 = tpu.memref_squeeze %dma_start3A_498 : memref<1x128xi32, #tpu.memory_space<vmem>> -> memref<128xi32, #tpu.memory_space<vmem>>
        %dma_start3A_500 = arith.constant 0 : i32
        %dma_start3A_501 = arith.constant 0 : i32
        %dma_start3A_502 = tpu.memref_slice %arg10[%dma_start3A_500, %dma_start3A_501] : memref<50048x32xf32, #tpu.memory_space<vmem_shared>> -> memref<50048x32xf32, #tpu.memory_space<vmem_shared>>
        tpu.enqueue_indirect_dma source(%dma_start3A_496 : memref<128x32xf32, #tpu.memory_space<vmem>>) target(%dma_start3A_502 : memref<50048x32xf32, #tpu.memory_space<vmem_shared>>) offsets(%dma_start3A_499 : memref<128xi32, #tpu.memory_space<vmem>>) semaphore(%arg17 : memref<!tpu.dma_semaphore, #tpu.memory_space<semaphore_mem>>) {add = true}
        %dma_start3A_503 = arith.constant 1 : i32
        %dma_start3A_504 = arith.constant 1 : i32
        %dma_start3A_505 = arith.constant 1 : i32
        %dma_start3A_506 = arith.constant 0 : i32
        %dma_start3A_507 = arith.constant 0 : i32
        %dma_start3A_508 = tpu.memref_slice %arg13[%dma_start3A_503, %dma_start3A_504, %dma_start3A_506, %dma_start3A_507] : memref<2x3x128x32xf32, #tpu.memory_space<vmem>> -> memref<1x1x128x32xf32, #tpu.memory_space<vmem>>
        %dma_start3A_509 = tpu.memref_squeeze %dma_start3A_508 : memref<1x1x128x32xf32, #tpu.memory_space<vmem>> -> memref<128x32xf32, #tpu.memory_space<vmem>>
        %dma_start3A_510 = arith.constant 128 : i32
        %dma_start3A_511 = tpu.memref_slice %arg12[%dma_start3A_505, %dma_start3A_510] : memref<2x384xi32, #tpu.memory_space<vmem>> -> memref<1x128xi32, #tpu.memory_space<vmem>>
        %dma_start3A_512 = tpu.memref_squeeze %dma_start3A_511 : memref<1x128xi32, #tpu.memory_space<vmem>> -> memref<128xi32, #tpu.memory_space<vmem>>
        %dma_start3A_513 = arith.constant 0 : i32
        %dma_start3A_514 = arith.constant 0 : i32
        %dma_start3A_515 = tpu.memref_slice %arg10[%dma_start3A_513, %dma_start3A_514] : memref<50048x32xf32, #tpu.memory_space<vmem_shared>> -> memref<50048x32xf32, #tpu.memory_space<vmem_shared>>
        tpu.enqueue_indirect_dma source(%dma_start3A_509 : memref<128x32xf32, #tpu.memory_space<vmem>>) target(%dma_start3A_515 : memref<50048x32xf32, #tpu.memory_space<vmem_shared>>) offsets(%dma_start3A_512 : memref<128xi32, #tpu.memory_space<vmem>>) semaphore(%arg17 : memref<!tpu.dma_semaphore, #tpu.memory_space<semaphore_mem>>) {add = true}
        %dma_start3A_516 = arith.constant 1 : i32
        %dma_start3A_517 = arith.constant 2 : i32
        %dma_start3A_518 = arith.constant 1 : i32
        %dma_start3A_519 = arith.constant 0 : i32
        %dma_start3A_520 = arith.constant 0 : i32
        %dma_start3A_521 = tpu.memref_slice %arg13[%dma_start3A_516, %dma_start3A_517, %dma_start3A_519, %dma_start3A_520] : memref<2x3x128x32xf32, #tpu.memory_space<vmem>> -> memref<1x1x128x32xf32, #tpu.memory_space<vmem>>
        %dma_start3A_522 = tpu.memref_squeeze %dma_start3A_521 : memref<1x1x128x32xf32, #tpu.memory_space<vmem>> -> memref<128x32xf32, #tpu.memory_space<vmem>>
        %dma_start3A_523 = arith.constant 256 : i32
        %dma_start3A_524 = tpu.memref_slice %arg12[%dma_start3A_518, %dma_start3A_523] : memref<2x384xi32, #tpu.memory_space<vmem>> -> memref<1x128xi32, #tpu.memory_space<vmem>>
        %dma_start3A_525 = tpu.memref_squeeze %dma_start3A_524 : memref<1x128xi32, #tpu.memory_space<vmem>> -> memref<128xi32, #tpu.memory_space<vmem>>
        %dma_start3A_526 = arith.constant 0 : i32
        %dma_start3A_527 = arith.constant 0 : i32
        %dma_start3A_528 = tpu.memref_slice %arg10[%dma_start3A_526, %dma_start3A_527] : memref<50048x32xf32, #tpu.memory_space<vmem_shared>> -> memref<50048x32xf32, #tpu.memory_space<vmem_shared>>
        tpu.enqueue_indirect_dma source(%dma_start3A_522 : memref<128x32xf32, #tpu.memory_space<vmem>>) target(%dma_start3A_528 : memref<50048x32xf32, #tpu.memory_space<vmem_shared>>) offsets(%dma_start3A_525 : memref<128xi32, #tpu.memory_space<vmem>>) semaphore(%arg17 : memref<!tpu.dma_semaphore, #tpu.memory_space<semaphore_mem>>) {add = true}
        %dma_wait3A_529 = arith.constant 1 : i32
        %dma_wait3A_530 = arith.constant 0 : i32
        %dma_wait3A_531 = arith.constant 1 : i32
        %dma_wait3A_532 = arith.constant 0 : i32
        %dma_wait3A_533 = arith.constant 0 : i32
        %dma_wait3A_534 = tpu.memref_slice %arg13[%dma_wait3A_529, %dma_wait3A_530, %dma_wait3A_532, %dma_wait3A_533] : memref<2x3x128x32xf32, #tpu.memory_space<vmem>> -> memref<1x1x128x32xf32, #tpu.memory_space<vmem>>
        %dma_wait3A_535 = tpu.memref_squeeze %dma_wait3A_534 : memref<1x1x128x32xf32, #tpu.memory_space<vmem>> -> memref<128x32xf32, #tpu.memory_space<vmem>>
        %dma_wait3A_536 = arith.constant 0 : i32
        %dma_wait3A_537 = tpu.memref_slice %arg12[%dma_wait3A_531, %dma_wait3A_536] : memref<2x384xi32, #tpu.memory_space<vmem>> -> memref<1x128xi32, #tpu.memory_space<vmem>>
        %dma_wait3A_538 = tpu.memref_squeeze %dma_wait3A_537 : memref<1x128xi32, #tpu.memory_space<vmem>> -> memref<128xi32, #tpu.memory_space<vmem>>
        %dma_wait3A_539 = arith.constant 0 : i32
        %dma_wait3A_540 = arith.constant 0 : i32
        %dma_wait3A_541 = tpu.memref_slice %arg10[%dma_wait3A_539, %dma_wait3A_540] : memref<50048x32xf32, #tpu.memory_space<vmem_shared>> -> memref<50048x32xf32, #tpu.memory_space<vmem_shared>>
        tpu.wait_indirect_dma semaphore(%arg17 : memref<!tpu.dma_semaphore, #tpu.memory_space<semaphore_mem>>) src(%dma_wait3A_535 : memref<128x32xf32, #tpu.memory_space<vmem>>) dst(%dma_wait3A_541 : memref<50048x32xf32, #tpu.memory_space<vmem_shared>>)
        %dma_wait3A_542 = arith.constant 1 : i32
        %dma_wait3A_543 = arith.constant 1 : i32
        %dma_wait3A_544 = arith.constant 1 : i32
        %dma_wait3A_545 = arith.constant 0 : i32
        %dma_wait3A_546 = arith.constant 0 : i32
        %dma_wait3A_547 = tpu.memref_slice %arg13[%dma_wait3A_542, %dma_wait3A_543, %dma_wait3A_545, %dma_wait3A_546] : memref<2x3x128x32xf32, #tpu.memory_space<vmem>> -> memref<1x1x128x32xf32, #tpu.memory_space<vmem>>
        %dma_wait3A_548 = tpu.memref_squeeze %dma_wait3A_547 : memref<1x1x128x32xf32, #tpu.memory_space<vmem>> -> memref<128x32xf32, #tpu.memory_space<vmem>>
        %dma_wait3A_549 = arith.constant 128 : i32
        %dma_wait3A_550 = tpu.memref_slice %arg12[%dma_wait3A_544, %dma_wait3A_549] : memref<2x384xi32, #tpu.memory_space<vmem>> -> memref<1x128xi32, #tpu.memory_space<vmem>>
        %dma_wait3A_551 = tpu.memref_squeeze %dma_wait3A_550 : memref<1x128xi32, #tpu.memory_space<vmem>> -> memref<128xi32, #tpu.memory_space<vmem>>
        %dma_wait3A_552 = arith.constant 0 : i32
        %dma_wait3A_553 = arith.constant 0 : i32
        %dma_wait3A_554 = tpu.memref_slice %arg10[%dma_wait3A_552, %dma_wait3A_553] : memref<50048x32xf32, #tpu.memory_space<vmem_shared>> -> memref<50048x32xf32, #tpu.memory_space<vmem_shared>>
        tpu.wait_indirect_dma semaphore(%arg17 : memref<!tpu.dma_semaphore, #tpu.memory_space<semaphore_mem>>) src(%dma_wait3A_548 : memref<128x32xf32, #tpu.memory_space<vmem>>) dst(%dma_wait3A_554 : memref<50048x32xf32, #tpu.memory_space<vmem_shared>>)
        %dma_wait3A_555 = arith.constant 1 : i32
        %dma_wait3A_556 = arith.constant 2 : i32
        %dma_wait3A_557 = arith.constant 1 : i32
        %dma_wait3A_558 = arith.constant 0 : i32
        %dma_wait3A_559 = arith.constant 0 : i32
        %dma_wait3A_560 = tpu.memref_slice %arg13[%dma_wait3A_555, %dma_wait3A_556, %dma_wait3A_558, %dma_wait3A_559] : memref<2x3x128x32xf32, #tpu.memory_space<vmem>> -> memref<1x1x128x32xf32, #tpu.memory_space<vmem>>
        %dma_wait3A_561 = tpu.memref_squeeze %dma_wait3A_560 : memref<1x1x128x32xf32, #tpu.memory_space<vmem>> -> memref<128x32xf32, #tpu.memory_space<vmem>>
        %dma_wait3A_562 = arith.constant 256 : i32
        %dma_wait3A_563 = tpu.memref_slice %arg12[%dma_wait3A_557, %dma_wait3A_562] : memref<2x384xi32, #tpu.memory_space<vmem>> -> memref<1x128xi32, #tpu.memory_space<vmem>>
        %dma_wait3A_564 = tpu.memref_squeeze %dma_wait3A_563 : memref<1x128xi32, #tpu.memory_space<vmem>> -> memref<128xi32, #tpu.memory_space<vmem>>
        %dma_wait3A_565 = arith.constant 0 : i32
        %dma_wait3A_566 = arith.constant 0 : i32
        %dma_wait3A_567 = tpu.memref_slice %arg10[%dma_wait3A_565, %dma_wait3A_566] : memref<50048x32xf32, #tpu.memory_space<vmem_shared>> -> memref<50048x32xf32, #tpu.memory_space<vmem_shared>>
        tpu.wait_indirect_dma semaphore(%arg17 : memref<!tpu.dma_semaphore, #tpu.memory_space<semaphore_mem>>) src(%dma_wait3A_561 : memref<128x32xf32, #tpu.memory_space<vmem>>) dst(%dma_wait3A_567 : memref<50048x32xf32, #tpu.memory_space<vmem_shared>>)
        %add3A_568 = arith.constant 1 : i32
        %add3A_569 = arith.addi %mul3A_364, %add3A_568 : i32
        %mul3A_570 = arith.constant 132 : i32
        %mul3A_571 = arith.muli %arg1, %mul3A_570 : i32
        %add3A_572 = arith.addi %mul3A_571, %add3A_569 : i32
        %run_scoped3A_573 = arith.constant 1 : i32
        "tpu.region"() ({
          %run_scoped3A_695 = tpu.sem_alloc : memref<!tpu.dma_semaphore, #tpu.memory_space<semaphore_mem>>
          %dma_start3A_696 = arith.constant 0 : i32
          %dma_start3A_697 = tpu.memref_slice %arg11[%run_scoped3A_573, %dma_start3A_696] : memref<2x384xi32, #tpu.memory_space<vmem>> -> memref<1x384xi32, #tpu.memory_space<vmem>>
          %dma_start3A_698 = tpu.memref_squeeze %dma_start3A_697 : memref<1x384xi32, #tpu.memory_space<vmem>> -> memref<384xi32, #tpu.memory_space<vmem>>
          %dma_start3A_699 = arith.constant 0 : i32
          %dma_start3A_700 = tpu.memref_slice %arg6[%add3A_572, %dma_start3A_699] : memref<2112x384xi32, #tpu.memory_space<hbm>> -> memref<1x384xi32, #tpu.memory_space<hbm>>
          %dma_start3A_701 = tpu.memref_squeeze %dma_start3A_700 : memref<1x384xi32, #tpu.memory_space<hbm>> -> memref<384xi32, #tpu.memory_space<hbm>>
          %dma_start3A_702 = arith.constant 0 : i32
          %dma_start3A_703 = tpu.memref_slice %arg11[%run_scoped3A_573, %dma_start3A_702] : memref<2x384xi32, #tpu.memory_space<vmem>> -> memref<1x384xi32, #tpu.memory_space<vmem>>
          %dma_start3A_704 = tpu.memref_squeeze %dma_start3A_703 : memref<1x384xi32, #tpu.memory_space<vmem>> -> memref<384xi32, #tpu.memory_space<vmem>>
          %dma_start3A_705 = arith.constant 0 : i32
          %dma_start3A_706 = tpu.memref_slice %arg6[%add3A_572, %dma_start3A_705] : memref<2112x384xi32, #tpu.memory_space<hbm>> -> memref<1x384xi32, #tpu.memory_space<hbm>>
          %dma_start3A_707 = tpu.memref_squeeze %dma_start3A_706 : memref<1x384xi32, #tpu.memory_space<hbm>> -> memref<384xi32, #tpu.memory_space<hbm>>
          tpu.enqueue_dma source(%dma_start3A_707 : memref<384xi32, #tpu.memory_space<hbm>>) target(%dma_start3A_704 : memref<384xi32, #tpu.memory_space<vmem>>) target_semaphore(%run_scoped3A_695 : memref<!tpu.dma_semaphore, #tpu.memory_space<semaphore_mem>>)
          %dma_wait3A_708 = arith.constant 0 : i32
          %dma_wait3A_709 = tpu.memref_slice %arg11[%run_scoped3A_573, %dma_wait3A_708] : memref<2x384xi32, #tpu.memory_space<vmem>> -> memref<1x384xi32, #tpu.memory_space<vmem>>
          %dma_wait3A_710 = tpu.memref_squeeze %dma_wait3A_709 : memref<1x384xi32, #tpu.memory_space<vmem>> -> memref<384xi32, #tpu.memory_space<vmem>>
          %dma_wait3A_711 = arith.constant 0 : i32
          %dma_wait3A_712 = tpu.memref_slice %arg6[%add3A_572, %dma_wait3A_711] : memref<2112x384xi32, #tpu.memory_space<hbm>> -> memref<1x384xi32, #tpu.memory_space<hbm>>
          %dma_wait3A_713 = tpu.memref_squeeze %dma_wait3A_712 : memref<1x384xi32, #tpu.memory_space<hbm>> -> memref<384xi32, #tpu.memory_space<hbm>>
          %dma_wait3A_714 = arith.constant 0 : i32
          %dma_wait3A_715 = tpu.memref_slice %arg11[%run_scoped3A_573, %dma_wait3A_714] : memref<2x384xi32, #tpu.memory_space<vmem>> -> memref<1x384xi32, #tpu.memory_space<vmem>>
          %dma_wait3A_716 = tpu.memref_squeeze %dma_wait3A_715 : memref<1x384xi32, #tpu.memory_space<vmem>> -> memref<384xi32, #tpu.memory_space<vmem>>
          %dma_wait3A_717 = arith.constant 0 : i32
          %dma_wait3A_718 = tpu.memref_slice %arg6[%add3A_572, %dma_wait3A_717] : memref<2112x384xi32, #tpu.memory_space<hbm>> -> memref<1x384xi32, #tpu.memory_space<hbm>>
          %dma_wait3A_719 = tpu.memref_squeeze %dma_wait3A_718 : memref<1x384xi32, #tpu.memory_space<hbm>> -> memref<384xi32, #tpu.memory_space<hbm>>
          tpu.wait_dma2 semaphore(%run_scoped3A_695 : memref<!tpu.dma_semaphore, #tpu.memory_space<semaphore_mem>>) src(%dma_wait3A_719 : memref<384xi32, #tpu.memory_space<hbm>>) dst(%dma_wait3A_716 : memref<384xi32, #tpu.memory_space<vmem>>)
          tpu.yield
        }) : () -> ()
        %mul3A_574 = arith.constant 132 : i32
        %mul3A_575 = arith.muli %arg1, %mul3A_574 : i32
        %add3A_576 = arith.addi %mul3A_575, %add3A_569 : i32
        %run_scoped3A_577 = arith.constant 1 : i32
        "tpu.region"() ({
          %run_scoped3A_695 = tpu.sem_alloc : memref<!tpu.dma_semaphore, #tpu.memory_space<semaphore_mem>>
          %dma_start3A_696 = arith.constant 0 : i32
          %dma_start3A_697 = tpu.memref_slice %arg12[%run_scoped3A_577, %dma_start3A_696] : memref<2x384xi32, #tpu.memory_space<vmem>> -> memref<1x384xi32, #tpu.memory_space<vmem>>
          %dma_start3A_698 = tpu.memref_squeeze %dma_start3A_697 : memref<1x384xi32, #tpu.memory_space<vmem>> -> memref<384xi32, #tpu.memory_space<vmem>>
          %dma_start3A_699 = arith.constant 0 : i32
          %dma_start3A_700 = tpu.memref_slice %arg7[%add3A_576, %dma_start3A_699] : memref<2112x384xi32, #tpu.memory_space<hbm>> -> memref<1x384xi32, #tpu.memory_space<hbm>>
          %dma_start3A_701 = tpu.memref_squeeze %dma_start3A_700 : memref<1x384xi32, #tpu.memory_space<hbm>> -> memref<384xi32, #tpu.memory_space<hbm>>
          %dma_start3A_702 = arith.constant 0 : i32
          %dma_start3A_703 = tpu.memref_slice %arg12[%run_scoped3A_577, %dma_start3A_702] : memref<2x384xi32, #tpu.memory_space<vmem>> -> memref<1x384xi32, #tpu.memory_space<vmem>>
          %dma_start3A_704 = tpu.memref_squeeze %dma_start3A_703 : memref<1x384xi32, #tpu.memory_space<vmem>> -> memref<384xi32, #tpu.memory_space<vmem>>
          %dma_start3A_705 = arith.constant 0 : i32
          %dma_start3A_706 = tpu.memref_slice %arg7[%add3A_576, %dma_start3A_705] : memref<2112x384xi32, #tpu.memory_space<hbm>> -> memref<1x384xi32, #tpu.memory_space<hbm>>
          %dma_start3A_707 = tpu.memref_squeeze %dma_start3A_706 : memref<1x384xi32, #tpu.memory_space<hbm>> -> memref<384xi32, #tpu.memory_space<hbm>>
          tpu.enqueue_dma source(%dma_start3A_707 : memref<384xi32, #tpu.memory_space<hbm>>) target(%dma_start3A_704 : memref<384xi32, #tpu.memory_space<vmem>>) target_semaphore(%run_scoped3A_695 : memref<!tpu.dma_semaphore, #tpu.memory_space<semaphore_mem>>)
          %dma_wait3A_708 = arith.constant 0 : i32
          %dma_wait3A_709 = tpu.memref_slice %arg12[%run_scoped3A_577, %dma_wait3A_708] : memref<2x384xi32, #tpu.memory_space<vmem>> -> memref<1x384xi32, #tpu.memory_space<vmem>>
          %dma_wait3A_710 = tpu.memref_squeeze %dma_wait3A_709 : memref<1x384xi32, #tpu.memory_space<vmem>> -> memref<384xi32, #tpu.memory_space<vmem>>
          %dma_wait3A_711 = arith.constant 0 : i32
          %dma_wait3A_712 = tpu.memref_slice %arg7[%add3A_576, %dma_wait3A_711] : memref<2112x384xi32, #tpu.memory_space<hbm>> -> memref<1x384xi32, #tpu.memory_space<hbm>>
          %dma_wait3A_713 = tpu.memref_squeeze %dma_wait3A_712 : memref<1x384xi32, #tpu.memory_space<hbm>> -> memref<384xi32, #tpu.memory_space<hbm>>
          %dma_wait3A_714 = arith.constant 0 : i32
          %dma_wait3A_715 = tpu.memref_slice %arg12[%run_scoped3A_577, %dma_wait3A_714] : memref<2x384xi32, #tpu.memory_space<vmem>> -> memref<1x384xi32, #tpu.memory_space<vmem>>
          %dma_wait3A_716 = tpu.memref_squeeze %dma_wait3A_715 : memref<1x384xi32, #tpu.memory_space<vmem>> -> memref<384xi32, #tpu.memory_space<vmem>>
          %dma_wait3A_717 = arith.constant 0 : i32
          %dma_wait3A_718 = tpu.memref_slice %arg7[%add3A_576, %dma_wait3A_717] : memref<2112x384xi32, #tpu.memory_space<hbm>> -> memref<1x384xi32, #tpu.memory_space<hbm>>
          %dma_wait3A_719 = tpu.memref_squeeze %dma_wait3A_718 : memref<1x384xi32, #tpu.memory_space<hbm>> -> memref<384xi32, #tpu.memory_space<hbm>>
          tpu.wait_dma2 semaphore(%run_scoped3A_695 : memref<!tpu.dma_semaphore, #tpu.memory_space<semaphore_mem>>) src(%dma_wait3A_719 : memref<384xi32, #tpu.memory_space<hbm>>) dst(%dma_wait3A_716 : memref<384xi32, #tpu.memory_space<vmem>>)
          tpu.yield
        }) : () -> ()
        %dma_start3A_578 = arith.constant 1 : i32
        %dma_start3A_579 = arith.constant 1 : i32
        %dma_start3A_580 = arith.constant 0 : i32
        %dma_start3A_581 = arith.constant 0 : i32
        %dma_start3A_582 = arith.constant 0 : i32
        %dma_start3A_583 = tpu.memref_slice %arg13[%dma_start3A_579, %dma_start3A_580, %dma_start3A_581, %dma_start3A_582] : memref<2x3x128x32xf32, #tpu.memory_space<vmem>> -> memref<1x1x128x32xf32, #tpu.memory_space<vmem>>
        %dma_start3A_584 = tpu.memref_squeeze %dma_start3A_583 : memref<1x1x128x32xf32, #tpu.memory_space<vmem>> -> memref<128x32xf32, #tpu.memory_space<vmem>>
        %dma_start3A_585 = arith.constant 0 : i32
        %dma_start3A_586 = tpu.memref_slice %arg11[%dma_start3A_578, %dma_start3A_585] : memref<2x384xi32, #tpu.memory_space<vmem>> -> memref<1x128xi32, #tpu.memory_space<vmem>>
        %dma_start3A_587 = tpu.memref_squeeze %dma_start3A_586 : memref<1x128xi32, #tpu.memory_space<vmem>> -> memref<128xi32, #tpu.memory_space<vmem>>
        %dma_start3A_588 = arith.constant 0 : i32
        %dma_start3A_589 = arith.constant 0 : i32
        %dma_start3A_590 = tpu.memref_slice %arg3[%dma_start3A_588, %dma_start3A_589] : memref<50048x32xf32, #tpu.memory_space<hbm>> -> memref<50048x32xf32, #tpu.memory_space<hbm>>
        tpu.enqueue_indirect_dma source(%dma_start3A_590 : memref<50048x32xf32, #tpu.memory_space<hbm>>) target(%dma_start3A_584 : memref<128x32xf32, #tpu.memory_space<vmem>>) offsets(%dma_start3A_587 : memref<128xi32, #tpu.memory_space<vmem>>) semaphore(%arg15 : memref<!tpu.dma_semaphore, #tpu.memory_space<semaphore_mem>>)
        %dma_start3A_591 = arith.constant 1 : i32
        %dma_start3A_592 = arith.constant 1 : i32
        %dma_start3A_593 = arith.constant 1 : i32
        %dma_start3A_594 = arith.constant 0 : i32
        %dma_start3A_595 = arith.constant 0 : i32
        %dma_start3A_596 = tpu.memref_slice %arg13[%dma_start3A_592, %dma_start3A_593, %dma_start3A_594, %dma_start3A_595] : memref<2x3x128x32xf32, #tpu.memory_space<vmem>> -> memref<1x1x128x32xf32, #tpu.memory_space<vmem>>
        %dma_start3A_597 = tpu.memref_squeeze %dma_start3A_596 : memref<1x1x128x32xf32, #tpu.memory_space<vmem>> -> memref<128x32xf32, #tpu.memory_space<vmem>>
        %dma_start3A_598 = arith.constant 128 : i32
        %dma_start3A_599 = tpu.memref_slice %arg11[%dma_start3A_591, %dma_start3A_598] : memref<2x384xi32, #tpu.memory_space<vmem>> -> memref<1x128xi32, #tpu.memory_space<vmem>>
        %dma_start3A_600 = tpu.memref_squeeze %dma_start3A_599 : memref<1x128xi32, #tpu.memory_space<vmem>> -> memref<128xi32, #tpu.memory_space<vmem>>
        %dma_start3A_601 = arith.constant 0 : i32
        %dma_start3A_602 = arith.constant 0 : i32
        %dma_start3A_603 = tpu.memref_slice %arg3[%dma_start3A_601, %dma_start3A_602] : memref<50048x32xf32, #tpu.memory_space<hbm>> -> memref<50048x32xf32, #tpu.memory_space<hbm>>
        tpu.enqueue_indirect_dma source(%dma_start3A_603 : memref<50048x32xf32, #tpu.memory_space<hbm>>) target(%dma_start3A_597 : memref<128x32xf32, #tpu.memory_space<vmem>>) offsets(%dma_start3A_600 : memref<128xi32, #tpu.memory_space<vmem>>) semaphore(%arg15 : memref<!tpu.dma_semaphore, #tpu.memory_space<semaphore_mem>>)
        %dma_start3A_604 = arith.constant 1 : i32
        %dma_start3A_605 = arith.constant 1 : i32
        %dma_start3A_606 = arith.constant 2 : i32
        %dma_start3A_607 = arith.constant 0 : i32
        %dma_start3A_608 = arith.constant 0 : i32
        %dma_start3A_609 = tpu.memref_slice %arg13[%dma_start3A_605, %dma_start3A_606, %dma_start3A_607, %dma_start3A_608] : memref<2x3x128x32xf32, #tpu.memory_space<vmem>> -> memref<1x1x128x32xf32, #tpu.memory_space<vmem>>
        %dma_start3A_610 = tpu.memref_squeeze %dma_start3A_609 : memref<1x1x128x32xf32, #tpu.memory_space<vmem>> -> memref<128x32xf32, #tpu.memory_space<vmem>>
        %dma_start3A_611 = arith.constant 256 : i32
        %dma_start3A_612 = tpu.memref_slice %arg11[%dma_start3A_604, %dma_start3A_611] : memref<2x384xi32, #tpu.memory_space<vmem>> -> memref<1x128xi32, #tpu.memory_space<vmem>>
        %dma_start3A_613 = tpu.memref_squeeze %dma_start3A_612 : memref<1x128xi32, #tpu.memory_space<vmem>> -> memref<128xi32, #tpu.memory_space<vmem>>
        %dma_start3A_614 = arith.constant 0 : i32
        %dma_start3A_615 = arith.constant 0 : i32
        %dma_start3A_616 = tpu.memref_slice %arg3[%dma_start3A_614, %dma_start3A_615] : memref<50048x32xf32, #tpu.memory_space<hbm>> -> memref<50048x32xf32, #tpu.memory_space<hbm>>
        tpu.enqueue_indirect_dma source(%dma_start3A_616 : memref<50048x32xf32, #tpu.memory_space<hbm>>) target(%dma_start3A_610 : memref<128x32xf32, #tpu.memory_space<vmem>>) offsets(%dma_start3A_613 : memref<128xi32, #tpu.memory_space<vmem>>) semaphore(%arg15 : memref<!tpu.dma_semaphore, #tpu.memory_space<semaphore_mem>>)
        %dma_wait3A_617 = arith.constant 0 : i32
        %dma_wait3A_618 = arith.constant 0 : i32
        %dma_wait3A_619 = arith.constant 0 : i32
        %dma_wait3A_620 = arith.constant 0 : i32
        %dma_wait3A_621 = arith.constant 0 : i32
        %dma_wait3A_622 = tpu.memref_slice %arg13[%dma_wait3A_618, %dma_wait3A_619, %dma_wait3A_620, %dma_wait3A_621] : memref<2x3x128x32xf32, #tpu.memory_space<vmem>> -> memref<1x1x128x32xf32, #tpu.memory_space<vmem>>
        %dma_wait3A_623 = tpu.memref_squeeze %dma_wait3A_622 : memref<1x1x128x32xf32, #tpu.memory_space<vmem>> -> memref<128x32xf32, #tpu.memory_space<vmem>>
        %dma_wait3A_624 = arith.constant 0 : i32
        %dma_wait3A_625 = tpu.memref_slice %arg11[%dma_wait3A_617, %dma_wait3A_624] : memref<2x384xi32, #tpu.memory_space<vmem>> -> memref<1x128xi32, #tpu.memory_space<vmem>>
        %dma_wait3A_626 = tpu.memref_squeeze %dma_wait3A_625 : memref<1x128xi32, #tpu.memory_space<vmem>> -> memref<128xi32, #tpu.memory_space<vmem>>
        %dma_wait3A_627 = arith.constant 0 : i32
        %dma_wait3A_628 = arith.constant 0 : i32
        %dma_wait3A_629 = tpu.memref_slice %arg3[%dma_wait3A_627, %dma_wait3A_628] : memref<50048x32xf32, #tpu.memory_space<hbm>> -> memref<50048x32xf32, #tpu.memory_space<hbm>>
        tpu.wait_indirect_dma semaphore(%arg14 : memref<!tpu.dma_semaphore, #tpu.memory_space<semaphore_mem>>) src(%dma_wait3A_629 : memref<50048x32xf32, #tpu.memory_space<hbm>>) dst(%dma_wait3A_623 : memref<128x32xf32, #tpu.memory_space<vmem>>)
        %dma_wait3A_630 = arith.constant 0 : i32
        %dma_wait3A_631 = arith.constant 0 : i32
        %dma_wait3A_632 = arith.constant 1 : i32
        %dma_wait3A_633 = arith.constant 0 : i32
        %dma_wait3A_634 = arith.constant 0 : i32
        %dma_wait3A_635 = tpu.memref_slice %arg13[%dma_wait3A_631, %dma_wait3A_632, %dma_wait3A_633, %dma_wait3A_634] : memref<2x3x128x32xf32, #tpu.memory_space<vmem>> -> memref<1x1x128x32xf32, #tpu.memory_space<vmem>>
        %dma_wait3A_636 = tpu.memref_squeeze %dma_wait3A_635 : memref<1x1x128x32xf32, #tpu.memory_space<vmem>> -> memref<128x32xf32, #tpu.memory_space<vmem>>
        %dma_wait3A_637 = arith.constant 128 : i32
        %dma_wait3A_638 = tpu.memref_slice %arg11[%dma_wait3A_630, %dma_wait3A_637] : memref<2x384xi32, #tpu.memory_space<vmem>> -> memref<1x128xi32, #tpu.memory_space<vmem>>
        %dma_wait3A_639 = tpu.memref_squeeze %dma_wait3A_638 : memref<1x128xi32, #tpu.memory_space<vmem>> -> memref<128xi32, #tpu.memory_space<vmem>>
        %dma_wait3A_640 = arith.constant 0 : i32
        %dma_wait3A_641 = arith.constant 0 : i32
        %dma_wait3A_642 = tpu.memref_slice %arg3[%dma_wait3A_640, %dma_wait3A_641] : memref<50048x32xf32, #tpu.memory_space<hbm>> -> memref<50048x32xf32, #tpu.memory_space<hbm>>
        tpu.wait_indirect_dma semaphore(%arg14 : memref<!tpu.dma_semaphore, #tpu.memory_space<semaphore_mem>>) src(%dma_wait3A_642 : memref<50048x32xf32, #tpu.memory_space<hbm>>) dst(%dma_wait3A_636 : memref<128x32xf32, #tpu.memory_space<vmem>>)
        %dma_wait3A_643 = arith.constant 0 : i32
        %dma_wait3A_644 = arith.constant 0 : i32
        %dma_wait3A_645 = arith.constant 2 : i32
        %dma_wait3A_646 = arith.constant 0 : i32
        %dma_wait3A_647 = arith.constant 0 : i32
        %dma_wait3A_648 = tpu.memref_slice %arg13[%dma_wait3A_644, %dma_wait3A_645, %dma_wait3A_646, %dma_wait3A_647] : memref<2x3x128x32xf32, #tpu.memory_space<vmem>> -> memref<1x1x128x32xf32, #tpu.memory_space<vmem>>
        %dma_wait3A_649 = tpu.memref_squeeze %dma_wait3A_648 : memref<1x1x128x32xf32, #tpu.memory_space<vmem>> -> memref<128x32xf32, #tpu.memory_space<vmem>>
        %dma_wait3A_650 = arith.constant 256 : i32
        %dma_wait3A_651 = tpu.memref_slice %arg11[%dma_wait3A_643, %dma_wait3A_650] : memref<2x384xi32, #tpu.memory_space<vmem>> -> memref<1x128xi32, #tpu.memory_space<vmem>>
        %dma_wait3A_652 = tpu.memref_squeeze %dma_wait3A_651 : memref<1x128xi32, #tpu.memory_space<vmem>> -> memref<128xi32, #tpu.memory_space<vmem>>
        %dma_wait3A_653 = arith.constant 0 : i32
        %dma_wait3A_654 = arith.constant 0 : i32
        %dma_wait3A_655 = tpu.memref_slice %arg3[%dma_wait3A_653, %dma_wait3A_654] : memref<50048x32xf32, #tpu.memory_space<hbm>> -> memref<50048x32xf32, #tpu.memory_space<hbm>>
        tpu.wait_indirect_dma semaphore(%arg14 : memref<!tpu.dma_semaphore, #tpu.memory_space<semaphore_mem>>) src(%dma_wait3A_655 : memref<50048x32xf32, #tpu.memory_space<hbm>>) dst(%dma_wait3A_649 : memref<128x32xf32, #tpu.memory_space<vmem>>)
        %dma_start3A_656 = arith.constant 0 : i32
        %dma_start3A_657 = arith.constant 0 : i32
        %dma_start3A_658 = arith.constant 0 : i32
        %dma_start3A_659 = arith.constant 0 : i32
        %dma_start3A_660 = arith.constant 0 : i32
        %dma_start3A_661 = tpu.memref_slice %arg13[%dma_start3A_656, %dma_start3A_657, %dma_start3A_659, %dma_start3A_660] : memref<2x3x128x32xf32, #tpu.memory_space<vmem>> -> memref<1x1x128x32xf32, #tpu.memory_space<vmem>>
        %dma_start3A_662 = tpu.memref_squeeze %dma_start3A_661 : memref<1x1x128x32xf32, #tpu.memory_space<vmem>> -> memref<128x32xf32, #tpu.memory_space<vmem>>
        %dma_start3A_663 = arith.constant 0 : i32
        %dma_start3A_664 = tpu.memref_slice %arg12[%dma_start3A_658, %dma_start3A_663] : memref<2x384xi32, #tpu.memory_space<vmem>> -> memref<1x128xi32, #tpu.memory_space<vmem>>
        %dma_start3A_665 = tpu.memref_squeeze %dma_start3A_664 : memref<1x128xi32, #tpu.memory_space<vmem>> -> memref<128xi32, #tpu.memory_space<vmem>>
        %dma_start3A_666 = arith.constant 0 : i32
        %dma_start3A_667 = arith.constant 0 : i32
        %dma_start3A_668 = tpu.memref_slice %arg10[%dma_start3A_666, %dma_start3A_667] : memref<50048x32xf32, #tpu.memory_space<vmem_shared>> -> memref<50048x32xf32, #tpu.memory_space<vmem_shared>>
        tpu.enqueue_indirect_dma source(%dma_start3A_662 : memref<128x32xf32, #tpu.memory_space<vmem>>) target(%dma_start3A_668 : memref<50048x32xf32, #tpu.memory_space<vmem_shared>>) offsets(%dma_start3A_665 : memref<128xi32, #tpu.memory_space<vmem>>) semaphore(%arg16 : memref<!tpu.dma_semaphore, #tpu.memory_space<semaphore_mem>>) {add = true}
        %dma_start3A_669 = arith.constant 0 : i32
        %dma_start3A_670 = arith.constant 1 : i32
        %dma_start3A_671 = arith.constant 0 : i32
        %dma_start3A_672 = arith.constant 0 : i32
        %dma_start3A_673 = arith.constant 0 : i32
        %dma_start3A_674 = tpu.memref_slice %arg13[%dma_start3A_669, %dma_start3A_670, %dma_start3A_672, %dma_start3A_673] : memref<2x3x128x32xf32, #tpu.memory_space<vmem>> -> memref<1x1x128x32xf32, #tpu.memory_space<vmem>>
        %dma_start3A_675 = tpu.memref_squeeze %dma_start3A_674 : memref<1x1x128x32xf32, #tpu.memory_space<vmem>> -> memref<128x32xf32, #tpu.memory_space<vmem>>
        %dma_start3A_676 = arith.constant 128 : i32
        %dma_start3A_677 = tpu.memref_slice %arg12[%dma_start3A_671, %dma_start3A_676] : memref<2x384xi32, #tpu.memory_space<vmem>> -> memref<1x128xi32, #tpu.memory_space<vmem>>
        %dma_start3A_678 = tpu.memref_squeeze %dma_start3A_677 : memref<1x128xi32, #tpu.memory_space<vmem>> -> memref<128xi32, #tpu.memory_space<vmem>>
        %dma_start3A_679 = arith.constant 0 : i32
        %dma_start3A_680 = arith.constant 0 : i32
        %dma_start3A_681 = tpu.memref_slice %arg10[%dma_start3A_679, %dma_start3A_680] : memref<50048x32xf32, #tpu.memory_space<vmem_shared>> -> memref<50048x32xf32, #tpu.memory_space<vmem_shared>>
        tpu.enqueue_indirect_dma source(%dma_start3A_675 : memref<128x32xf32, #tpu.memory_space<vmem>>) target(%dma_start3A_681 : memref<50048x32xf32, #tpu.memory_space<vmem_shared>>) offsets(%dma_start3A_678 : memref<128xi32, #tpu.memory_space<vmem>>) semaphore(%arg16 : memref<!tpu.dma_semaphore, #tpu.memory_space<semaphore_mem>>) {add = true}
        %dma_start3A_682 = arith.constant 0 : i32
        %dma_start3A_683 = arith.constant 2 : i32
        %dma_start3A_684 = arith.constant 0 : i32
        %dma_start3A_685 = arith.constant 0 : i32
        %dma_start3A_686 = arith.constant 0 : i32
        %dma_start3A_687 = tpu.memref_slice %arg13[%dma_start3A_682, %dma_start3A_683, %dma_start3A_685, %dma_start3A_686] : memref<2x3x128x32xf32, #tpu.memory_space<vmem>> -> memref<1x1x128x32xf32, #tpu.memory_space<vmem>>
        %dma_start3A_688 = tpu.memref_squeeze %dma_start3A_687 : memref<1x1x128x32xf32, #tpu.memory_space<vmem>> -> memref<128x32xf32, #tpu.memory_space<vmem>>
        %dma_start3A_689 = arith.constant 256 : i32
        %dma_start3A_690 = tpu.memref_slice %arg12[%dma_start3A_684, %dma_start3A_689] : memref<2x384xi32, #tpu.memory_space<vmem>> -> memref<1x128xi32, #tpu.memory_space<vmem>>
        %dma_start3A_691 = tpu.memref_squeeze %dma_start3A_690 : memref<1x128xi32, #tpu.memory_space<vmem>> -> memref<128xi32, #tpu.memory_space<vmem>>
        %dma_start3A_692 = arith.constant 0 : i32
        %dma_start3A_693 = arith.constant 0 : i32
        %dma_start3A_694 = tpu.memref_slice %arg10[%dma_start3A_692, %dma_start3A_693] : memref<50048x32xf32, #tpu.memory_space<vmem_shared>> -> memref<50048x32xf32, #tpu.memory_space<vmem_shared>>
        tpu.enqueue_indirect_dma source(%dma_start3A_688 : memref<128x32xf32, #tpu.memory_space<vmem>>) target(%dma_start3A_694 : memref<50048x32xf32, #tpu.memory_space<vmem_shared>>) offsets(%dma_start3A_691 : memref<128xi32, #tpu.memory_space<vmem>>) semaphore(%arg16 : memref<!tpu.dma_semaphore, #tpu.memory_space<semaphore_mem>>) {add = true}
      }
      %scan3A_205 = arith.constant 65 : i32
      %dma_wait3A_206 = arith.constant 1 : i32
      %dma_wait3A_207 = arith.constant 1 : i32
      %dma_wait3A_208 = arith.constant 0 : i32
      %dma_wait3A_209 = arith.constant 0 : i32
      %dma_wait3A_210 = arith.constant 0 : i32
      %dma_wait3A_211 = tpu.memref_slice %arg13[%dma_wait3A_207, %dma_wait3A_208, %dma_wait3A_209, %dma_wait3A_210] : memref<2x3x128x32xf32, #tpu.memory_space<vmem>> -> memref<1x1x128x32xf32, #tpu.memory_space<vmem>>
      %dma_wait3A_212 = tpu.memref_squeeze %dma_wait3A_211 : memref<1x1x128x32xf32, #tpu.memory_space<vmem>> -> memref<128x32xf32, #tpu.memory_space<vmem>>
      %dma_wait3A_213 = arith.constant 0 : i32
      %dma_wait3A_214 = tpu.memref_slice %arg11[%dma_wait3A_206, %dma_wait3A_213] : memref<2x384xi32, #tpu.memory_space<vmem>> -> memref<1x128xi32, #tpu.memory_space<vmem>>
      %dma_wait3A_215 = tpu.memref_squeeze %dma_wait3A_214 : memref<1x128xi32, #tpu.memory_space<vmem>> -> memref<128xi32, #tpu.memory_space<vmem>>
      %dma_wait3A_216 = arith.constant 0 : i32
      %dma_wait3A_217 = arith.constant 0 : i32
      %dma_wait3A_218 = tpu.memref_slice %arg3[%dma_wait3A_216, %dma_wait3A_217] : memref<50048x32xf32, #tpu.memory_space<hbm>> -> memref<50048x32xf32, #tpu.memory_space<hbm>>
      tpu.wait_indirect_dma semaphore(%arg15 : memref<!tpu.dma_semaphore, #tpu.memory_space<semaphore_mem>>) src(%dma_wait3A_218 : memref<50048x32xf32, #tpu.memory_space<hbm>>) dst(%dma_wait3A_212 : memref<128x32xf32, #tpu.memory_space<vmem>>)
      %dma_wait3A_219 = arith.constant 1 : i32
      %dma_wait3A_220 = arith.constant 1 : i32
      %dma_wait3A_221 = arith.constant 1 : i32
      %dma_wait3A_222 = arith.constant 0 : i32
      %dma_wait3A_223 = arith.constant 0 : i32
      %dma_wait3A_224 = tpu.memref_slice %arg13[%dma_wait3A_220, %dma_wait3A_221, %dma_wait3A_222, %dma_wait3A_223] : memref<2x3x128x32xf32, #tpu.memory_space<vmem>> -> memref<1x1x128x32xf32, #tpu.memory_space<vmem>>
      %dma_wait3A_225 = tpu.memref_squeeze %dma_wait3A_224 : memref<1x1x128x32xf32, #tpu.memory_space<vmem>> -> memref<128x32xf32, #tpu.memory_space<vmem>>
      %dma_wait3A_226 = arith.constant 128 : i32
      %dma_wait3A_227 = tpu.memref_slice %arg11[%dma_wait3A_219, %dma_wait3A_226] : memref<2x384xi32, #tpu.memory_space<vmem>> -> memref<1x128xi32, #tpu.memory_space<vmem>>
      %dma_wait3A_228 = tpu.memref_squeeze %dma_wait3A_227 : memref<1x128xi32, #tpu.memory_space<vmem>> -> memref<128xi32, #tpu.memory_space<vmem>>
      %dma_wait3A_229 = arith.constant 0 : i32
      %dma_wait3A_230 = arith.constant 0 : i32
      %dma_wait3A_231 = tpu.memref_slice %arg3[%dma_wait3A_229, %dma_wait3A_230] : memref<50048x32xf32, #tpu.memory_space<hbm>> -> memref<50048x32xf32, #tpu.memory_space<hbm>>
      tpu.wait_indirect_dma semaphore(%arg15 : memref<!tpu.dma_semaphore, #tpu.memory_space<semaphore_mem>>) src(%dma_wait3A_231 : memref<50048x32xf32, #tpu.memory_space<hbm>>) dst(%dma_wait3A_225 : memref<128x32xf32, #tpu.memory_space<vmem>>)
      %dma_wait3A_232 = arith.constant 1 : i32
      %dma_wait3A_233 = arith.constant 1 : i32
      %dma_wait3A_234 = arith.constant 2 : i32
      %dma_wait3A_235 = arith.constant 0 : i32
      %dma_wait3A_236 = arith.constant 0 : i32
      %dma_wait3A_237 = tpu.memref_slice %arg13[%dma_wait3A_233, %dma_wait3A_234, %dma_wait3A_235, %dma_wait3A_236] : memref<2x3x128x32xf32, #tpu.memory_space<vmem>> -> memref<1x1x128x32xf32, #tpu.memory_space<vmem>>
      %dma_wait3A_238 = tpu.memref_squeeze %dma_wait3A_237 : memref<1x1x128x32xf32, #tpu.memory_space<vmem>> -> memref<128x32xf32, #tpu.memory_space<vmem>>
      %dma_wait3A_239 = arith.constant 256 : i32
      %dma_wait3A_240 = tpu.memref_slice %arg11[%dma_wait3A_232, %dma_wait3A_239] : memref<2x384xi32, #tpu.memory_space<vmem>> -> memref<1x128xi32, #tpu.memory_space<vmem>>
      %dma_wait3A_241 = tpu.memref_squeeze %dma_wait3A_240 : memref<1x128xi32, #tpu.memory_space<vmem>> -> memref<128xi32, #tpu.memory_space<vmem>>
      %dma_wait3A_242 = arith.constant 0 : i32
      %dma_wait3A_243 = arith.constant 0 : i32
      %dma_wait3A_244 = tpu.memref_slice %arg3[%dma_wait3A_242, %dma_wait3A_243] : memref<50048x32xf32, #tpu.memory_space<hbm>> -> memref<50048x32xf32, #tpu.memory_space<hbm>>
      tpu.wait_indirect_dma semaphore(%arg15 : memref<!tpu.dma_semaphore, #tpu.memory_space<semaphore_mem>>) src(%dma_wait3A_244 : memref<50048x32xf32, #tpu.memory_space<hbm>>) dst(%dma_wait3A_238 : memref<128x32xf32, #tpu.memory_space<vmem>>)
      %dma_start3A_245 = arith.constant 1 : i32
      %dma_start3A_246 = arith.constant 0 : i32
      %dma_start3A_247 = arith.constant 1 : i32
      %dma_start3A_248 = arith.constant 0 : i32
      %dma_start3A_249 = arith.constant 0 : i32
      %dma_start3A_250 = tpu.memref_slice %arg13[%dma_start3A_245, %dma_start3A_246, %dma_start3A_248, %dma_start3A_249] : memref<2x3x128x32xf32, #tpu.memory_space<vmem>> -> memref<1x1x128x32xf32, #tpu.memory_space<vmem>>
      %dma_start3A_251 = tpu.memref_squeeze %dma_start3A_250 : memref<1x1x128x32xf32, #tpu.memory_space<vmem>> -> memref<128x32xf32, #tpu.memory_space<vmem>>
      %dma_start3A_252 = arith.constant 0 : i32
      %dma_start3A_253 = tpu.memref_slice %arg12[%dma_start3A_247, %dma_start3A_252] : memref<2x384xi32, #tpu.memory_space<vmem>> -> memref<1x128xi32, #tpu.memory_space<vmem>>
      %dma_start3A_254 = tpu.memref_squeeze %dma_start3A_253 : memref<1x128xi32, #tpu.memory_space<vmem>> -> memref<128xi32, #tpu.memory_space<vmem>>
      %dma_start3A_255 = arith.constant 0 : i32
      %dma_start3A_256 = arith.constant 0 : i32
      %dma_start3A_257 = tpu.memref_slice %arg10[%dma_start3A_255, %dma_start3A_256] : memref<50048x32xf32, #tpu.memory_space<vmem_shared>> -> memref<50048x32xf32, #tpu.memory_space<vmem_shared>>
      tpu.enqueue_indirect_dma source(%dma_start3A_251 : memref<128x32xf32, #tpu.memory_space<vmem>>) target(%dma_start3A_257 : memref<50048x32xf32, #tpu.memory_space<vmem_shared>>) offsets(%dma_start3A_254 : memref<128xi32, #tpu.memory_space<vmem>>) semaphore(%arg17 : memref<!tpu.dma_semaphore, #tpu.memory_space<semaphore_mem>>) {add = true}
      %dma_start3A_258 = arith.constant 1 : i32
      %dma_start3A_259 = arith.constant 1 : i32
      %dma_start3A_260 = arith.constant 1 : i32
      %dma_start3A_261 = arith.constant 0 : i32
      %dma_start3A_262 = arith.constant 0 : i32
      %dma_start3A_263 = tpu.memref_slice %arg13[%dma_start3A_258, %dma_start3A_259, %dma_start3A_261, %dma_start3A_262] : memref<2x3x128x32xf32, #tpu.memory_space<vmem>> -> memref<1x1x128x32xf32, #tpu.memory_space<vmem>>
      %dma_start3A_264 = tpu.memref_squeeze %dma_start3A_263 : memref<1x1x128x32xf32, #tpu.memory_space<vmem>> -> memref<128x32xf32, #tpu.memory_space<vmem>>
      %dma_start3A_265 = arith.constant 128 : i32
      %dma_start3A_266 = tpu.memref_slice %arg12[%dma_start3A_260, %dma_start3A_265] : memref<2x384xi32, #tpu.memory_space<vmem>> -> memref<1x128xi32, #tpu.memory_space<vmem>>
      %dma_start3A_267 = tpu.memref_squeeze %dma_start3A_266 : memref<1x128xi32, #tpu.memory_space<vmem>> -> memref<128xi32, #tpu.memory_space<vmem>>
      %dma_start3A_268 = arith.constant 0 : i32
      %dma_start3A_269 = arith.constant 0 : i32
      %dma_start3A_270 = tpu.memref_slice %arg10[%dma_start3A_268, %dma_start3A_269] : memref<50048x32xf32, #tpu.memory_space<vmem_shared>> -> memref<50048x32xf32, #tpu.memory_space<vmem_shared>>
      tpu.enqueue_indirect_dma source(%dma_start3A_264 : memref<128x32xf32, #tpu.memory_space<vmem>>) target(%dma_start3A_270 : memref<50048x32xf32, #tpu.memory_space<vmem_shared>>) offsets(%dma_start3A_267 : memref<128xi32, #tpu.memory_space<vmem>>) semaphore(%arg17 : memref<!tpu.dma_semaphore, #tpu.memory_space<semaphore_mem>>) {add = true}
      %dma_start3A_271 = arith.constant 1 : i32
      %dma_start3A_272 = arith.constant 2 : i32
      %dma_start3A_273 = arith.constant 1 : i32
      %dma_start3A_274 = arith.constant 0 : i32
      %dma_start3A_275 = arith.constant 0 : i32
      %dma_start3A_276 = tpu.memref_slice %arg13[%dma_start3A_271, %dma_start3A_272, %dma_start3A_274, %dma_start3A_275] : memref<2x3x128x32xf32, #tpu.memory_space<vmem>> -> memref<1x1x128x32xf32, #tpu.memory_space<vmem>>
      %dma_start3A_277 = tpu.memref_squeeze %dma_start3A_276 : memref<1x1x128x32xf32, #tpu.memory_space<vmem>> -> memref<128x32xf32, #tpu.memory_space<vmem>>
      %dma_start3A_278 = arith.constant 256 : i32
      %dma_start3A_279 = tpu.memref_slice %arg12[%dma_start3A_273, %dma_start3A_278] : memref<2x384xi32, #tpu.memory_space<vmem>> -> memref<1x128xi32, #tpu.memory_space<vmem>>
      %dma_start3A_280 = tpu.memref_squeeze %dma_start3A_279 : memref<1x128xi32, #tpu.memory_space<vmem>> -> memref<128xi32, #tpu.memory_space<vmem>>
      %dma_start3A_281 = arith.constant 0 : i32
      %dma_start3A_282 = arith.constant 0 : i32
      %dma_start3A_283 = tpu.memref_slice %arg10[%dma_start3A_281, %dma_start3A_282] : memref<50048x32xf32, #tpu.memory_space<vmem_shared>> -> memref<50048x32xf32, #tpu.memory_space<vmem_shared>>
      tpu.enqueue_indirect_dma source(%dma_start3A_277 : memref<128x32xf32, #tpu.memory_space<vmem>>) target(%dma_start3A_283 : memref<50048x32xf32, #tpu.memory_space<vmem_shared>>) offsets(%dma_start3A_280 : memref<128xi32, #tpu.memory_space<vmem>>) semaphore(%arg17 : memref<!tpu.dma_semaphore, #tpu.memory_space<semaphore_mem>>) {add = true}
      %dma_wait3A_284 = arith.constant 0 : i32
      %dma_wait3A_285 = arith.constant 0 : i32
      %dma_wait3A_286 = arith.constant 0 : i32
      %dma_wait3A_287 = arith.constant 0 : i32
      %dma_wait3A_288 = arith.constant 0 : i32
      %dma_wait3A_289 = tpu.memref_slice %arg13[%dma_wait3A_284, %dma_wait3A_285, %dma_wait3A_287, %dma_wait3A_288] : memref<2x3x128x32xf32, #tpu.memory_space<vmem>> -> memref<1x1x128x32xf32, #tpu.memory_space<vmem>>
      %dma_wait3A_290 = tpu.memref_squeeze %dma_wait3A_289 : memref<1x1x128x32xf32, #tpu.memory_space<vmem>> -> memref<128x32xf32, #tpu.memory_space<vmem>>
      %dma_wait3A_291 = arith.constant 0 : i32
      %dma_wait3A_292 = tpu.memref_slice %arg12[%dma_wait3A_286, %dma_wait3A_291] : memref<2x384xi32, #tpu.memory_space<vmem>> -> memref<1x128xi32, #tpu.memory_space<vmem>>
      %dma_wait3A_293 = tpu.memref_squeeze %dma_wait3A_292 : memref<1x128xi32, #tpu.memory_space<vmem>> -> memref<128xi32, #tpu.memory_space<vmem>>
      %dma_wait3A_294 = arith.constant 0 : i32
      %dma_wait3A_295 = arith.constant 0 : i32
      %dma_wait3A_296 = tpu.memref_slice %arg10[%dma_wait3A_294, %dma_wait3A_295] : memref<50048x32xf32, #tpu.memory_space<vmem_shared>> -> memref<50048x32xf32, #tpu.memory_space<vmem_shared>>
      tpu.wait_indirect_dma semaphore(%arg16 : memref<!tpu.dma_semaphore, #tpu.memory_space<semaphore_mem>>) src(%dma_wait3A_290 : memref<128x32xf32, #tpu.memory_space<vmem>>) dst(%dma_wait3A_296 : memref<50048x32xf32, #tpu.memory_space<vmem_shared>>)
      %dma_wait3A_297 = arith.constant 0 : i32
      %dma_wait3A_298 = arith.constant 1 : i32
      %dma_wait3A_299 = arith.constant 0 : i32
      %dma_wait3A_300 = arith.constant 0 : i32
      %dma_wait3A_301 = arith.constant 0 : i32
      %dma_wait3A_302 = tpu.memref_slice %arg13[%dma_wait3A_297, %dma_wait3A_298, %dma_wait3A_300, %dma_wait3A_301] : memref<2x3x128x32xf32, #tpu.memory_space<vmem>> -> memref<1x1x128x32xf32, #tpu.memory_space<vmem>>
      %dma_wait3A_303 = tpu.memref_squeeze %dma_wait3A_302 : memref<1x1x128x32xf32, #tpu.memory_space<vmem>> -> memref<128x32xf32, #tpu.memory_space<vmem>>
      %dma_wait3A_304 = arith.constant 128 : i32
      %dma_wait3A_305 = tpu.memref_slice %arg12[%dma_wait3A_299, %dma_wait3A_304] : memref<2x384xi32, #tpu.memory_space<vmem>> -> memref<1x128xi32, #tpu.memory_space<vmem>>
      %dma_wait3A_306 = tpu.memref_squeeze %dma_wait3A_305 : memref<1x128xi32, #tpu.memory_space<vmem>> -> memref<128xi32, #tpu.memory_space<vmem>>
      %dma_wait3A_307 = arith.constant 0 : i32
      %dma_wait3A_308 = arith.constant 0 : i32
      %dma_wait3A_309 = tpu.memref_slice %arg10[%dma_wait3A_307, %dma_wait3A_308] : memref<50048x32xf32, #tpu.memory_space<vmem_shared>> -> memref<50048x32xf32, #tpu.memory_space<vmem_shared>>
      tpu.wait_indirect_dma semaphore(%arg16 : memref<!tpu.dma_semaphore, #tpu.memory_space<semaphore_mem>>) src(%dma_wait3A_303 : memref<128x32xf32, #tpu.memory_space<vmem>>) dst(%dma_wait3A_309 : memref<50048x32xf32, #tpu.memory_space<vmem_shared>>)
      %dma_wait3A_310 = arith.constant 0 : i32
      %dma_wait3A_311 = arith.constant 2 : i32
      %dma_wait3A_312 = arith.constant 0 : i32
      %dma_wait3A_313 = arith.constant 0 : i32
      %dma_wait3A_314 = arith.constant 0 : i32
      %dma_wait3A_315 = tpu.memref_slice %arg13[%dma_wait3A_310, %dma_wait3A_311, %dma_wait3A_313, %dma_wait3A_314] : memref<2x3x128x32xf32, #tpu.memory_space<vmem>> -> memref<1x1x128x32xf32, #tpu.memory_space<vmem>>
      %dma_wait3A_316 = tpu.memref_squeeze %dma_wait3A_315 : memref<1x1x128x32xf32, #tpu.memory_space<vmem>> -> memref<128x32xf32, #tpu.memory_space<vmem>>
      %dma_wait3A_317 = arith.constant 256 : i32
      %dma_wait3A_318 = tpu.memref_slice %arg12[%dma_wait3A_312, %dma_wait3A_317] : memref<2x384xi32, #tpu.memory_space<vmem>> -> memref<1x128xi32, #tpu.memory_space<vmem>>
      %dma_wait3A_319 = tpu.memref_squeeze %dma_wait3A_318 : memref<1x128xi32, #tpu.memory_space<vmem>> -> memref<128xi32, #tpu.memory_space<vmem>>
      %dma_wait3A_320 = arith.constant 0 : i32
      %dma_wait3A_321 = arith.constant 0 : i32
      %dma_wait3A_322 = tpu.memref_slice %arg10[%dma_wait3A_320, %dma_wait3A_321] : memref<50048x32xf32, #tpu.memory_space<vmem_shared>> -> memref<50048x32xf32, #tpu.memory_space<vmem_shared>>
      tpu.wait_indirect_dma semaphore(%arg16 : memref<!tpu.dma_semaphore, #tpu.memory_space<semaphore_mem>>) src(%dma_wait3A_316 : memref<128x32xf32, #tpu.memory_space<vmem>>) dst(%dma_wait3A_322 : memref<50048x32xf32, #tpu.memory_space<vmem_shared>>)
      %dma_wait3A_323 = arith.constant 1 : i32
      %dma_wait3A_324 = arith.constant 0 : i32
      %dma_wait3A_325 = arith.constant 1 : i32
      %dma_wait3A_326 = arith.constant 0 : i32
      %dma_wait3A_327 = arith.constant 0 : i32
      %dma_wait3A_328 = tpu.memref_slice %arg13[%dma_wait3A_323, %dma_wait3A_324, %dma_wait3A_326, %dma_wait3A_327] : memref<2x3x128x32xf32, #tpu.memory_space<vmem>> -> memref<1x1x128x32xf32, #tpu.memory_space<vmem>>
      %dma_wait3A_329 = tpu.memref_squeeze %dma_wait3A_328 : memref<1x1x128x32xf32, #tpu.memory_space<vmem>> -> memref<128x32xf32, #tpu.memory_space<vmem>>
      %dma_wait3A_330 = arith.constant 0 : i32
      %dma_wait3A_331 = tpu.memref_slice %arg12[%dma_wait3A_325, %dma_wait3A_330] : memref<2x384xi32, #tpu.memory_space<vmem>> -> memref<1x128xi32, #tpu.memory_space<vmem>>
      %dma_wait3A_332 = tpu.memref_squeeze %dma_wait3A_331 : memref<1x128xi32, #tpu.memory_space<vmem>> -> memref<128xi32, #tpu.memory_space<vmem>>
      %dma_wait3A_333 = arith.constant 0 : i32
      %dma_wait3A_334 = arith.constant 0 : i32
      %dma_wait3A_335 = tpu.memref_slice %arg10[%dma_wait3A_333, %dma_wait3A_334] : memref<50048x32xf32, #tpu.memory_space<vmem_shared>> -> memref<50048x32xf32, #tpu.memory_space<vmem_shared>>
      tpu.wait_indirect_dma semaphore(%arg17 : memref<!tpu.dma_semaphore, #tpu.memory_space<semaphore_mem>>) src(%dma_wait3A_329 : memref<128x32xf32, #tpu.memory_space<vmem>>) dst(%dma_wait3A_335 : memref<50048x32xf32, #tpu.memory_space<vmem_shared>>)
      %dma_wait3A_336 = arith.constant 1 : i32
      %dma_wait3A_337 = arith.constant 1 : i32
      %dma_wait3A_338 = arith.constant 1 : i32
      %dma_wait3A_339 = arith.constant 0 : i32
      %dma_wait3A_340 = arith.constant 0 : i32
      %dma_wait3A_341 = tpu.memref_slice %arg13[%dma_wait3A_336, %dma_wait3A_337, %dma_wait3A_339, %dma_wait3A_340] : memref<2x3x128x32xf32, #tpu.memory_space<vmem>> -> memref<1x1x128x32xf32, #tpu.memory_space<vmem>>
      %dma_wait3A_342 = tpu.memref_squeeze %dma_wait3A_341 : memref<1x1x128x32xf32, #tpu.memory_space<vmem>> -> memref<128x32xf32, #tpu.memory_space<vmem>>
      %dma_wait3A_343 = arith.constant 128 : i32
      %dma_wait3A_344 = tpu.memref_slice %arg12[%dma_wait3A_338, %dma_wait3A_343] : memref<2x384xi32, #tpu.memory_space<vmem>> -> memref<1x128xi32, #tpu.memory_space<vmem>>
      %dma_wait3A_345 = tpu.memref_squeeze %dma_wait3A_344 : memref<1x128xi32, #tpu.memory_space<vmem>> -> memref<128xi32, #tpu.memory_space<vmem>>
      %dma_wait3A_346 = arith.constant 0 : i32
      %dma_wait3A_347 = arith.constant 0 : i32
      %dma_wait3A_348 = tpu.memref_slice %arg10[%dma_wait3A_346, %dma_wait3A_347] : memref<50048x32xf32, #tpu.memory_space<vmem_shared>> -> memref<50048x32xf32, #tpu.memory_space<vmem_shared>>
      tpu.wait_indirect_dma semaphore(%arg17 : memref<!tpu.dma_semaphore, #tpu.memory_space<semaphore_mem>>) src(%dma_wait3A_342 : memref<128x32xf32, #tpu.memory_space<vmem>>) dst(%dma_wait3A_348 : memref<50048x32xf32, #tpu.memory_space<vmem_shared>>)
      %dma_wait3A_349 = arith.constant 1 : i32
      %dma_wait3A_350 = arith.constant 2 : i32
      %dma_wait3A_351 = arith.constant 1 : i32
      %dma_wait3A_352 = arith.constant 0 : i32
      %dma_wait3A_353 = arith.constant 0 : i32
      %dma_wait3A_354 = tpu.memref_slice %arg13[%dma_wait3A_349, %dma_wait3A_350, %dma_wait3A_352, %dma_wait3A_353] : memref<2x3x128x32xf32, #tpu.memory_space<vmem>> -> memref<1x1x128x32xf32, #tpu.memory_space<vmem>>
      %dma_wait3A_355 = tpu.memref_squeeze %dma_wait3A_354 : memref<1x1x128x32xf32, #tpu.memory_space<vmem>> -> memref<128x32xf32, #tpu.memory_space<vmem>>
      %dma_wait3A_356 = arith.constant 256 : i32
      %dma_wait3A_357 = tpu.memref_slice %arg12[%dma_wait3A_351, %dma_wait3A_356] : memref<2x384xi32, #tpu.memory_space<vmem>> -> memref<1x128xi32, #tpu.memory_space<vmem>>
      %dma_wait3A_358 = tpu.memref_squeeze %dma_wait3A_357 : memref<1x128xi32, #tpu.memory_space<vmem>> -> memref<128xi32, #tpu.memory_space<vmem>>
      %dma_wait3A_359 = arith.constant 0 : i32
      %dma_wait3A_360 = arith.constant 0 : i32
      %dma_wait3A_361 = tpu.memref_slice %arg10[%dma_wait3A_359, %dma_wait3A_360] : memref<50048x32xf32, #tpu.memory_space<vmem_shared>> -> memref<50048x32xf32, #tpu.memory_space<vmem_shared>>
      tpu.wait_indirect_dma semaphore(%arg17 : memref<!tpu.dma_semaphore, #tpu.memory_space<semaphore_mem>>) src(%dma_wait3A_355 : memref<128x32xf32, #tpu.memory_space<vmem>>) dst(%dma_wait3A_361 : memref<50048x32xf32, #tpu.memory_space<vmem_shared>>)
    } else {
    }
    %barrier3A_18 = arith.constant 0 : index
    tpu.barrier barrier_id(%barrier3A_18)
    %eq3A_19 = arith.constant 0 : i32
    %eq3A_20 = arith.cmpi eq, %arg0, %eq3A_19 : i32
    %convert_element_type3A_21 = arith.extui %eq3A_20 : i1 to i32
    %cond3A_22 = arith.constant 0 : i32
    %cond3A_23 = arith.cmpi ne, %convert_element_type3A_21, %cond3A_22 : i32
    scf.if %cond3A_23 {
      "tpu.region"() ({
        %run_scoped3A = tpu.sem_alloc : memref<!tpu.dma_semaphore, #tpu.memory_space<semaphore_mem>>
        %dma_start3A = arith.constant 0 : i32
        %dma_start3A_29 = tpu.memref_slice %arg8[%mul3A_0, %dma_start3A] : memref<50048x32xf32, #tpu.memory_space<hbm>> -> memref<3128x32xf32, #tpu.memory_space<hbm>>
        %dma_start3A_30 = arith.constant 0 : i32
        %dma_start3A_31 = tpu.memref_slice %arg10[%mul3A_0, %dma_start3A_30] : memref<50048x32xf32, #tpu.memory_space<vmem_shared>> -> memref<3128x32xf32, #tpu.memory_space<vmem_shared>>
        tpu.enqueue_dma source(%dma_start3A_31 : memref<3128x32xf32, #tpu.memory_space<vmem_shared>>) target(%dma_start3A_29 : memref<3128x32xf32, #tpu.memory_space<hbm>>) target_semaphore(%run_scoped3A : memref<!tpu.dma_semaphore, #tpu.memory_space<semaphore_mem>>)
        %dma_wait3A = arith.constant 0 : i32
        %dma_wait3A_32 = tpu.memref_slice %arg8[%mul3A_0, %dma_wait3A] : memref<50048x32xf32, #tpu.memory_space<hbm>> -> memref<3128x32xf32, #tpu.memory_space<hbm>>
        %dma_wait3A_33 = arith.constant 0 : i32
        %dma_wait3A_34 = tpu.memref_slice %arg10[%mul3A_0, %dma_wait3A_33] : memref<50048x32xf32, #tpu.memory_space<vmem_shared>> -> memref<3128x32xf32, #tpu.memory_space<vmem_shared>>
        tpu.wait_dma2 semaphore(%run_scoped3A : memref<!tpu.dma_semaphore, #tpu.memory_space<semaphore_mem>>) src(%dma_wait3A_34 : memref<3128x32xf32, #tpu.memory_space<vmem_shared>>) dst(%dma_wait3A_32 : memref<3128x32xf32, #tpu.memory_space<hbm>>)
        tpu.yield
      }) : () -> ()
    } else {
    }
    %eq3A_24 = arith.constant 1 : i32
    %eq3A_25 = arith.cmpi eq, %arg0, %eq3A_24 : i32
    %convert_element_type3A_26 = arith.extui %eq3A_25 : i1 to i32
    %cond3A_27 = arith.constant 0 : i32
    %cond3A_28 = arith.cmpi ne, %convert_element_type3A_26, %cond3A_27 : i32
    scf.if %cond3A_28 {
      "tpu.region"() ({
        %run_scoped3A = tpu.sem_alloc : memref<!tpu.dma_semaphore, #tpu.memory_space<semaphore_mem>>
        %dma_start3A = arith.constant 0 : i32
        %dma_start3A_29 = tpu.memref_slice %arg9[%mul3A_0, %dma_start3A] : memref<50048x32xf32, #tpu.memory_space<hbm>> -> memref<3128x32xf32, #tpu.memory_space<hbm>>
        %dma_start3A_30 = arith.constant 0 : i32
        %dma_start3A_31 = tpu.memref_slice %arg10[%mul3A_0, %dma_start3A_30] : memref<50048x32xf32, #tpu.memory_space<vmem_shared>> -> memref<3128x32xf32, #tpu.memory_space<vmem_shared>>
        tpu.enqueue_dma source(%dma_start3A_31 : memref<3128x32xf32, #tpu.memory_space<vmem_shared>>) target(%dma_start3A_29 : memref<3128x32xf32, #tpu.memory_space<hbm>>) target_semaphore(%run_scoped3A : memref<!tpu.dma_semaphore, #tpu.memory_space<semaphore_mem>>)
        %dma_wait3A = arith.constant 0 : i32
        %dma_wait3A_32 = tpu.memref_slice %arg9[%mul3A_0, %dma_wait3A] : memref<50048x32xf32, #tpu.memory_space<hbm>> -> memref<3128x32xf32, #tpu.memory_space<hbm>>
        %dma_wait3A_33 = arith.constant 0 : i32
        %dma_wait3A_34 = tpu.memref_slice %arg10[%mul3A_0, %dma_wait3A_33] : memref<50048x32xf32, #tpu.memory_space<vmem_shared>> -> memref<3128x32xf32, #tpu.memory_space<vmem_shared>>
        tpu.wait_dma2 semaphore(%run_scoped3A : memref<!tpu.dma_semaphore, #tpu.memory_space<semaphore_mem>>) src(%dma_wait3A_34 : memref<3128x32xf32, #tpu.memory_space<vmem_shared>>) dst(%dma_wait3A_32 : memref<3128x32xf32, #tpu.memory_space<hbm>>)
        tpu.yield
      }) : () -> ()
    } else {
    }
    return
  }
}

module attributes {stable_mosaic.version = 14 : i64} {
  func.func @_tc_body(%arg0: i32, %arg1: memref<3128x64xf32, #tpu.memory_space<vmem>>, %arg2: memref<64x64xf32, #tpu.memory_space<vmem>>, %arg3: memref<64x64xf32, #tpu.memory_space<vmem>>, %arg4: memref<1x64xf32, #tpu.memory_space<vmem>>, %arg5: memref<3128x32xf32, #tpu.memory_space<vmem>>, %arg6: memref<3128x32xf32, #tpu.memory_space<vmem>>, %arg7: memref<3128x32xf32, #tpu.memory_space<vmem>>, %arg8: memref<3128x32xf32, #tpu.memory_space<vmem>>) attributes {dimension_semantics = [#tpu.dimension_semantics<arbitrary>], iteration_bounds = array<i64: 16>, scalar_prefetch = 0 : i64, scratch_operands = 0 : i64, tpu.core_type = #tpu.core_type<tc>, window_params = [{transform_indices = @transform_0, window_bounds = array<i64: 3128, 64>}, {pipeline_mode = #tpu.pipeline_mode<synchronous>, transform_indices = @transform_1, window_bounds = array<i64: 64, 64>}, {pipeline_mode = #tpu.pipeline_mode<synchronous>, transform_indices = @transform_2, window_bounds = array<i64: 64, 64>}, {pipeline_mode = #tpu.pipeline_mode<synchronous>, transform_indices = @transform_3, window_bounds = array<i64: 1, 64>}, {transform_indices = @transform_4, window_bounds = array<i64: 3128, 32>}, {transform_indices = @transform_5, window_bounds = array<i64: 3128, 32>}, {transform_indices = @transform_6, window_bounds = array<i64: 3128, 32>}, {transform_indices = @transform_7, window_bounds = array<i64: 3128, 32>}]} {
    %get3A = arith.constant 0 : index
    %get3A_0 = arith.constant 0 : index
    %get3A_1 = vector.load %arg1[%get3A, %get3A_0] : memref<3128x64xf32, #tpu.memory_space<vmem>>, vector<3128x64xf32>
    %get3A_2 = arith.constant 0 : index
    %get3A_3 = arith.constant 0 : index
    %get3A_4 = vector.load %arg2[%get3A_2, %get3A_3] : memref<64x64xf32, #tpu.memory_space<vmem>>, vector<64x64xf32>
    %dot_general3A = arith.constant dense<0.000000e+00> : vector<3128x64xf32>
    %dot_general3A_5 = tpu.matmul %get3A_1, %get3A_4, %dot_general3A {dimension_numbers = #tpu.dot_dimension_numbers<[1], [0], [0], [1], [0, 0, 1, 1], [], []>, transpose_lhs_hint = false} : vector<3128x64xf32>, vector<64x64xf32>, vector<3128x64xf32> -> vector<3128x64xf32>
    %get3A_6 = arith.constant 0 : index
    %get3A_7 = arith.constant 0 : index
    %get3A_8 = vector.load %arg3[%get3A_6, %get3A_7] : memref<64x64xf32, #tpu.memory_space<vmem>>, vector<64x64xf32>
    %dot_general3A_9 = arith.constant dense<0.000000e+00> : vector<3128x64xf32>
    %dot_general3A_10 = tpu.matmul %get3A_1, %get3A_8, %dot_general3A_9 {dimension_numbers = #tpu.dot_dimension_numbers<[1], [0], [0], [1], [0, 0, 1, 1], [], []>, transpose_lhs_hint = false} : vector<3128x64xf32>, vector<64x64xf32>, vector<3128x64xf32> -> vector<3128x64xf32>
    %get3A_11 = arith.constant 0 : index
    %get3A_12 = arith.constant 0 : index
    %get3A_13 = vector.load %arg4[%get3A_11, %get3A_12] : memref<1x64xf32, #tpu.memory_space<vmem>>, vector<1x64xf32>
    %add3A = vector.broadcast %get3A_13 : vector<1x64xf32> to vector<3128x64xf32>
    %add3A_14 = arith.addf %dot_general3A_10, %add3A : vector<3128x64xf32>
    %slice3A = vector.extract_strided_slice %dot_general3A_5 {offsets = [0, 0], sizes = [3128, 32], strides = [1, 1]} : vector<3128x64xf32> to vector<3128x32xf32>
    %swap3A = arith.constant 0 : index
    %swap3A_15 = arith.constant 0 : index
    %swap3A_16 = vector.load %arg5[%swap3A, %swap3A_15] : memref<3128x32xf32, #tpu.memory_space<vmem>>, vector<3128x32xf32>
    tpu.vector_store %arg5[%swap3A, %swap3A_15], %slice3A {strides = array<i32>} : memref<3128x32xf32, #tpu.memory_space<vmem>>, vector<3128x32xf32>,
    %slice3A_17 = vector.extract_strided_slice %dot_general3A_5 {offsets = [0, 32], sizes = [3128, 32], strides = [1, 1]} : vector<3128x64xf32> to vector<3128x32xf32>
    %swap3A_18 = arith.constant 0 : index
    %swap3A_19 = arith.constant 0 : index
    %swap3A_20 = vector.load %arg6[%swap3A_18, %swap3A_19] : memref<3128x32xf32, #tpu.memory_space<vmem>>, vector<3128x32xf32>
    tpu.vector_store %arg6[%swap3A_18, %swap3A_19], %slice3A_17 {strides = array<i32>} : memref<3128x32xf32, #tpu.memory_space<vmem>>, vector<3128x32xf32>,
    %slice3A_21 = vector.extract_strided_slice %add3A_14 {offsets = [0, 0], sizes = [3128, 32], strides = [1, 1]} : vector<3128x64xf32> to vector<3128x32xf32>
    %swap3A_22 = arith.constant 0 : index
    %swap3A_23 = arith.constant 0 : index
    %swap3A_24 = vector.load %arg7[%swap3A_22, %swap3A_23] : memref<3128x32xf32, #tpu.memory_space<vmem>>, vector<3128x32xf32>
    tpu.vector_store %arg7[%swap3A_22, %swap3A_23], %slice3A_21 {strides = array<i32>} : memref<3128x32xf32, #tpu.memory_space<vmem>>, vector<3128x32xf32>,
    %slice3A_25 = vector.extract_strided_slice %add3A_14 {offsets = [0, 32], sizes = [3128, 32], strides = [1, 1]} : vector<3128x64xf32> to vector<3128x32xf32>
    %swap3A_26 = arith.constant 0 : index
    %swap3A_27 = arith.constant 0 : index
    %swap3A_28 = vector.load %arg8[%swap3A_26, %swap3A_27] : memref<3128x32xf32, #tpu.memory_space<vmem>>, vector<3128x32xf32>
    tpu.vector_store %arg8[%swap3A_26, %swap3A_27], %slice3A_25 {strides = array<i32>} : memref<3128x32xf32, #tpu.memory_space<vmem>>, vector<3128x32xf32>,
    return
  }
  func.func @transform_0(%arg0: i32) -> (i32, i32) {
    %c0_i32 = arith.constant 0 : i32
    %c0_i32_0 = arith.constant 0 : i32
    return %arg0, %c0_i32 : i32, i32
  }
  func.func @transform_1(%arg0: i32) -> (i32, i32) {
    %c0_i32 = arith.constant 0 : i32
    %c0_i32_0 = arith.constant 0 : i32
    %c0_i32_1 = arith.constant 0 : i32
    return %c0_i32, %c0_i32_0 : i32, i32
  }
  func.func @transform_2(%arg0: i32) -> (i32, i32) {
    %c0_i32 = arith.constant 0 : i32
    %c0_i32_0 = arith.constant 0 : i32
    %c0_i32_1 = arith.constant 0 : i32
    return %c0_i32, %c0_i32_0 : i32, i32
  }
  func.func @transform_3(%arg0: i32) -> (i32, i32) {
    %c0_i32 = arith.constant 0 : i32
    %c0_i32_0 = arith.constant 0 : i32
    %c0_i32_1 = arith.constant 0 : i32
    return %c0_i32, %c0_i32_0 : i32, i32
  }
  func.func @transform_4(%arg0: i32) -> (i32, i32) {
    %c0_i32 = arith.constant 0 : i32
    %c0_i32_0 = arith.constant 0 : i32
    return %arg0, %c0_i32 : i32, i32
  }
  func.func @transform_5(%arg0: i32) -> (i32, i32) {
    %c0_i32 = arith.constant 0 : i32
    %c0_i32_0 = arith.constant 0 : i32
    return %arg0, %c0_i32 : i32, i32
  }
  func.func @transform_6(%arg0: i32) -> (i32, i32) {
    %c0_i32 = arith.constant 0 : i32
    %c0_i32_0 = arith.constant 0 : i32
    return %arg0, %c0_i32 : i32, i32
  }
  func.func @transform_7(%arg0: i32) -> (i32, i32) {
    %c0_i32 = arith.constant 0 : i32
    %c0_i32_0 = arith.constant 0 : i32
    return %arg0, %c0_i32 : i32, i32
  }
}

</mosaic_0001>

<sc_bundles>
// kernel: kernel.4.cloned.1.call-start
scs
__scs_entry_jumppad:
0x0: {  	(pc) =	sbr.rel $0x88, $3  }
0x1: {  	(tag) =	ssettag $0x0;
	lr =	simm.s32 $0x1  }
0x2: {  	[smem:$0x3F9C] =	sst lr;
	_ =	strace $0xD0000000  }
0x3: {  	_ = 	snop  }
0x4: {  	_ = 	snop  }
0x5: {  	_ = 	snop  }
0x6: {  	_ = 	snop  }
0x7: {  	_ = 	snop  }
__scs_overlays_trampoline_lowered:
0x8: {  	[smem:$0x3FAB] =	sst s0  }
0x9: {  	[smem:$0x3FAC] =	sst s1  }
0xa: {  	[smem:$0x3FAD] =	sst s2  }
0xb: {  	[smem:$0x3FAE] =	sst s3  }
0xc: {  	[smem:$0x3FAF] =	sst s4  }
0xd: {  	[smem:$0x3FB0] =	sst s5  }
0xe: {  	[smem:$0x3FB1] =	sst s6  }
0xf: {  	[smem:$0x3FB2] =	sst s7  }
0x10: {  	[smem:$0x3FB3] =	sst s8  }
0x11: {  	[smem:$0x3FB4] =	sst s9;
	s0 =	simm.s32 @!p0 $0x0  }
0x12: {  	s1 =	sld [smem:$0x3F9A];
	s0 =	simm.s32 @p0 $0x1  }
0x13: {  	[smem:$0x3FB5] =	sst s0;
	s0 =	simm.s32 @!p1 $0x0  }
0x14: {  	s2 =	sld [smem:$0x3F99];
	s0 =	simm.s32 @p1 $0x1  }
0x15: {  	[smem:$0x3FB6] =	sst s0;
	s0 =	simm.s32 @!p2 $0x0  }
0x16: {  	s3 =	sld [smem:$0x3FDB];
	s0 =	simm.s32 @p2 $0x1  }
0x17: {  	s4 =	simm.s32 $0x1BF5;
	[smem:$0x3FB8] =	sst s0  }
0x18: {  	s0 =	sld [smem:$0x3F9B];
	_ =	swait.ge [sflag:s4], $0x0  }
0x19: {  	s7 =	sld [smem:$0x3F9C]  }
0x1a: {  	s8 =	sadd.s32 $0xFFFFE003, lr  }
0x1b: {  	s9 =	sadd.s32 $0xFFFFFEF7, lr;
	s5 =	simm.s32 $0xFFFFFFFF;
	p2 =	slt.u32 s8, $0xFFFFF086  }
0x1c: {  	p1 =	slt.u32 s9, $0xF7A;
	s5 =	simm.s32 @!p2 $0x0  }
0x1d: {  	s5 =	simm.s32 @p1 $0x1;
	p0 =	seq.s32 s7, s2  }
0x1e: {  	s7 =	smul.u32 @!p0 $0xF7A, s2;
	p2 =	seq.s32 @!p0 s5, $0x0  }
0x1f: {  	s9 =	smul.u32 $0xF7A, s1;
	s8 =	simm.s32 @!p0 $0x1BF5;
	p2 =	por !p2, p0  }
0x20: {  	[sflag:s8] =	ssyncset.s32 @!p0 $0xFFFFF086;
	s6 =	sadd.s32 @!p0 s3, s7;
	s7 =	simm.s32 @!p0 $0x108  }
0x21: {  	s3 =	sadd.s32 s3, s9;
	s6 =	sadd.s32 @!p0 $0x88, s6;
	s7 =	simm.s32 @p2 $0x1082  }
0x22: {  	[simem:s7], [sflag:s8] =	dma.local @!p0 [hbm:s6], $0xF7A  }
0x23: {  	s9 =	sor.u32 $0xD0000000, s2;
	s6 =	simm.s32 $0x108;
	_ =	swait.ge @!p0 [sflag:s8], $0x0  }
0x24: {  	s3 =	sadd.s32 $0x88, s3;
	s6 =	simm.s32 @!p1 $0x1082;
	[sflag:s4] =	ssyncset.s32 $0xFFFFF086  }
0x25: {  	[simem:s6], [sflag:s4] =	dma.local [hbm:s3], $0xF7A  }
0x26: {  	[smem:$0x3F9C] =	sst s1;
	(tag) =	ssettag s2;
	_ =	strace s9  }
0x27: {  	s1 =	sld [smem:$0x3FAC]  }
0x28: {  	s2 =	sld [smem:$0x3FAD]  }
0x29: {  	s4 =	sld [smem:$0x3FAF]  }
0x2a: {  	p0 =	seq.s32 s5, $0x0;
	s5 =	sld [smem:$0x3FB0]  }
0x2b: {  	s6 =	sld [smem:$0x3FB1]  }
0x2c: {  	s7 =	sld [smem:$0x3FB2]  }
0x2d: {  	s3 =	simm.s32 $0x108;
	s8 =	sld [smem:$0x3FB3]  }
0x2e: {  	s3 =	simm.s32 @!p0 $0x1082;
	s9 =	sld [smem:$0x3FB4]  }
0x2f: {  	lr =	sadd.s32 s0, s3;
	s0 =	sld [smem:$0x3FAB]  }
0x30: {  	s3 =	sld [smem:$0x3FAE]  }
0x31: {  	[smem:$0x3FB7] =	sst s10  }
0x32: {  	s10 =	sld [smem:$0x3FB5];
	_ =	sdelay $0x3  }
0x33: {  	p0 =	seq.s32 s10, $0x1;
	s10 =	sld [smem:$0x3FB7];
	_ =	sdelay $0x3  }
0x34: {  	[smem:$0x3FB7] =	sst s10  }
0x35: {  	s10 =	sld [smem:$0x3FB6];
	_ =	sdelay $0x3  }
0x36: {  	p1 =	seq.s32 s10, $0x1;
	s10 =	sld [smem:$0x3FB7];
	_ =	sdelay $0x3  }
0x37: {  	[smem:$0x3FB7] =	sst s10  }
0x38: {  	s10 =	sld [smem:$0x3FB8]  }
0x39: {  	_ = 	snop;
	(pc) =	sbr.ind lr, $3  }
0x3a: {  	_ = 	snop  }
0x3b: {  	_ = 	snop  }
0x3c: {  	p2 =	seq.s32 s10, $0x1;
	s10 =	sld [smem:$0x3FB7]  }
0x3d: {  	_ =	shalt  }
0x3e: {  	_ =	shalt  }
0x3f: {  	_ =	shalt  }
0x40: {  	_ =	shalt  }
0x41: {  	_ =	shalt  }
0x42: {  	_ =	shalt  }
0x43: {  	_ =	shalt  }
0x44: {  	_ =	shalt  }
0x45: {  	_ =	shalt  }
0x46: {  	_ =	shalt  }
0x47: {  	_ =	shalt  }
0x48: {  	_ =	shalt  }
0x49: {  	_ =	shalt  }
0x4a: {  	_ =	shalt  }
0x4b: {  	_ =	shalt  }
0x4c: {  	_ =	shalt  }
0x4d: {  	_ =	shalt  }
0x4e: {  	_ =	shalt  }
0x4f: {  	_ =	shalt  }
0x50: {  	_ =	shalt  }
0x51: {  	_ =	shalt  }
0x52: {  	_ =	shalt  }
0x53: {  	_ =	shalt  }
0x54: {  	_ =	shalt  }
0x55: {  	_ =	shalt  }
0x56: {  	_ =	shalt  }
0x57: {  	_ =	shalt  }
0x58: {  	_ =	shalt  }
0x59: {  	_ =	shalt  }
0x5a: {  	_ =	shalt  }
0x5b: {  	_ =	shalt  }
0x5c: {  	_ =	shalt  }
0x5d: {  	_ =	shalt  }
0x5e: {  	_ =	shalt  }
0x5f: {  	_ =	shalt  }
0x60: {  	_ =	shalt  }
0x61: {  	_ =	shalt  }
0x62: {  	_ =	shalt  }
0x63: {  	_ =	shalt  }
0x64: {  	_ =	shalt  }
0x65: {  	_ =	shalt  }
0x66: {  	_ =	shalt  }
0x67: {  	_ =	shalt  }
0x68: {  	_ =	shalt  }
0x69: {  	_ =	shalt  }
0x6a: {  	_ =	shalt  }
0x6b: {  	_ =	shalt  }
0x6c: {  	_ =	shalt  }
0x6d: {  	_ =	shalt  }
0x6e: {  	_ =	shalt  }
0x6f: {  	_ =	shalt  }
0x70: {  	_ =	shalt  }
0x71: {  	_ =	shalt  }
0x72: {  	_ =	shalt  }
0x73: {  	_ =	shalt  }
0x74: {  	_ =	shalt  }
0x75: {  	_ =	shalt  }
0x76: {  	_ =	shalt  }
0x77: {  	_ =	shalt  }
0x78: {  	_ =	shalt  }
0x79: {  	_ =	shalt  }
0x7a: {  	_ =	shalt  }
0x7b: {  	_ =	shalt  }
0x7c: {  	_ =	shalt  }
0x7d: {  	_ =	shalt  }
0x7e: {  	_ =	shalt  }
0x7f: {  	_ =	shalt  }
0x80: {  	_ =	shalt  }
0x81: {  	_ =	shalt  }
0x82: {  	_ =	shalt  }
0x83: {  	_ =	shalt  }
0x84: {  	_ =	shalt  }
0x85: {  	_ =	shalt  }
0x86: {  	_ =	shalt  }
0x87: {  	_ =	shalt  }
.Lfunc_end0:
.L_simem_size_0:
called_computation_lowered:
.L_overlay_start_0:
0x88: {  	s2 =	sld [smem:$0x3FD9]  }
0x89: {  	s3 =	sld [smem:$0x3FFE];
	_ =	sdelay $0x1  }
0x8a: {  	s1 =	srdreg.scid  }
0x8b: {  	s0 =	sand.u32 $0x1, s1  }
0x8c: {  	s17 =	sshll.u32 s0, $0xA;
	s2 =	sadd.s32 s3, s2  }
0x8d: {  	s2 =	sadd.s32 s2, s17  }
0x8e: {  	[smem:$0x3FC3] =	sst s2  }
0x8f: {  	_ = 	snop  }
0x90: {  	s2 =	sld [smem:$0x3FD0];
	(tm) =	ssettm $0x1  }
0x91: {  	s18 =	sld [smem:$0x3FFB];
	_ =	sdelay $0x3  }
0x92: {  	_ =	strace s18  }
0x93: {  	s3 =	sld [smem:$0x3FFC];
	_ =	sdelay $0x3  }
0x94: {  	_ =	strace s3  }
0x95: {  	s3 =	sld [smem:$0x3FFD];
	_ =	sdelay $0x3  }
0x96: {  	_ =	strace s3  }
0x97: {  	_ =	strace $0x8FFFFFFF  }
0x98: {  	s19 =	sld [smem:$0x3FDB];
	_ =	sdelay $0x1  }
0x99: {  	s4 =	simm.s32 $_scs_section_size  }
0x9a: {  	s5 =	simm.s32 $_size__tile_overlayer_lowered;
	s6 =	simm.s32 $_tile_overlayer_lowered  }
0x9b: {  	s22 =	simm.s32 $0x1BFF;
	s21 =	sshll.u32 s6, $0x1;
	s3 =	sadd.s32 s4, s19  }
0x9c: {  	s7 =	simm.s32 $0x0;
	s20 =	sshll.u32 s5, $0x1;
	s5 =	sadd.s32 s21, s3  }
0x9d: {  	[timem:s7], [sflag:s22] =	dma.local [hbm:s5], s20  }
0x9e: {  	_ =	swait.ge [sflag:s22], s20  }
0x9f: {  	s4 =	ssub.s32 $0x0, s20;
	[sflag:s22] =	ssyncset.done $0x0  }
0xa0: {  	[sflag:s22] =	ssyncadd.s32 s4;
	_ =	sdelay $0x1  }
0xa1: {  	s23 =	simm.s32 $0x1B8B  }
0xa2: {  	_ =	swait.ge [sflag:s23], $0x1  }
0xa3: {  	[sflag:s23] =	ssyncset.done $0x0  }
0xa4: {  	s25 =	simm.s32 $0x1B8E;
	s24 =	sld [smem:$0x3FFE];
	[sflag:s23] =	ssyncadd.s32 $0xFFFFFFFF  }
0xa5: {  	s26 =	simm.s32 $execute0_lowered;
	[smem:$0x3FD2] =	sst s25  }
0xa6: {  	s5 =	sshll.u32 s26, $0x1;
	_ =	strace $0x80000046;
	[dreg:$0x1] =	wrdreg $0xFFFFFFFF  }
0xa7: {  	s28 =	simm.s32 $_size_execute0_lowered;
	s3 =	sadd.s32 s3, s5;
	[dreg:$0x0] =	wrdreg $0x0  }
0xa8: {  	s5 =	sshll.u32 s28, $0x1;
	[dreg:$0x2] =	wrdreg s3  }
0xa9: {  	[dreg:$0x3] =	wrdreg s5  }
0xaa: {  	[dreg:$0x4] =	wrdreg $0xC0  }
0xab: {  	_ =	task [dreg:s7], $0x5FFFF  }
0xac: {  	[dreg:$0x1] =	wrdreg $0xFFFFFFFF  }
0xad: {  	[dreg:$0x0] =	wrdreg $0x60  }
0xae: {  	[dreg:$0x2] =	wrdreg s2  }
0xaf: {  	[dreg:$0x3] =	wrdreg s24  }
0xb0: {  	[dreg:$0x4] =	wrdreg $0x0  }
0xb1: {  	[dreg:$0x5] =	wrdreg $0x9  }
0xb2: {  	_ =	task.clear_ibuf [dreg:s7], $0x6FFFF;
	_ =	strace $0x90000046  }
0xb3: {  	s29 =	simm.s32 $0x9;
	_ =	strace $0x80000048  }
0xb4: {  	_ =	swait.ge [sflag:s29], $0x1  }
0xb5: {  	[sflag:s29] =	ssyncadd.s32 $0xFFFFFFFF  }
0xb6: {  	_ =	strace $0x90000048  }
0xb7: {  	_ =	sfence  }
0xb8: {  	s30 =	sld [smem:$0x0];
	_ =	sdelay $0x2  }
0xb9: {  	s31 =	sshll.u32 s1, $0xD;
	s1 =	sshrl.u32 s1, $0x2  }
0xba: {  	s3 =	sand.u32 $0x4000, s31;
	s1 =	sadd.s32 s1, s30  }
0xbb: {  	s0 =	sor.u32 s3, s0;
	s1 =	sshll.u32 s1, $0x11  }
0xbc: {  	s0 =	sor.u32 s1, s0  }
0xbd: {  	s0 =	sadd.s32 $0x8F2B, s0  }
0xbe: {  	[sflag:s0] =	ssyncadd.remote.s32 $0x1  }
0xbf: {  	_ =	sfence.sel $0xFFFF  }
0xc0: {  	[dreg:$0x0] =	wrdreg $0xFFFFFFFF;
	(pc) =	sbr.abs _section_cstart, $3  }
0xc1: {  	[dreg:$0x1] =	wrdreg $0xFFFFFFFF  }
0xc2: {  	_ =	task.clear_ibuf [dreg:s7], $0x2FFFF;
	_ =	strace $0x9FFFFFFF  }
0xc3: {  	(tm) =	ssettm $0x7FFFFFFF  }
tec
execute0_lowered:
.L_overlay_start_1:
0x0: {  	(tag) =	ssettag $0x1  }
0x1: {  	s1 =	rddreg [dreg:$0x0]  }
0x2: {  	s0 =	rddreg [dreg:$0x1]  }
0x3: {  	s3 =	rddreg [dreg:$0x2]  }
0x4: {  	s4 =	simm.s32 $0x0;
	s13 =	stileid.u32;
	s6 =	srdreg.scid  }
0x5: {  	s19 =	simm.s32 $0x5;
	s20 =	simm.s32 $0x18700;
	s21 =	simm.s32 $0x18A00  }
0x6: {  	s22 =	simm.s32 $0x80;
	s23 =	simm.s32 $0x18D00;
	s25 =	simm.s32 $0x19D00  }
0x7: {  	s28 =	simm.s32 $0x1AD00;
	s29 =	simm.s32 $0x18880;
	s30 =	simm.s32 $0x18B80  }
0x8: {  	s31 =	simm.s32 $0x1BD00;
	s26 =	simm.s32 $0x18900;
	s24 =	simm.s32 $0x0  }
0x9: {  	[smem:$0x7FF] =	sst s4;
	s2 =	smul.u32 $0x18700, s13;
	s5 =	sadd.s32 $0x65000, s0  }
0xa: {  	s8 =	sadd.s32 $0xAEA00, s0;
	s6 =	sand.u32 $0x1, s6;
	s9 =	sadd.s32 $0x95E00, s0  }
0xb: {  	s10 =	sadd.s32 $0xC7600, s0;
	s12 =	smul.u32 $0x18C0, s13;
	s17 =	sshll.u32 s13, $0x6  }
0xc: {  	s13 =	simm.s32 $0x2;
	_ =	strace $0x80000047;
	[dreg:$0x5] =	wrdreg s10  }
0xd: {  	s11 =	ssub.s32 $0x2, s6;
	p0 =	seq.s32 s6, $0x0;
	[dreg:$0xc] =	wrdreg s17  }
0xe: {  	s6 =	simm.s32 $0x18C00;
	s7 =	sshrl.u32 s2, $0x3;
	s14 =	sshrl.u32 s11, $0x1  }
0xf: {  	s2 =	sadd.s32 s2, s3;
	s10 =	sadd.s32 s8, s12;
	[dreg:$0x4] =	wrdreg s7  }
0x10: {  	s7 =	sadd.s32 s7, s0;
	s0 =	sadd.s32 $0xF8400, s0;
	s18 =	sshrl.u32 s2, $0x3  }
0x11: {  	s2 =	simm.s32 $0x1CD00;
	[dreg:$0x6] =	wrdreg s0;
	s0 =	ssub.s32 s11, s14  }
0x12: {  	s15 =	sadd.s32 $0x3400, s7;
	s11 =	sadd.s32 s9, s12;
	s12 =	sor.u32 $0x30, s12  }
0x13: {  	s7 =	sadd.s32 $0x34200, s7;
	s14 =	smov.u32 s18;
	[dreg:$0xe] =	wrdreg s18  }
0x14: {  	[dreg:$0x7] =	wrdreg s15;
	s8 =	sadd.s32 s8, s12;
	s16 =	sadd.s32 s9, s12  }
.Ltmp0:
0x15: {  	[dreg:$0xa] =	wrdreg s7;
	s0 =	smax.u32 s0, $0x1;
	(pc) =	sbr.rel .LBB2_1-.Ltmp0, $4  }
0x16: {  	s7 =	simm.s32 $0x18800;
	s9 =	simm.s32 $0x1DD00;
	[dreg:$0x8] =	wrdreg s8  }
0x17: {  	s12 =	simm.s32 $0x3;
	s15 =	simm.s32 $0x18C80;
	[dreg:$0x9] =	wrdreg s16  }
0x18: {  	[dreg:$0xb] =	wrdreg s0;
	s0 =	sor.u32 $0x1C05, s17;
	s8 =	simm.s32 $0x1  }
0x19: {  	s16 =	simm.s32 $0x18B00;
	s17 =	simm.s32 $0x4;
	[dreg:$0xd] =	wrdreg s0  }
.LBB2_7:
0x1a: {  	[spmem:s3] =	stream.indirect.scatter.add.f32 [tilespmem:s28], [sflag:$0x3], $0x20, s16, s22, $0xb8;
	[tilespmem:$0x1ED00] =	vst v63  }
0x1b: {  	s14 =	rddreg [dreg:$0x5]  }
0x1c: {  	s7 =	rddreg [dreg:$0xd]  }
0x1d: {  	s18 =	rddreg [dreg:$0xe]  }
0x1e: {  	s24 =	rddreg [dreg:$0xf]  }
.LBB2_8:
0x1f: {  	_ =	swait.ge [sflag:s13], $0x1000  }
0x20: {  	[sflag:s13] =	ssyncset.done $0x0  }
0x21: {  	[sflag:s13] =	ssyncadd.s32 $0xFFFFF000  }
0x22: {  	_ =	swait.ge [sflag:s13], $0x1000  }
0x23: {  	[sflag:s13] =	ssyncset.done $0x0  }
0x24: {  	[sflag:s13] =	ssyncadd.s32 $0xFFFFF000  }
0x25: {  	_ =	swait.ge [sflag:s13], $0x1000  }
0x26: {  	[sflag:s13] =	ssyncset.done $0x0  }
0x27: {  	[sflag:s13] =	ssyncadd.s32 $0xFFFFF000  }
0x28: {  	[spmem:s3] =	stream.indirect.scatter.add.f32 [tilespmem:s31], [sflag:$0x4], $0x20, s30, s22, $0xb8;
	[tilespmem:$0x1ED00] =	vst v63  }
0x29: {  	_ = 	snop  }
0x2a: {  	[spmem:s3] =	stream.indirect.scatter.add.f32 [tilespmem:s2], [sflag:$0x4], $0x20, s6, s22, $0xb8;
	[tilespmem:$0x1ED00] =	vst v63  }
0x2b: {  	_ = 	snop  }
0x2c: {  	[spmem:s3] =	stream.indirect.scatter.add.f32 [tilespmem:s9], [sflag:$0x4], $0x20, s15, s22, $0xb8;
	[tilespmem:$0x1ED00] =	vst v63  }
0x2d: {  	_ =	swait.ge [sflag:s12], $0x1000  }
0x2e: {  	[sflag:s12] =	ssyncset.done $0x0  }
0x2f: {  	[sflag:s12] =	ssyncadd.s32 $0xFFFFF000  }
0x30: {  	_ =	swait.ge [sflag:s12], $0x1000  }
0x31: {  	[sflag:s12] =	ssyncset.done $0x0  }
0x32: {  	[sflag:s12] =	ssyncadd.s32 $0xFFFFF000  }
0x33: {  	_ =	swait.ge [sflag:s12], $0x1000  }
0x34: {  	[sflag:s12] =	ssyncset.done $0x0  }
0x35: {  	[sflag:s12] =	ssyncadd.s32 $0xFFFFF000  }
0x36: {  	_ =	swait.ge [sflag:s17], $0x1000  }
0x37: {  	[sflag:s17] =	ssyncset.done $0x0  }
0x38: {  	[sflag:s17] =	ssyncadd.s32 $0xFFFFF000  }
0x39: {  	_ =	swait.ge [sflag:s17], $0x1000  }
0x3a: {  	[sflag:s17] =	ssyncset.done $0x0  }
0x3b: {  	[sflag:s17] =	ssyncadd.s32 $0xFFFFF000  }
0x3c: {  	_ =	swait.ge [sflag:s17], $0x1000  }
0x3d: {  	[sflag:s17] =	ssyncset.done $0x0  }
0x3e: {  	s0 =	rddreg [dreg:$0x4];
	[sflag:s17] =	ssyncadd.s32 $0xFFFFF000  }
0x3f: {  	s0 =	sadd.s32 s14, s0;
	[bflag:$0x0] =	sbarrier.arrive $0xFFFF  }
0x40: {  	[hbm:s0], [sflag:s7] =	dma.local [spmem:s18], $0x30E0  }
0x41: {  	_ =	swait.ge [sflag:s19], $0x30E0  }
0x42: {  	s24 =	sadd.s32 $0x1, s24;
	s14 =	smov.u32 s18;
	s18 =	rddreg [dreg:$0xb]  }
0x43: {  	p1 =	sne.s32 s24, s18  }
.Ltmp1:
0x44: {  	_ = 	snop;
	(pc) =	sbr.rel @!p1 .LBB2_9-.Ltmp1, $3  }
0x45: {  	_ =	sdelay $0x1  }
0x46: {  	[sflag:s19] =	ssyncset.done $0x0  }
0x47: {  	s7 =	simm.s32 $0x18800;
	[sflag:s19] =	ssyncadd.s32 $0xFFFFCF20  }
.LBB2_1:
.Ltmp2:
0x48: {  	(pc) =	sbr.rel @!p0 .LBB2_2-.Ltmp2, $2  }
0x49: {  	_ =	sdelay $0x2  }
0x4a: {  	[dreg:$0xf] =	wrdreg s24  }
0x4b: {  	s0 =	rddreg [dreg:$0xa]  }
0x4c: {  	s18 =	rddreg [dreg:$0xd]  }
0x4d: {  	[spmem:s14], [sflag:s18] =	dma.local [hbm:s0], $0x30E0  }
0x4e: {  	_ =	swait.ge [sflag:s19], $0x30E0  }
0x4f: {  	[sflag:s19] =	ssyncset.done $0x0  }
0x50: {  	[sflag:s19] =	ssyncadd.s32 $0xFFFFCF20  }
0x51: {  	[bflag:$0x0] =	sbarrier.arrive $0xFFFF  }
0x52: {  	[tilespmem:s20], [sflag:$0x5] =	stream.linear.gather [hbm4b:s10+s4], $0x180, $0x38;
	[tilespmem:$0x1ED00] =	vst v63  }
0x53: {  	_ =	swait.ge [sflag:s19], $0x180  }
0x54: {  	[sflag:s19] =	ssyncset.done $0x0  }
0x55: {  	[sflag:s19] =	ssyncadd.s32 $0xFFFFFE80  }
0x56: {  	[tilespmem:s21], [sflag:$0x5] =	stream.linear.gather [hbm4b:s11+s4], $0x180, $0x38;
	[tilespmem:$0x1ED00] =	vst v63  }
0x57: {  	_ =	swait.ge [sflag:s19], $0x180  }
0x58: {  	[sflag:s19] =	ssyncset.done $0x0  }
0x59: {  	[sflag:s19] =	ssyncadd.s32 $0xFFFFFE80  }
0x5a: {  	[tilespmem:s23], [sflag:$0x1] =	stream.indirect.gather [hbm4b:s1+s22], $0x20, s20, s22, $0xb8;
	[tilespmem:$0x1ED00] =	vst v63  }
0x5b: {  	s24 =	simm.s32 $0x18780  }
0x5c: {  	[tilespmem:s25], [sflag:$0x1] =	stream.indirect.gather [hbm4b:s1+s22], $0x20, s24, s22, $0xb8;
	[tilespmem:$0x1ED00] =	vst v63  }
0x5d: {  	_ = 	snop  }
0x5e: {  	[tilespmem:s28], [sflag:$0x1] =	stream.indirect.gather [hbm4b:s1+s22], $0x20, s7, s22, $0xb8;
	[tilespmem:$0x1ED00] =	vst v63  }
0x5f: {  	s14 =	rddreg [dreg:$0x8]  }
0x60: {  	[tilespmem:s29], [sflag:$0x5] =	stream.linear.gather [hbm4b:s14+s4], $0x180, $0x38;
	[tilespmem:$0x1ED00] =	vst v63  }
0x61: {  	_ =	swait.ge [sflag:s19], $0x180  }
0x62: {  	[sflag:s19] =	ssyncset.done $0x0  }
0x63: {  	s18 =	rddreg [dreg:$0x9];
	[sflag:s19] =	ssyncadd.s32 $0xFFFFFE80  }
0x64: {  	[tilespmem:s30], [sflag:$0x5] =	stream.linear.gather [hbm4b:s18+s4], $0x180, $0x38;
	[tilespmem:$0x1ED00] =	vst v63  }
0x65: {  	_ =	swait.ge [sflag:s19], $0x180  }
0x66: {  	[sflag:s19] =	ssyncset.done $0x0  }
0x67: {  	[sflag:s19] =	ssyncadd.s32 $0xFFFFFE80  }
0x68: {  	[tilespmem:s31], [sflag:$0x2] =	stream.indirect.gather [hbm4b:s1+s22], $0x20, s29, s22, $0xb8;
	[tilespmem:$0x1ED00] =	vst v63  }
0x69: {  	_ = 	snop  }
0x6a: {  	[tilespmem:s2], [sflag:$0x2] =	stream.indirect.gather [hbm4b:s1+s22], $0x20, s26, s22, $0xb8;
	[tilespmem:$0x1ED00] =	vst v63  }
0x6b: {  	s24 =	simm.s32 $0x18980  }
0x6c: {  	[tilespmem:s9], [sflag:$0x2] =	stream.indirect.gather [hbm4b:s1+s22], $0x20, s24, s22, $0xb8;
	[tilespmem:$0x1ED00] =	vst v63  }
0x6d: {  	_ =	swait.ge [sflag:s8], $0x1000  }
0x6e: {  	[sflag:s8] =	ssyncset.done $0x0  }
0x6f: {  	[sflag:s8] =	ssyncadd.s32 $0xFFFFF000  }
0x70: {  	_ =	swait.ge [sflag:s8], $0x1000  }
0x71: {  	[sflag:s8] =	ssyncset.done $0x0  }
0x72: {  	[sflag:s8] =	ssyncadd.s32 $0xFFFFF000  }
0x73: {  	_ =	swait.ge [sflag:s8], $0x1000  }
0x74: {  	[sflag:s8] =	ssyncset.done $0x0  }
0x75: {  	[sflag:s8] =	ssyncadd.s32 $0xFFFFF000  }
0x76: {  	[spmem:s3] =	stream.indirect.scatter.add.f32 [tilespmem:s23], [sflag:$0x3], $0x20, s21, s22, $0xb8;
	[tilespmem:$0x1ED00] =	vst v63  }
0x77: {  	s26 =	simm.s32 $0x18A80  }
0x78: {  	[spmem:s3] =	stream.indirect.scatter.add.f32 [tilespmem:s25], [sflag:$0x3], $0x20, s26, s22, $0xb8;
	[tilespmem:$0x1ED00] =	vst v63  }
0x79: {  	_ = 	snop  }
0x7a: {  	[spmem:s3] =	stream.indirect.scatter.add.f32 [tilespmem:s28], [sflag:$0x3], $0x20, s16, s22, $0xb8;
	[tilespmem:$0x1ED00] =	vst v63  }
0x7b: {  	_ =	swait.ge [sflag:s12], $0x1000  }
0x7c: {  	[sflag:s12] =	ssyncset.done $0x0  }
0x7d: {  	[sflag:s12] =	ssyncadd.s32 $0xFFFFF000  }
0x7e: {  	_ =	swait.ge [sflag:s12], $0x1000  }
0x7f: {  	[sflag:s12] =	ssyncset.done $0x0  }
0x80: {  	[sflag:s12] =	ssyncadd.s32 $0xFFFFF000  }
0x81: {  	_ =	swait.ge [sflag:s12], $0x1000  }
0x82: {  	s18 =	sadd.s32 $0xFFFFE7A0, s10;
	[sflag:s12] =	ssyncset.done $0x0  }
0x83: {  	s24 =	sadd.s32 $0x18C0, s18;
	[sflag:s12] =	ssyncadd.s32 $0xFFFFF000  }
0x84: {  	[tilespmem:s20], [sflag:$0x5] =	stream.linear.gather [hbm4b:s24+s4], $0x180, $0x38;
	[tilespmem:$0x1ED00] =	vst v63  }
0x85: {  	_ =	swait.ge [sflag:s19], $0x180  }
0x86: {  	s24 =	sadd.s32 $0xFFFFE7A0, s11;
	[sflag:s19] =	ssyncset.done $0x0  }
0x87: {  	s0 =	sadd.s32 $0x18C0, s24;
	[sflag:s19] =	ssyncadd.s32 $0xFFFFFE80  }
0x88: {  	[tilespmem:s21], [sflag:$0x5] =	stream.linear.gather [hbm4b:s0+s4], $0x180, $0x38;
	[tilespmem:$0x1ED00] =	vst v63  }
0x89: {  	_ =	swait.ge [sflag:s19], $0x180  }
0x8a: {  	[sflag:s19] =	ssyncset.done $0x0  }
0x8b: {  	[sflag:s19] =	ssyncadd.s32 $0xFFFFFE80  }
0x8c: {  	[tilespmem:s23], [sflag:$0x1] =	stream.indirect.gather [hbm4b:s1+s22], $0x20, s20, s22, $0xb8;
	[tilespmem:$0x1ED00] =	vst v63  }
0x8d: {  	s7 =	simm.s32 $0x18780  }
0x8e: {  	[tilespmem:s25], [sflag:$0x1] =	stream.indirect.gather [hbm4b:s1+s22], $0x20, s7, s22, $0xb8;
	[tilespmem:$0x1ED00] =	vst v63  }
0x8f: {  	s14 =	simm.s32 $0x18800  }
0x90: {  	[tilespmem:s28], [sflag:$0x1] =	stream.indirect.gather [hbm4b:s1+s22], $0x20, s14, s22, $0xb8;
	[tilespmem:$0x1ED00] =	vst v63  }
0x91: {  	_ =	swait.ge [sflag:s13], $0x1000  }
0x92: {  	[sflag:s13] =	ssyncset.done $0x0  }
0x93: {  	[sflag:s13] =	ssyncadd.s32 $0xFFFFF000  }
0x94: {  	_ =	swait.ge [sflag:s13], $0x1000  }
0x95: {  	[sflag:s13] =	ssyncset.done $0x0  }
0x96: {  	[sflag:s13] =	ssyncadd.s32 $0xFFFFF000  }
0x97: {  	_ =	swait.ge [sflag:s13], $0x1000  }
0x98: {  	[sflag:s13] =	ssyncset.done $0x0  }
0x99: {  	[sflag:s13] =	ssyncadd.s32 $0xFFFFF000  }
0x9a: {  	[spmem:s3] =	stream.indirect.scatter.add.f32 [tilespmem:s31], [sflag:$0x4], $0x20, s30, s22, $0xb8;
	[tilespmem:$0x1ED00] =	vst v63  }
0x9b: {  	_ = 	snop  }
0x9c: {  	[spmem:s3] =	stream.indirect.scatter.add.f32 [tilespmem:s2], [sflag:$0x4], $0x20, s6, s22, $0xb8;
	[tilespmem:$0x1ED00] =	vst v63  }
0x9d: {  	_ = 	snop  }
0x9e: {  	[spmem:s3] =	stream.indirect.scatter.add.f32 [tilespmem:s9], [sflag:$0x4], $0x20, s15, s22, $0xb8;
	[tilespmem:$0x1ED00] =	vst v63  }
0x9f: {  	_ =	swait.ge [sflag:s17], $0x1000  }
0xa0: {  	[sflag:s17] =	ssyncset.done $0x0  }
0xa1: {  	[sflag:s17] =	ssyncadd.s32 $0xFFFFF000  }
0xa2: {  	_ =	swait.ge [sflag:s17], $0x1000  }
0xa3: {  	[sflag:s17] =	ssyncset.done $0x0  }
0xa4: {  	[sflag:s17] =	ssyncadd.s32 $0xFFFFF000  }
0xa5: {  	_ =	swait.ge [sflag:s17], $0x1000  }
0xa6: {  	[sflag:s17] =	ssyncset.done $0x0  }
0xa7: {  	s18 =	sadd.s32 $0x18F0, s18;
	[sflag:s17] =	ssyncadd.s32 $0xFFFFF000  }
0xa8: {  	[tilespmem:s29], [sflag:$0x5] =	stream.linear.gather [hbm4b:s18+s4], $0x180, $0x38;
	[tilespmem:$0x1ED00] =	vst v63  }
0xa9: {  	_ =	swait.ge [sflag:s19], $0x180  }
0xaa: {  	[sflag:s19] =	ssyncset.done $0x0  }
0xab: {  	s26 =	sadd.s32 $0x18F0, s24;
	[sflag:s19] =	ssyncadd.s32 $0xFFFFFE80  }
0xac: {  	[tilespmem:s30], [sflag:$0x5] =	stream.linear.gather [hbm4b:s26+s4], $0x180, $0x38;
	[tilespmem:$0x1ED00] =	vst v63  }
0xad: {  	_ =	swait.ge [sflag:s19], $0x180  }
0xae: {  	[sflag:s19] =	ssyncset.done $0x0  }
0xaf: {  	[sflag:s19] =	ssyncadd.s32 $0xFFFFFE80  }
0xb0: {  	[tilespmem:s31], [sflag:$0x2] =	stream.indirect.gather [hbm4b:s1+s22], $0x20, s29, s22, $0xb8;
	[tilespmem:$0x1ED00] =	vst v63  }
0xb1: {  	s0 =	simm.s32 $0x18900  }
0xb2: {  	[tilespmem:s2], [sflag:$0x2] =	stream.indirect.gather [hbm4b:s1+s22], $0x20, s0, s22, $0xb8;
	[tilespmem:$0x1ED00] =	vst v63  }
0xb3: {  	s24 =	simm.s32 $0x18980  }
0xb4: {  	[tilespmem:s9], [sflag:$0x2] =	stream.indirect.gather [hbm4b:s1+s22], $0x20, s24, s22, $0xb8;
	[tilespmem:$0x1ED00] =	vst v63  }
0xb5: {  	_ =	swait.ge [sflag:s8], $0x1000  }
0xb6: {  	[sflag:s8] =	ssyncset.done $0x0  }
0xb7: {  	[sflag:s8] =	ssyncadd.s32 $0xFFFFF000  }
0xb8: {  	_ =	swait.ge [sflag:s8], $0x1000  }
0xb9: {  	[sflag:s8] =	ssyncset.done $0x0  }
0xba: {  	[sflag:s8] =	ssyncadd.s32 $0xFFFFF000  }
0xbb: {  	_ =	swait.ge [sflag:s8], $0x1000  }
0xbc: {  	[sflag:s8] =	ssyncset.done $0x0  }
0xbd: {  	[sflag:s8] =	ssyncadd.s32 $0xFFFFF000  }
0xbe: {  	[spmem:s3] =	stream.indirect.scatter.add.f32 [tilespmem:s23], [sflag:$0x3], $0x20, s21, s22, $0xb8;
	[tilespmem:$0x1ED00] =	vst v63  }
0xbf: {  	s18 =	simm.s32 $0xFFFFE800;
	s26 =	simm.s32 $0x18A80  }
0xc0: {  	[spmem:s3] =	stream.indirect.scatter.add.f32 [tilespmem:s25], [sflag:$0x3], $0x20, s26, s22, $0xb8;
	[tilespmem:$0x1ED00] =	vst v63  }
.LBB2_6:
0xc1: {  	[spmem:s3] =	stream.indirect.scatter.add.f32 [tilespmem:s28], [sflag:$0x3], $0x20, s16, s22, $0xb8;
	[tilespmem:$0x1ED00] =	vst v63  }
0xc2: {  	s26 =	smov.u32 s18  }
0xc3: {  	p1 =	seq.s32 s18, $0xFFFFFFA0;
	s18 =	sadd.s32 $0x60, s18;
	_ =	swait.ge [sflag:s12], $0x1000  }
0xc4: {  	[sflag:s12] =	ssyncset.done $0x0  }
0xc5: {  	[sflag:s12] =	ssyncadd.s32 $0xFFFFF000  }
0xc6: {  	_ =	swait.ge [sflag:s12], $0x1000  }
0xc7: {  	[sflag:s12] =	ssyncset.done $0x0  }
0xc8: {  	[sflag:s12] =	ssyncadd.s32 $0xFFFFF000  }
0xc9: {  	_ =	swait.ge [sflag:s12], $0x1000  }
0xca: {  	s24 =	sadd.s32 s26, s10;
	[sflag:s12] =	ssyncset.done $0x0  }
0xcb: {  	s0 =	sadd.s32 $0x18C0, s24;
	[sflag:s12] =	ssyncadd.s32 $0xFFFFF000  }
0xcc: {  	[tilespmem:s20], [sflag:$0x5] =	stream.linear.gather [hbm4b:s0+s4], $0x180, $0x38;
	[tilespmem:$0x1ED00] =	vst v63  }
0xcd: {  	_ =	swait.ge [sflag:s19], $0x180  }
0xce: {  	s26 =	sadd.s32 s26, s11;
	[sflag:s19] =	ssyncset.done $0x0  }
0xcf: {  	s0 =	sadd.s32 $0x18C0, s26;
	[sflag:s19] =	ssyncadd.s32 $0xFFFFFE80  }
0xd0: {  	[tilespmem:s21], [sflag:$0x5] =	stream.linear.gather [hbm4b:s0+s4], $0x180, $0x38;
	[tilespmem:$0x1ED00] =	vst v63  }
0xd1: {  	_ =	swait.ge [sflag:s19], $0x180  }
0xd2: {  	[sflag:s19] =	ssyncset.done $0x0  }
0xd3: {  	[sflag:s19] =	ssyncadd.s32 $0xFFFFFE80  }
0xd4: {  	[tilespmem:s23], [sflag:$0x1] =	stream.indirect.gather [hbm4b:s1+s22], $0x20, s20, s22, $0xb8;
	[tilespmem:$0x1ED00] =	vst v63  }
0xd5: {  	_ = 	snop  }
0xd6: {  	[tilespmem:s25], [sflag:$0x1] =	stream.indirect.gather [hbm4b:s1+s22], $0x20, s7, s22, $0xb8;
	[tilespmem:$0x1ED00] =	vst v63  }
0xd7: {  	_ = 	snop  }
0xd8: {  	[tilespmem:s28], [sflag:$0x1] =	stream.indirect.gather [hbm4b:s1+s22], $0x20, s14, s22, $0xb8;
	[tilespmem:$0x1ED00] =	vst v63  }
0xd9: {  	_ =	swait.ge [sflag:s13], $0x1000  }
0xda: {  	[sflag:s13] =	ssyncset.done $0x0  }
0xdb: {  	[sflag:s13] =	ssyncadd.s32 $0xFFFFF000  }
0xdc: {  	_ =	swait.ge [sflag:s13], $0x1000  }
0xdd: {  	[sflag:s13] =	ssyncset.done $0x0  }
0xde: {  	[sflag:s13] =	ssyncadd.s32 $0xFFFFF000  }
0xdf: {  	_ =	swait.ge [sflag:s13], $0x1000  }
0xe0: {  	[sflag:s13] =	ssyncset.done $0x0  }
0xe1: {  	[sflag:s13] =	ssyncadd.s32 $0xFFFFF000  }
0xe2: {  	[spmem:s3] =	stream.indirect.scatter.add.f32 [tilespmem:s31], [sflag:$0x4], $0x20, s30, s22, $0xb8;
	[tilespmem:$0x1ED00] =	vst v63  }
0xe3: {  	_ = 	snop  }
0xe4: {  	[spmem:s3] =	stream.indirect.scatter.add.f32 [tilespmem:s2], [sflag:$0x4], $0x20, s6, s22, $0xb8;
	[tilespmem:$0x1ED00] =	vst v63  }
0xe5: {  	_ = 	snop  }
0xe6: {  	[spmem:s3] =	stream.indirect.scatter.add.f32 [tilespmem:s9], [sflag:$0x4], $0x20, s15, s22, $0xb8;
	[tilespmem:$0x1ED00] =	vst v63  }
0xe7: {  	_ =	swait.ge [sflag:s17], $0x1000  }
0xe8: {  	[sflag:s17] =	ssyncset.done $0x0  }
0xe9: {  	[sflag:s17] =	ssyncadd.s32 $0xFFFFF000  }
0xea: {  	_ =	swait.ge [sflag:s17], $0x1000  }
0xeb: {  	[sflag:s17] =	ssyncset.done $0x0  }
0xec: {  	[sflag:s17] =	ssyncadd.s32 $0xFFFFF000  }
0xed: {  	_ =	swait.ge [sflag:s17], $0x1000  }
0xee: {  	[sflag:s17] =	ssyncset.done $0x0  }
0xef: {  	s0 =	sadd.s32 $0x18F0, s24;
	[sflag:s17] =	ssyncadd.s32 $0xFFFFF000  }
0xf0: {  	[tilespmem:s29], [sflag:$0x5] =	stream.linear.gather [hbm4b:s0+s4], $0x180, $0x38;
	[tilespmem:$0x1ED00] =	vst v63  }
0xf1: {  	_ =	swait.ge [sflag:s19], $0x180  }
0xf2: {  	[sflag:s19] =	ssyncset.done $0x0  }
0xf3: {  	s0 =	sadd.s32 $0x18F0, s26;
	s26 =	simm.s32 $0x18900;
	[sflag:s19] =	ssyncadd.s32 $0xFFFFFE80  }
0xf4: {  	[tilespmem:s30], [sflag:$0x5] =	stream.linear.gather [hbm4b:s0+s4], $0x180, $0x38;
	[tilespmem:$0x1ED00] =	vst v63  }
0xf5: {  	s0 =	simm.s32 $0x18980  }
0xf6: {  	_ =	swait.ge [sflag:s19], $0x180  }
0xf7: {  	[sflag:s19] =	ssyncset.done $0x0  }
0xf8: {  	[sflag:s19] =	ssyncadd.s32 $0xFFFFFE80  }
0xf9: {  	[tilespmem:s31], [sflag:$0x2] =	stream.indirect.gather [hbm4b:s1+s22], $0x20, s29, s22, $0xb8;
	[tilespmem:$0x1ED00] =	vst v63  }
0xfa: {  	_ = 	snop  }
0xfb: {  	[tilespmem:s2], [sflag:$0x2] =	stream.indirect.gather [hbm4b:s1+s22], $0x20, s26, s22, $0xb8;
	[tilespmem:$0x1ED00] =	vst v63  }
0xfc: {  	_ = 	snop  }
0xfd: {  	[tilespmem:s9], [sflag:$0x2] =	stream.indirect.gather [hbm4b:s1+s22], $0x20, s0, s22, $0xb8;
	[tilespmem:$0x1ED00] =	vst v63  }
0xfe: {  	s0 =	simm.s32 $0x18A80  }
0xff: {  	_ =	swait.ge [sflag:s8], $0x1000  }
0x100: {  	[sflag:s8] =	ssyncset.done $0x0  }
0x101: {  	[sflag:s8] =	ssyncadd.s32 $0xFFFFF000  }
0x102: {  	_ =	swait.ge [sflag:s8], $0x1000  }
0x103: {  	[sflag:s8] =	ssyncset.done $0x0  }
0x104: {  	[sflag:s8] =	ssyncadd.s32 $0xFFFFF000  }
0x105: {  	_ =	swait.ge [sflag:s8], $0x1000  }
.Ltmp3:
0x106: {  	[sflag:s8] =	ssyncset.done $0x0;
	(pc) =	sbr.rel @!p1 .LBB2_6-.Ltmp3, $4  }
0x107: {  	[sflag:s8] =	ssyncadd.s32 $0xFFFFF000  }
0x108: {  	[spmem:s3] =	stream.indirect.scatter.add.f32 [tilespmem:s23], [sflag:$0x3], $0x20, s21, s22, $0xb8;
	[tilespmem:$0x1ED00] =	vst v63  }
0x109: {  	_ = 	snop  }
0x10a: {  	[spmem:s3] =	stream.indirect.scatter.add.f32 [tilespmem:s25], [sflag:$0x3], $0x20, s0, s22, $0xb8;
	[tilespmem:$0x1ED00] =	vst v63  }
.Ltmp4:
0x10b: {  	_ = 	snop;
	(pc) =	sbr.rel .LBB2_7-.Ltmp4, $1  }
0x10c: {  	_ =	sdelay $0x3  }
.LBB2_2:
0x10d: {  	s0 =	rddreg [dreg:$0xc]  }
0x10e: {  	s7 =	rddreg [dreg:$0x7];
	s18 =	sor.u32 $0x1C05, s0  }
0x10f: {  	[dreg:$0x10] =	wrdreg s18  }
0x110: {  	[spmem:s14], [sflag:s18] =	dma.local [hbm:s7], $0x30E0  }
0x111: {  	_ =	swait.ge [sflag:s19], $0x30E0  }
0x112: {  	[sflag:s19] =	ssyncset.done $0x0  }
0x113: {  	[sflag:s19] =	ssyncadd.s32 $0xFFFFCF20  }
0x114: {  	[bflag:$0x0] =	sbarrier.arrive $0xFFFF  }
0x115: {  	[tilespmem:s20], [sflag:$0x5] =	stream.linear.gather [hbm4b:s10+s4], $0x180, $0x38;
	[tilespmem:$0x1ED00] =	vst v63  }
0x116: {  	_ =	swait.ge [sflag:s19], $0x180  }
0x117: {  	[sflag:s19] =	ssyncset.done $0x0  }
0x118: {  	[sflag:s19] =	ssyncadd.s32 $0xFFFFFE80  }
0x119: {  	[tilespmem:s21], [sflag:$0x5] =	stream.linear.gather [hbm4b:s11+s4], $0x180, $0x38;
	[tilespmem:$0x1ED00] =	vst v63  }
0x11a: {  	_ =	swait.ge [sflag:s19], $0x180  }
0x11b: {  	[sflag:s19] =	ssyncset.done $0x0  }
0x11c: {  	[sflag:s19] =	ssyncadd.s32 $0xFFFFFE80  }
0x11d: {  	[tilespmem:s23], [sflag:$0x1] =	stream.indirect.gather [hbm4b:s5+s22], $0x20, s20, s22, $0xb8;
	[tilespmem:$0x1ED00] =	vst v63  }
0x11e: {  	s14 =	simm.s32 $0x18780  }
0x11f: {  	[tilespmem:s25], [sflag:$0x1] =	stream.indirect.gather [hbm4b:s5+s22], $0x20, s14, s22, $0xb8;
	[tilespmem:$0x1ED00] =	vst v63  }
0x120: {  	s7 =	simm.s32 $0x18800  }
0x121: {  	[tilespmem:s28], [sflag:$0x1] =	stream.indirect.gather [hbm4b:s5+s22], $0x20, s7, s22, $0xb8;
	[tilespmem:$0x1ED00] =	vst v63  }
0x122: {  	s24 =	rddreg [dreg:$0x8]  }
0x123: {  	[tilespmem:s29], [sflag:$0x5] =	stream.linear.gather [hbm4b:s24+s4], $0x180, $0x38;
	[tilespmem:$0x1ED00] =	vst v63  }
0x124: {  	_ =	swait.ge [sflag:s19], $0x180  }
0x125: {  	[sflag:s19] =	ssyncset.done $0x0  }
0x126: {  	s18 =	rddreg [dreg:$0x9];
	[sflag:s19] =	ssyncadd.s32 $0xFFFFFE80  }
0x127: {  	[tilespmem:s30], [sflag:$0x5] =	stream.linear.gather [hbm4b:s18+s4], $0x180, $0x38;
	[tilespmem:$0x1ED00] =	vst v63  }
0x128: {  	_ =	swait.ge [sflag:s19], $0x180  }
0x129: {  	[sflag:s19] =	ssyncset.done $0x0  }
0x12a: {  	[sflag:s19] =	ssyncadd.s32 $0xFFFFFE80  }
0x12b: {  	[tilespmem:s31], [sflag:$0x2] =	stream.indirect.gather [hbm4b:s5+s22], $0x20, s29, s22, $0xb8;
	[tilespmem:$0x1ED00] =	vst v63  }
0x12c: {  	_ = 	snop  }
0x12d: {  	[tilespmem:s2], [sflag:$0x2] =	stream.indirect.gather [hbm4b:s5+s22], $0x20, s26, s22, $0xb8;
	[tilespmem:$0x1ED00] =	vst v63  }
0x12e: {  	s24 =	simm.s32 $0x18980  }
0x12f: {  	[tilespmem:s9], [sflag:$0x2] =	stream.indirect.gather [hbm4b:s5+s22], $0x20, s24, s22, $0xb8;
	[tilespmem:$0x1ED00] =	vst v63  }
0x130: {  	_ =	swait.ge [sflag:s8], $0x1000  }
0x131: {  	[sflag:s8] =	ssyncset.done $0x0  }
0x132: {  	[sflag:s8] =	ssyncadd.s32 $0xFFFFF000  }
0x133: {  	_ =	swait.ge [sflag:s8], $0x1000  }
0x134: {  	[sflag:s8] =	ssyncset.done $0x0  }
0x135: {  	[sflag:s8] =	ssyncadd.s32 $0xFFFFF000  }
0x136: {  	_ =	swait.ge [sflag:s8], $0x1000  }
0x137: {  	[sflag:s8] =	ssyncset.done $0x0  }
0x138: {  	[sflag:s8] =	ssyncadd.s32 $0xFFFFF000  }
0x139: {  	[spmem:s3] =	stream.indirect.scatter.add.f32 [tilespmem:s23], [sflag:$0x3], $0x20, s21, s22, $0xb8;
	[tilespmem:$0x1ED00] =	vst v63  }
0x13a: {  	s18 =	simm.s32 $0x18A80  }
0x13b: {  	[spmem:s3] =	stream.indirect.scatter.add.f32 [tilespmem:s25], [sflag:$0x3], $0x20, s18, s22, $0xb8;
	[tilespmem:$0x1ED00] =	vst v63  }
0x13c: {  	_ = 	snop  }
0x13d: {  	[spmem:s3] =	stream.indirect.scatter.add.f32 [tilespmem:s28], [sflag:$0x3], $0x20, s16, s22, $0xb8;
	[tilespmem:$0x1ED00] =	vst v63  }
0x13e: {  	_ =	swait.ge [sflag:s12], $0x1000  }
0x13f: {  	[sflag:s12] =	ssyncset.done $0x0  }
0x140: {  	[sflag:s12] =	ssyncadd.s32 $0xFFFFF000  }
0x141: {  	_ =	swait.ge [sflag:s12], $0x1000  }
0x142: {  	[sflag:s12] =	ssyncset.done $0x0  }
0x143: {  	[sflag:s12] =	ssyncadd.s32 $0xFFFFF000  }
0x144: {  	_ =	swait.ge [sflag:s12], $0x1000  }
0x145: {  	s0 =	sadd.s32 $0xFFFFE7A0, s10;
	[sflag:s12] =	ssyncset.done $0x0  }
0x146: {  	s24 =	sadd.s32 $0x18C0, s0;
	[sflag:s12] =	ssyncadd.s32 $0xFFFFF000  }
0x147: {  	[tilespmem:s20], [sflag:$0x5] =	stream.linear.gather [hbm4b:s24+s4], $0x180, $0x38;
	[tilespmem:$0x1ED00] =	vst v63  }
0x148: {  	_ =	swait.ge [sflag:s19], $0x180  }
0x149: {  	s18 =	sadd.s32 $0xFFFFE7A0, s11;
	[sflag:s19] =	ssyncset.done $0x0  }
0x14a: {  	s24 =	sadd.s32 $0x18C0, s18;
	[sflag:s19] =	ssyncadd.s32 $0xFFFFFE80  }
0x14b: {  	[tilespmem:s21], [sflag:$0x5] =	stream.linear.gather [hbm4b:s24+s4], $0x180, $0x38;
	[tilespmem:$0x1ED00] =	vst v63  }
0x14c: {  	_ =	swait.ge [sflag:s19], $0x180  }
0x14d: {  	[sflag:s19] =	ssyncset.done $0x0  }
0x14e: {  	[sflag:s19] =	ssyncadd.s32 $0xFFFFFE80  }
0x14f: {  	[tilespmem:s23], [sflag:$0x1] =	stream.indirect.gather [hbm4b:s5+s22], $0x20, s20, s22, $0xb8;
	[tilespmem:$0x1ED00] =	vst v63  }
0x150: {  	_ = 	snop  }
0x151: {  	[tilespmem:s25], [sflag:$0x1] =	stream.indirect.gather [hbm4b:s5+s22], $0x20, s14, s22, $0xb8;
	[tilespmem:$0x1ED00] =	vst v63  }
0x152: {  	_ = 	snop  }
0x153: {  	[tilespmem:s28], [sflag:$0x1] =	stream.indirect.gather [hbm4b:s5+s22], $0x20, s7, s22, $0xb8;
	[tilespmem:$0x1ED00] =	vst v63  }
0x154: {  	_ =	swait.ge [sflag:s13], $0x1000  }
0x155: {  	[sflag:s13] =	ssyncset.done $0x0  }
0x156: {  	[sflag:s13] =	ssyncadd.s32 $0xFFFFF000  }
0x157: {  	_ =	swait.ge [sflag:s13], $0x1000  }
0x158: {  	[sflag:s13] =	ssyncset.done $0x0  }
0x159: {  	[sflag:s13] =	ssyncadd.s32 $0xFFFFF000  }
0x15a: {  	_ =	swait.ge [sflag:s13], $0x1000  }
0x15b: {  	[sflag:s13] =	ssyncset.done $0x0  }
0x15c: {  	[sflag:s13] =	ssyncadd.s32 $0xFFFFF000  }
0x15d: {  	[spmem:s3] =	stream.indirect.scatter.add.f32 [tilespmem:s31], [sflag:$0x4], $0x20, s30, s22, $0xb8;
	[tilespmem:$0x1ED00] =	vst v63  }
0x15e: {  	_ = 	snop  }
0x15f: {  	[spmem:s3] =	stream.indirect.scatter.add.f32 [tilespmem:s2], [sflag:$0x4], $0x20, s6, s22, $0xb8;
	[tilespmem:$0x1ED00] =	vst v63  }
0x160: {  	_ = 	snop  }
0x161: {  	[spmem:s3] =	stream.indirect.scatter.add.f32 [tilespmem:s9], [sflag:$0x4], $0x20, s15, s22, $0xb8;
	[tilespmem:$0x1ED00] =	vst v63  }
0x162: {  	_ =	swait.ge [sflag:s17], $0x1000  }
0x163: {  	[sflag:s17] =	ssyncset.done $0x0  }
0x164: {  	[sflag:s17] =	ssyncadd.s32 $0xFFFFF000  }
0x165: {  	_ =	swait.ge [sflag:s17], $0x1000  }
0x166: {  	[sflag:s17] =	ssyncset.done $0x0  }
0x167: {  	[sflag:s17] =	ssyncadd.s32 $0xFFFFF000  }
0x168: {  	_ =	swait.ge [sflag:s17], $0x1000  }
0x169: {  	[sflag:s17] =	ssyncset.done $0x0  }
0x16a: {  	s0 =	sadd.s32 $0x18F0, s0;
	[sflag:s17] =	ssyncadd.s32 $0xFFFFF000  }
0x16b: {  	[tilespmem:s29], [sflag:$0x5] =	stream.linear.gather [hbm4b:s0+s4], $0x180, $0x38;
	[tilespmem:$0x1ED00] =	vst v63  }
0x16c: {  	_ =	swait.ge [sflag:s19], $0x180  }
0x16d: {  	[sflag:s19] =	ssyncset.done $0x0  }
0x16e: {  	s18 =	sadd.s32 $0x18F0, s18;
	[sflag:s19] =	ssyncadd.s32 $0xFFFFFE80  }
0x16f: {  	[tilespmem:s30], [sflag:$0x5] =	stream.linear.gather [hbm4b:s18+s4], $0x180, $0x38;
	[tilespmem:$0x1ED00] =	vst v63  }
0x170: {  	_ =	swait.ge [sflag:s19], $0x180  }
0x171: {  	[sflag:s19] =	ssyncset.done $0x0  }
0x172: {  	[sflag:s19] =	ssyncadd.s32 $0xFFFFFE80  }
0x173: {  	[tilespmem:s31], [sflag:$0x2] =	stream.indirect.gather [hbm4b:s5+s22], $0x20, s29, s22, $0xb8;
	[tilespmem:$0x1ED00] =	vst v63  }
0x174: {  	_ = 	snop  }
0x175: {  	[tilespmem:s2], [sflag:$0x2] =	stream.indirect.gather [hbm4b:s5+s22], $0x20, s26, s22, $0xb8;
	[tilespmem:$0x1ED00] =	vst v63  }
0x176: {  	s24 =	simm.s32 $0x18980  }
0x177: {  	[tilespmem:s9], [sflag:$0x2] =	stream.indirect.gather [hbm4b:s5+s22], $0x20, s24, s22, $0xb8;
	[tilespmem:$0x1ED00] =	vst v63  }
0x178: {  	_ =	swait.ge [sflag:s8], $0x1000  }
0x179: {  	[sflag:s8] =	ssyncset.done $0x0  }
0x17a: {  	[sflag:s8] =	ssyncadd.s32 $0xFFFFF000  }
0x17b: {  	_ =	swait.ge [sflag:s8], $0x1000  }
0x17c: {  	[sflag:s8] =	ssyncset.done $0x0  }
0x17d: {  	[sflag:s8] =	ssyncadd.s32 $0xFFFFF000  }
0x17e: {  	_ =	swait.ge [sflag:s8], $0x1000  }
0x17f: {  	[sflag:s8] =	ssyncset.done $0x0  }
0x180: {  	s14 =	simm.s32 $0x18800;
	[sflag:s8] =	ssyncadd.s32 $0xFFFFF000  }
0x181: {  	[spmem:s3] =	stream.indirect.scatter.add.f32 [tilespmem:s23], [sflag:$0x3], $0x20, s21, s22, $0xb8;
	[tilespmem:$0x1ED00] =	vst v63  }
0x182: {  	s7 =	simm.s32 $0x18780;
	s18 =	simm.s32 $0xFFFFE800;
	s26 =	simm.s32 $0x18A80  }
0x183: {  	[spmem:s3] =	stream.indirect.scatter.add.f32 [tilespmem:s25], [sflag:$0x3], $0x20, s26, s22, $0xb8;
	[tilespmem:$0x1ED00] =	vst v63  }
.LBB2_3:
0x184: {  	[spmem:s3] =	stream.indirect.scatter.add.f32 [tilespmem:s28], [sflag:$0x3], $0x20, s16, s22, $0xb8;
	[tilespmem:$0x1ED00] =	vst v63  }
0x185: {  	s0 =	smov.u32 s18  }
0x186: {  	p1 =	sne.s32 s18, $0xFFFFFFA0;
	s18 =	sadd.s32 $0x60, s18;
	_ =	swait.ge [sflag:s12], $0x1000  }
0x187: {  	[sflag:s12] =	ssyncset.done $0x0  }
0x188: {  	[sflag:s12] =	ssyncadd.s32 $0xFFFFF000  }
0x189: {  	_ =	swait.ge [sflag:s12], $0x1000  }
0x18a: {  	[sflag:s12] =	ssyncset.done $0x0  }
0x18b: {  	[sflag:s12] =	ssyncadd.s32 $0xFFFFF000  }
0x18c: {  	_ =	swait.ge [sflag:s12], $0x1000  }
0x18d: {  	s24 =	sadd.s32 s0, s10;
	[sflag:s12] =	ssyncset.done $0x0  }
0x18e: {  	s26 =	sadd.s32 $0x18C0, s24;
	[sflag:s12] =	ssyncadd.s32 $0xFFFFF000  }
0x18f: {  	[tilespmem:s20], [sflag:$0x5] =	stream.linear.gather [hbm4b:s26+s4], $0x180, $0x38;
	[tilespmem:$0x1ED00] =	vst v63  }
0x190: {  	_ =	swait.ge [sflag:s19], $0x180  }
0x191: {  	s26 =	sadd.s32 s0, s11;
	[sflag:s19] =	ssyncset.done $0x0  }
0x192: {  	s0 =	sadd.s32 $0x18C0, s26;
	[sflag:s19] =	ssyncadd.s32 $0xFFFFFE80  }
0x193: {  	[tilespmem:s21], [sflag:$0x5] =	stream.linear.gather [hbm4b:s0+s4], $0x180, $0x38;
	[tilespmem:$0x1ED00] =	vst v63  }
0x194: {  	_ =	swait.ge [sflag:s19], $0x180  }
0x195: {  	[sflag:s19] =	ssyncset.done $0x0  }
0x196: {  	[sflag:s19] =	ssyncadd.s32 $0xFFFFFE80  }
0x197: {  	[tilespmem:s23], [sflag:$0x1] =	stream.indirect.gather [hbm4b:s5+s22], $0x20, s20, s22, $0xb8;
	[tilespmem:$0x1ED00] =	vst v63  }
0x198: {  	_ = 	snop  }
0x199: {  	[tilespmem:s25], [sflag:$0x1] =	stream.indirect.gather [hbm4b:s5+s22], $0x20, s7, s22, $0xb8;
	[tilespmem:$0x1ED00] =	vst v63  }
0x19a: {  	_ = 	snop  }
0x19b: {  	[tilespmem:s28], [sflag:$0x1] =	stream.indirect.gather [hbm4b:s5+s22], $0x20, s14, s22, $0xb8;
	[tilespmem:$0x1ED00] =	vst v63  }
0x19c: {  	_ =	swait.ge [sflag:s13], $0x1000  }
0x19d: {  	[sflag:s13] =	ssyncset.done $0x0  }
0x19e: {  	[sflag:s13] =	ssyncadd.s32 $0xFFFFF000  }
0x19f: {  	_ =	swait.ge [sflag:s13], $0x1000  }
0x1a0: {  	[sflag:s13] =	ssyncset.done $0x0  }
0x1a1: {  	[sflag:s13] =	ssyncadd.s32 $0xFFFFF000  }
0x1a2: {  	_ =	swait.ge [sflag:s13], $0x1000  }
0x1a3: {  	[sflag:s13] =	ssyncset.done $0x0  }
0x1a4: {  	[sflag:s13] =	ssyncadd.s32 $0xFFFFF000  }
0x1a5: {  	[spmem:s3] =	stream.indirect.scatter.add.f32 [tilespmem:s31], [sflag:$0x4], $0x20, s30, s22, $0xb8;
	[tilespmem:$0x1ED00] =	vst v63  }
0x1a6: {  	_ = 	snop  }
0x1a7: {  	[spmem:s3] =	stream.indirect.scatter.add.f32 [tilespmem:s2], [sflag:$0x4], $0x20, s6, s22, $0xb8;
	[tilespmem:$0x1ED00] =	vst v63  }
0x1a8: {  	_ = 	snop  }
0x1a9: {  	[spmem:s3] =	stream.indirect.scatter.add.f32 [tilespmem:s9], [sflag:$0x4], $0x20, s15, s22, $0xb8;
	[tilespmem:$0x1ED00] =	vst v63  }
0x1aa: {  	_ =	swait.ge [sflag:s17], $0x1000  }
0x1ab: {  	[sflag:s17] =	ssyncset.done $0x0  }
0x1ac: {  	[sflag:s17] =	ssyncadd.s32 $0xFFFFF000  }
0x1ad: {  	_ =	swait.ge [sflag:s17], $0x1000  }
0x1ae: {  	[sflag:s17] =	ssyncset.done $0x0  }
0x1af: {  	[sflag:s17] =	ssyncadd.s32 $0xFFFFF000  }
0x1b0: {  	_ =	swait.ge [sflag:s17], $0x1000  }
0x1b1: {  	[sflag:s17] =	ssyncset.done $0x0  }
0x1b2: {  	s0 =	sadd.s32 $0x18F0, s24;
	[sflag:s17] =	ssyncadd.s32 $0xFFFFF000  }
0x1b3: {  	[tilespmem:s29], [sflag:$0x5] =	stream.linear.gather [hbm4b:s0+s4], $0x180, $0x38;
	[tilespmem:$0x1ED00] =	vst v63  }
0x1b4: {  	_ =	swait.ge [sflag:s19], $0x180  }
0x1b5: {  	[sflag:s19] =	ssyncset.done $0x0  }
0x1b6: {  	s0 =	sadd.s32 $0x18F0, s26;
	s26 =	simm.s32 $0x18900;
	[sflag:s19] =	ssyncadd.s32 $0xFFFFFE80  }
0x1b7: {  	[tilespmem:s30], [sflag:$0x5] =	stream.linear.gather [hbm4b:s0+s4], $0x180, $0x38;
	[tilespmem:$0x1ED00] =	vst v63  }
0x1b8: {  	s0 =	simm.s32 $0x18980  }
0x1b9: {  	_ =	swait.ge [sflag:s19], $0x180  }
0x1ba: {  	[sflag:s19] =	ssyncset.done $0x0  }
0x1bb: {  	[sflag:s19] =	ssyncadd.s32 $0xFFFFFE80  }
0x1bc: {  	[tilespmem:s31], [sflag:$0x2] =	stream.indirect.gather [hbm4b:s5+s22], $0x20, s29, s22, $0xb8;
	[tilespmem:$0x1ED00] =	vst v63  }
0x1bd: {  	_ = 	snop  }
0x1be: {  	[tilespmem:s2], [sflag:$0x2] =	stream.indirect.gather [hbm4b:s5+s22], $0x20, s26, s22, $0xb8;
	[tilespmem:$0x1ED00] =	vst v63  }
0x1bf: {  	_ = 	snop  }
0x1c0: {  	[tilespmem:s9], [sflag:$0x2] =	stream.indirect.gather [hbm4b:s5+s22], $0x20, s0, s22, $0xb8;
	[tilespmem:$0x1ED00] =	vst v63  }
0x1c1: {  	s0 =	simm.s32 $0x18A80  }
0x1c2: {  	_ =	swait.ge [sflag:s8], $0x1000  }
0x1c3: {  	[sflag:s8] =	ssyncset.done $0x0  }
0x1c4: {  	[sflag:s8] =	ssyncadd.s32 $0xFFFFF000  }
0x1c5: {  	_ =	swait.ge [sflag:s8], $0x1000  }
0x1c6: {  	[sflag:s8] =	ssyncset.done $0x0  }
0x1c7: {  	[sflag:s8] =	ssyncadd.s32 $0xFFFFF000  }
0x1c8: {  	_ =	swait.ge [sflag:s8], $0x1000  }
.Ltmp5:
0x1c9: {  	[sflag:s8] =	ssyncset.done $0x0;
	(pc) =	sbr.rel @p1 .LBB2_3-.Ltmp5, $4  }
0x1ca: {  	[sflag:s8] =	ssyncadd.s32 $0xFFFFF000  }
0x1cb: {  	[spmem:s3] =	stream.indirect.scatter.add.f32 [tilespmem:s23], [sflag:$0x3], $0x20, s21, s22, $0xb8;
	[tilespmem:$0x1ED00] =	vst v63  }
0x1cc: {  	_ = 	snop  }
0x1cd: {  	[spmem:s3] =	stream.indirect.scatter.add.f32 [tilespmem:s25], [sflag:$0x3], $0x20, s0, s22, $0xb8;
	[tilespmem:$0x1ED00] =	vst v63  }
0x1ce: {  	[spmem:s3] =	stream.indirect.scatter.add.f32 [tilespmem:s28], [sflag:$0x3], $0x20, s16, s22, $0xb8;
	[tilespmem:$0x1ED00] =	vst v63  }
.Ltmp6:
0x1cf: {  	_ = 	snop;
	(pc) =	sbr.rel .LBB2_8-.Ltmp6, $4  }
0x1d0: {  	s14 =	rddreg [dreg:$0x6]  }
0x1d1: {  	s18 =	rddreg [dreg:$0xe]  }
0x1d2: {  	s24 =	rddreg [dreg:$0xf]  }
0x1d3: {  	s7 =	rddreg [dreg:$0x10]  }
.LBB2_9:
0x1d4: {  	_ =	sfence.sel $0x180000  }
0x1d5: {  	[bflag:$0x0] =	sbarrier.arrive $0xFFFF  }
0x1d6: {  	_ =	strace $0x90000047  }
0x1d7: {  	s0 =	stileid.u32;
	[bflag:$0x2] =	sbarrier.arrive $0xFFFF  }
0x1d8: {  	p0 =	sne.s32 s0, $0x0;
	s0 =	rddreg [dreg:$0x3]  }
0x1d9: {  	s0 =	sadd.s32 @!p0 $0x100000, s0  }
0x1da: {  	[sflag:s0] =	ssyncadd.tile.s32 @!p0 $0x1;
	_ =	shalt  }
.Lfunc_end2:
_tile_overlayer_lowered:
.L_overlay_start_2:
0x1db: {  	(tag) =	ssettag $0x2  }
0x1dc: {  	s0 =	rddreg [dreg:$0x0];
	s2 =	stileid.u32  }
0x1dd: {  	s1 =	rddreg [dreg:$0x1];
	p0 =	sne.s32 s2, $0x0  }
0x1de: {  	s3 =	rddreg [dreg:$0x2];
	[bflag:$0x3] =	sbarrier.arrive $0xFFFF;
	s2 =	simm.s32 @!p0 $0x1C05  }
0x1df: {  	[timem:s3], [sflag:s2] =	dma.local @!p0 [hbm:s0], s1  }
0x1e0: {  	s0 =	simm.s32 @!p0 $0x5  }
0x1e1: {  	_ =	swait.ge @!p0 [sflag:s0], s1  }
0x1e2: {  	s1 =	ssub.s32 @!p0 $0x0, s1;
	[sflag:s0] =	ssyncset.done @!p0 $0x0  }
0x1e3: {  	[sflag:s0] =	ssyncadd.s32 @!p0 s1  }
0x1e4: {  	[bflag:$0x3] =	sbarrier.arrive $0xFFFF  }
0x1e5: {  	_ =	shalt  }

</sc_bundles>
